<compile_context>
chip_gen: v7x
topology: tpu7x:2x2x1
jax: 0.10.2.dev20260603
libtpu: 0.0.44.dev20260713+nightly
codegen_flags: <defaults>
</compile_context>

<pallas_src>
import jax
import jax.numpy as jnp
from jax import lax
from jax.experimental import pallas as pl
from jax.experimental.pallas import tpu as pltpu
from jax.experimental.pallas import tpu_sc as plsc

N = 10000
D = 128
E = 320000

NC = 2
NS = 16
NW = NC * NS

K = 104
EW = E // NW
CH = EW // K
KT = EW - CH * K
NB = 3
GA = 2
SB = 1
NQ = 6
PF = NQ - SB
assert GA + SB <= NB and NQ % NB == 0 and CH % NQ == 0 and PF >= GA

N_PAD = 10112
RW = N_PAD // NS

_sc_mesh = plsc.VectorSubcoreMesh(
    core_axis_name="c", subcore_axis_name="s", num_cores=NC, num_subcores=NS
)


def _make_sc_agg(with_deg):
    def body(*refs):
        if with_deg:
            (x_hbm, src_hbm, dst_hbm, zrows_hbm, zdeg_hbm, acc_out, deg_out,
             acc_sh, deg_sh, *rest) = refs
        else:
            (x_hbm, src_hbm, dst_hbm, zrows_hbm, acc_out,
             acc_sh, *rest) = refs
        rows = rest[0:NB]
        sidx = rest[NB:NB + NQ]
        didx = rest[NB + NQ:NB + 2 * NQ]
        stail, dtail, rtail = rest[NB + 2 * NQ:NB + 2 * NQ + 3]
        p = NB + 2 * NQ + 3
        if with_deg:
            ones_v, deg_v = rest[p:p + 2]
            p += 2
        sems = rest[p:]
        gsem = sems[0:NB]
        ssem = sems[NB:2 * NB]
        isem = sems[2 * NB:2 * NB + NQ]
        dsem = sems[2 * NB + NQ:] if with_deg else None

        cid = lax.axis_index("c")
        sid = lax.axis_index("s")
        wid = cid * NS + sid

        pltpu.sync_copy(zrows_hbm.at[pl.ds(sid * RW, RW)],
                        acc_sh.at[pl.ds(sid * RW, RW)])
        if with_deg:
            pltpu.sync_copy(zdeg_hbm.at[pl.ds(sid * RW, RW)], deg_v)
            pltpu.sync_copy(deg_v, deg_sh.at[pl.ds(sid * RW, RW)])
            for j in range(128 // 16):
                ones_v[pl.ds(j * 16, 16)] = jnp.ones((16,), jnp.float32)

        def i_start(c, q):
            off = wid * EW + c * K
            pltpu.async_copy(src_hbm.at[pl.ds(off, K)], sidx[q], isem[q])
            pltpu.async_copy(dst_hbm.at[pl.ds(off, K)], didx[q], isem[q])

        def i_wait(c, q):
            off = wid * EW + c * K
            pltpu.make_async_copy(src_hbm.at[pl.ds(off, K)], sidx[q],
                                  isem[q]).wait()
            pltpu.make_async_copy(dst_hbm.at[pl.ds(off, K)], didx[q],
                                  isem[q]).wait()

        def g_start(c, b, q):
            pltpu.async_copy(x_hbm.at[sidx[q]], rows[b], gsem[b])

        def g_wait(c, b, q):
            pltpu.make_async_copy(x_hbm.at[sidx[q]], rows[b], gsem[b]).wait()

        def s_start(c, b, q):
            pltpu.async_copy(rows[b], acc_sh.at[didx[q]], ssem[b], add=True)

        def s_wait(c, b, q):
            pltpu.make_async_copy(rows[b], acc_sh.at[didx[q]], ssem[b]).wait()

        def d_start(c, b, q):
            pltpu.async_copy(ones_v.at[pl.ds(0, K)], deg_sh.at[didx[q]],
                             dsem[b], add=True)

        def d_wait(c, b, q):
            pltpu.make_async_copy(ones_v.at[pl.ds(0, K)], deg_sh.at[didx[q]],
                                  dsem[b]).wait()

        for q in range(PF):
            i_start(q, q)
        plsc.subcore_barrier()
        for g in range(GA):
            i_wait(g, g)
            g_start(g, g % NB, g)

        def step(t, carry):
            for j in range(NQ):
                c = t * NQ + j

                g_wait(c, j % NB, j)
                s_start(c, j % NB, j)
                if with_deg:
                    d_start(c, j % NB, j)

                def retire():
                    s_wait(c - SB, (j - SB) % NB, (j - SB) % NQ)
                    if with_deg:
                        d_wait(c - SB, (j - SB) % NB, (j - SB) % NQ)
                if j >= SB:
                    retire()
                else:
                    pl.when(t > 0)(retire)

                @pl.when(c + PF < CH)
                def _():
                    i_start(c + PF, (j + PF) % NQ)

                @pl.when(c + GA < CH)
                def _():
                    i_wait(c + GA, (j + GA) % NQ)
                    g_start(c + GA, (j + GA) % NB, (j + GA) % NQ)
            return carry

        lax.fori_loop(0, CH // NQ, step, 0)

        toff = wid * EW + CH * K
        pltpu.sync_copy(src_hbm.at[pl.ds(toff, KT)], stail)
        pltpu.sync_copy(dst_hbm.at[pl.ds(toff, KT)], dtail)
        pltpu.async_copy(x_hbm.at[stail], rtail, gsem[0]).wait()
        pltpu.sync_copy(rtail, acc_sh.at[dtail], add=True)
        if with_deg:
            pltpu.sync_copy(ones_v.at[pl.ds(0, KT)], deg_sh.at[dtail],
                            add=True)

        for c in range(CH - SB, CH):
            s_wait(c, c % NB, c % NQ)
            if with_deg:
                d_wait(c, c % NB, c % NQ)

        plsc.subcore_barrier()

        pltpu.sync_copy(acc_sh.at[pl.ds(sid * RW, RW)],
                        acc_out.at[cid, pl.ds(sid * RW, RW)])
        if with_deg:
            pltpu.sync_copy(deg_sh.at[pl.ds(sid * RW, RW)], deg_v)
            pltpu.sync_copy(deg_v,
                            deg_out.at[pl.ds(cid * N_PAD + sid * RW, RW)])

    out_type = [jax.ShapeDtypeStruct((NC, N_PAD, D), jnp.float32)]
    scratch = [pltpu.VMEM_SHARED((N_PAD, D), jnp.float32)]
    if with_deg:
        out_type.append(jax.ShapeDtypeStruct((NC * N_PAD,), jnp.float32))
        scratch.append(pltpu.VMEM_SHARED((N_PAD,), jnp.float32))
    scratch += [pltpu.VMEM((K, D), jnp.float32) for _ in range(NB)]
    scratch += [pltpu.VMEM((K,), jnp.int32) for _ in range(2 * NQ)]
    scratch += [
        pltpu.VMEM((KT,), jnp.int32),
        pltpu.VMEM((KT,), jnp.int32),
        pltpu.VMEM((KT, D), jnp.float32),
    ]
    if with_deg:
        scratch += [
            pltpu.VMEM((128,), jnp.float32),
            pltpu.VMEM((RW,), jnp.float32),
        ]
    nsem = 2 * NB + NQ + (NB if with_deg else 0)
    scratch += [pltpu.SemaphoreType.DMA for _ in range(nsem)]

    return pl.kernel(
        body,
        out_type=out_type,
        mesh=_sc_mesh,
        scratch_types=scratch,
    )


_sc_agg_deg = _make_sc_agg(True)
_sc_agg = _make_sc_agg(False)


_TC_R = 2000


def _tc_self_body(h_ref, ws_ref, b_ref, out_ref):
    out_ref[...] = (jnp.dot(h_ref[...], ws_ref[...],
                            preferred_element_type=jnp.float32)
                    + b_ref[...])


def _tc_self(h, w_self, b):
    return pl.pallas_call(
        _tc_self_body,
        grid=(N // _TC_R,),
        in_specs=[
            pl.BlockSpec((_TC_R, D), lambda i: (i, 0)),
            pl.BlockSpec((D, D), lambda i: (0, 0)),
            pl.BlockSpec((1, D), lambda i: (0, 0)),
        ],
        out_specs=pl.BlockSpec((_TC_R, D), lambda i: (i, 0)),
        out_shape=jax.ShapeDtypeStruct((N, D), jnp.float32),
    )(h, w_self, b)


def _tc_combine_body(acc_ref, deg_ref, self_ref, wn_ref, out_ref):
    p = acc_ref[0] + acc_ref[1]
    d = jnp.maximum(deg_ref[0] + deg_ref[1], 1.0)
    agg = p / d
    y = jnp.dot(agg, wn_ref[...], preferred_element_type=jnp.float32) + self_ref[...]
    out_ref[...] = jnp.maximum(y, 0.0)


def _tc_combine(acc, deg, selfterm, w_neigh):
    return pl.pallas_call(
        _tc_combine_body,
        grid=(N // _TC_R,),
        in_specs=[
            pl.BlockSpec((NC, _TC_R, D), lambda i: (0, i, 0)),
            pl.BlockSpec((NC, _TC_R, 1), lambda i: (0, i, 0)),
            pl.BlockSpec((_TC_R, D), lambda i: (i, 0)),
            pl.BlockSpec((D, D), lambda i: (0, 0)),
        ],
        out_specs=pl.BlockSpec((_TC_R, D), lambda i: (i, 0)),
        out_shape=jax.ShapeDtypeStruct((N, D), jnp.float32),
    )(acc, deg, selfterm, w_neigh)


def kernel(x, edge_index, W_self1, W_neigh1, b1, W_self2, W_neigh2, b2):
    e = edge_index.astype(jnp.int32)
    src = e[0]
    dst = e[1]
    zrows = jnp.zeros((N_PAD, D), jnp.float32)
    zdeg = jnp.zeros((N_PAD,), jnp.float32)
    b1r = b1.reshape(1, D)
    b2r = b2.reshape(1, D)

    acc1, deg = _sc_agg_deg(x, src, dst, zrows, zdeg)
    self1 = _tc_self(x, W_self1, b1r)
    deg3 = deg.reshape(NC, N_PAD, 1)
    h1 = _tc_combine(acc1, deg3, self1, W_neigh1)
    (acc2,) = _sc_agg(h1, src, dst, zrows)
    self2 = _tc_self(h1, W_self2, b2r)
    h2 = _tc_combine(acc2, deg3, self2, W_neigh2)
    return h2

# --- scband reference (transcript-rebuilt; emitter-appended) ---
"""Pipeline reference for scband-hetero-gnn-22196390985764 (READ-ONLY COPY).

The authoritative reference and input builder live on the scoring server;
editing this copy changes nothing except your own understanding.
"""

import jax, jax.numpy as jnp
import numpy as np

N_NODES = 10000
N_EDGES = 320000
D = 128


def setup_inputs(seed: int = 0) -> dict:
    key = jax.random.key(seed)
    k1, k2, k3, k4, k5, k6, k7, k8 = jax.random.split(key, 8)
    x = jax.random.normal(k1, (N_NODES, D), dtype=jnp.float32)
    edge_index = jax.random.randint(k2, (2, N_EDGES), 0, N_NODES, dtype=jnp.int64)
    scale = 1.0 / np.sqrt(D)
    W_self1 = jax.random.normal(k3, (D, D), dtype=jnp.float32) * scale
    W_neigh1 = jax.random.normal(k4, (D, D), dtype=jnp.float32) * scale
    b1 = jnp.zeros((D,), dtype=jnp.float32)
    W_self2 = jax.random.normal(k5, (D, D), dtype=jnp.float32) * scale
    W_neigh2 = jax.random.normal(k6, (D, D), dtype=jnp.float32) * scale
    b2 = jnp.zeros((D,), dtype=jnp.float32)
    return {"x": x, "edge_index": edge_index,
            "W_self1": W_self1, "W_neigh1": W_neigh1, "b1": b1,
            "W_self2": W_self2, "W_neigh2": W_neigh2, "b2": b2}


def _sage_conv(h, src, dst, W_self, W_neigh, b):
    # mean-aggregation SAGEConv over a (homogeneous instance of a) hetero graph
    n = h.shape[0]
    msgs = jnp.take(h, src, axis=0)                      # gather (SparseCore)
    agg = jax.ops.segment_sum(msgs, dst, num_segments=n)  # scatter-add
    ones = jnp.ones((src.shape[0], 1), dtype=h.dtype)
    deg = jax.ops.segment_sum(ones, dst, num_segments=n)
    agg = agg / jnp.maximum(deg, 1.0)
    return agg @ W_neigh + h @ W_self + b


def reference(x, edge_index, W_self1, W_neigh1, b1, W_self2, W_neigh2, b2):
    # HeteroGNN.forward: for conv in self.convs: x = conv(x, edge_index); (norm=None); x = relu(x)
    src = edge_index[0]
    dst = edge_index[1]
    h = _sage_conv(x, src, dst, W_self1, W_neigh1, b1)
    h = jax.nn.relu(h)
    h = _sage_conv(h, src, dst, W_self2, W_neigh2, b2)
    h = jax.nn.relu(h)
    return h

if __name__ == "__main__":
    import jax
    _d = setup_inputs()
    print(jax.jit(kernel)(*tuple(_d.values())))

</pallas_src>

<mosaic_0001>
#map = affine_map<(d0, d1) -> (0, 0)>
#map1 = affine_map<(d0, d1) -> (0)>
#map2 = affine_map<(d0, d1) -> (0, 0, 0)>
module attributes {stable_mosaic.version = 14 : i64} {
  func.func @body(%arg0: i32, %arg1: i32, %arg2: memref<10000x128xf32, #tpu.memory_space<hbm>>, %arg3: memref<320000xi32, #tpu.memory_space<hbm>>, %arg4: memref<320000xi32, #tpu.memory_space<hbm>>, %arg5: memref<10112x128xf32, #tpu.memory_space<hbm>>, %arg6: memref<2x10112x128xf32, #tpu.memory_space<hbm>>, %arg7: memref<10112x128xf32, #tpu.memory_space<vmem_shared>>, %arg8: memref<104x128xf32, #tpu.memory_space<vmem>>, %arg9: memref<104x128xf32, #tpu.memory_space<vmem>>, %arg10: memref<104x128xf32, #tpu.memory_space<vmem>>, %arg11: memref<104xi32, #tpu.memory_space<vmem>>, %arg12: memref<104xi32, #tpu.memory_space<vmem>>, %arg13: memref<104xi32, #tpu.memory_space<vmem>>, %arg14: memref<104xi32, #tpu.memory_space<vmem>>, %arg15: memref<104xi32, #tpu.memory_space<vmem>>, %arg16: memref<104xi32, #tpu.memory_space<vmem>>, %arg17: memref<104xi32, #tpu.memory_space<vmem>>, %arg18: memref<104xi32, #tpu.memory_space<vmem>>, %arg19: memref<104xi32, #tpu.memory_space<vmem>>, %arg20: memref<104xi32, #tpu.memory_space<vmem>>, %arg21: memref<104xi32, #tpu.memory_space<vmem>>, %arg22: memref<104xi32, #tpu.memory_space<vmem>>, %arg23: memref<16xi32, #tpu.memory_space<vmem>>, %arg24: memref<16xi32, #tpu.memory_space<vmem>>, %arg25: memref<16x128xf32, #tpu.memory_space<vmem>>, %arg26: memref<!tpu.dma_semaphore, #tpu.memory_space<semaphore_mem>>, %arg27: memref<!tpu.dma_semaphore, #tpu.memory_space<semaphore_mem>>, %arg28: memref<!tpu.dma_semaphore, #tpu.memory_space<semaphore_mem>>, %arg29: memref<!tpu.dma_semaphore, #tpu.memory_space<semaphore_mem>>, %arg30: memref<!tpu.dma_semaphore, #tpu.memory_space<semaphore_mem>>, %arg31: memref<!tpu.dma_semaphore, #tpu.memory_space<semaphore_mem>>, %arg32: memref<!tpu.dma_semaphore, #tpu.memory_space<semaphore_mem>>, %arg33: memref<!tpu.dma_semaphore, #tpu.memory_space<semaphore_mem>>, %arg34: memref<!tpu.dma_semaphore, #tpu.memory_space<semaphore_mem>>, %arg35: memref<!tpu.dma_semaphore, #tpu.memory_space<semaphore_mem>>, %arg36: memref<!tpu.dma_semaphore, #tpu.memory_space<semaphore_mem>>, %arg37: memref<!tpu.dma_semaphore, #tpu.memory_space<semaphore_mem>>) attributes {dimension_semantics = [#tpu.dimension_semantics<core_parallel>, #tpu.dimension_semantics<subcore_parallel>], iteration_bounds = array<i64: 2, 16>, scalar_prefetch = 0 : i64, scratch_operands = 31 : i64, tpu.core_type = #tpu.core_type<sc_vector_subcore>, window_params = [{transform_indices = #map}, {transform_indices = #map1}, {transform_indices = #map1}, {transform_indices = #map}, {transform_indices = #map2}]} {
    %mul3A = arith.constant 16 : i32
    %mul3A_0 = arith.muli %arg0, %mul3A : i32
    %add3A = arith.addi %mul3A_0, %arg1 : i32
    %mul3A_1 = arith.constant 632 : i32
    %mul3A_2 = arith.muli %arg1, %mul3A_1 : i32
    %mul3A_3 = arith.constant 632 : i32
    %mul3A_4 = arith.muli %arg1, %mul3A_3 : i32
    "tpu.region"() ({
      %run_scoped3A = tpu.sem_alloc : memref<!tpu.dma_semaphore, #tpu.memory_space<semaphore_mem>>
      %dma_start3A_88 = arith.constant 0 : i32
      %dma_start3A_89 = tpu.memref_slice %arg7[%mul3A_4, %dma_start3A_88] : memref<10112x128xf32, #tpu.memory_space<vmem_shared>> -> memref<632x128xf32, #tpu.memory_space<vmem_shared>>
      %dma_start3A_90 = arith.constant 0 : i32
      %dma_start3A_91 = tpu.memref_slice %arg5[%mul3A_2, %dma_start3A_90] : memref<10112x128xf32, #tpu.memory_space<hbm>> -> memref<632x128xf32, #tpu.memory_space<hbm>>
      tpu.enqueue_dma source(%dma_start3A_91 : memref<632x128xf32, #tpu.memory_space<hbm>>) target(%dma_start3A_89 : memref<632x128xf32, #tpu.memory_space<vmem_shared>>) target_semaphore(%run_scoped3A : memref<!tpu.dma_semaphore, #tpu.memory_space<semaphore_mem>>)
      %dma_wait3A_92 = arith.constant 0 : i32
      %dma_wait3A_93 = tpu.memref_slice %arg7[%mul3A_4, %dma_wait3A_92] : memref<10112x128xf32, #tpu.memory_space<vmem_shared>> -> memref<632x128xf32, #tpu.memory_space<vmem_shared>>
      %dma_wait3A_94 = arith.constant 0 : i32
      %dma_wait3A_95 = tpu.memref_slice %arg5[%mul3A_2, %dma_wait3A_94] : memref<10112x128xf32, #tpu.memory_space<hbm>> -> memref<632x128xf32, #tpu.memory_space<hbm>>
      tpu.wait_dma2 semaphore(%run_scoped3A : memref<!tpu.dma_semaphore, #tpu.memory_space<semaphore_mem>>) src(%dma_wait3A_95 : memref<632x128xf32, #tpu.memory_space<hbm>>) dst(%dma_wait3A_93 : memref<632x128xf32, #tpu.memory_space<vmem_shared>>)
      tpu.yield
    }) : () -> ()
    %mul3A_5 = arith.constant 10000 : i32
    %mul3A_6 = arith.muli %add3A, %mul3A_5 : i32
    %add3A_7 = arith.constant 0 : i32
    %add3A_8 = arith.addi %mul3A_6, %add3A_7 : i32
    %dma_start3A = tpu.memref_slice %arg3[%add3A_8] : memref<320000xi32, #tpu.memory_space<hbm>> -> memref<104xi32, #tpu.memory_space<hbm>>
    %dma_start3A_9 = tpu.memref_slice %arg3[%add3A_8] : memref<320000xi32, #tpu.memory_space<hbm>> -> memref<104xi32, #tpu.memory_space<hbm>>
    tpu.enqueue_dma source(%dma_start3A_9 : memref<104xi32, #tpu.memory_space<hbm>>) target(%arg11 : memref<104xi32, #tpu.memory_space<vmem>>) target_semaphore(%arg32 : memref<!tpu.dma_semaphore, #tpu.memory_space<semaphore_mem>>)
    %dma_start3A_10 = tpu.memref_slice %arg4[%add3A_8] : memref<320000xi32, #tpu.memory_space<hbm>> -> memref<104xi32, #tpu.memory_space<hbm>>
    %dma_start3A_11 = tpu.memref_slice %arg4[%add3A_8] : memref<320000xi32, #tpu.memory_space<hbm>> -> memref<104xi32, #tpu.memory_space<hbm>>
    tpu.enqueue_dma source(%dma_start3A_11 : memref<104xi32, #tpu.memory_space<hbm>>) target(%arg17 : memref<104xi32, #tpu.memory_space<vmem>>) target_semaphore(%arg32 : memref<!tpu.dma_semaphore, #tpu.memory_space<semaphore_mem>>)
    %mul3A_12 = arith.constant 10000 : i32
    %mul3A_13 = arith.muli %add3A, %mul3A_12 : i32
    %add3A_14 = arith.constant 104 : i32
    %add3A_15 = arith.addi %mul3A_13, %add3A_14 : i32
    %dma_start3A_16 = tpu.memref_slice %arg3[%add3A_15] : memref<320000xi32, #tpu.memory_space<hbm>> -> memref<104xi32, #tpu.memory_space<hbm>>
    %dma_start3A_17 = tpu.memref_slice %arg3[%add3A_15] : memref<320000xi32, #tpu.memory_space<hbm>> -> memref<104xi32, #tpu.memory_space<hbm>>
    tpu.enqueue_dma source(%dma_start3A_17 : memref<104xi32, #tpu.memory_space<hbm>>) target(%arg12 : memref<104xi32, #tpu.memory_space<vmem>>) target_semaphore(%arg33 : memref<!tpu.dma_semaphore, #tpu.memory_space<semaphore_mem>>)
    %dma_start3A_18 = tpu.memref_slice %arg4[%add3A_15] : memref<320000xi32, #tpu.memory_space<hbm>> -> memref<104xi32, #tpu.memory_space<hbm>>
    %dma_start3A_19 = tpu.memref_slice %arg4[%add3A_15] : memref<320000xi32, #tpu.memory_space<hbm>> -> memref<104xi32, #tpu.memory_space<hbm>>
    tpu.enqueue_dma source(%dma_start3A_19 : memref<104xi32, #tpu.memory_space<hbm>>) target(%arg18 : memref<104xi32, #tpu.memory_space<vmem>>) target_semaphore(%arg33 : memref<!tpu.dma_semaphore, #tpu.memory_space<semaphore_mem>>)
    %mul3A_20 = arith.constant 10000 : i32
    %mul3A_21 = arith.muli %add3A, %mul3A_20 : i32
    %add3A_22 = arith.constant 208 : i32
    %add3A_23 = arith.addi %mul3A_21, %add3A_22 : i32
    %dma_start3A_24 = tpu.memref_slice %arg3[%add3A_23] : memref<320000xi32, #tpu.memory_space<hbm>> -> memref<104xi32, #tpu.memory_space<hbm>>
    %dma_start3A_25 = tpu.memref_slice %arg3[%add3A_23] : memref<320000xi32, #tpu.memory_space<hbm>> -> memref<104xi32, #tpu.memory_space<hbm>>
    tpu.enqueue_dma source(%dma_start3A_25 : memref<104xi32, #tpu.memory_space<hbm>>) target(%arg13 : memref<104xi32, #tpu.memory_space<vmem>>) target_semaphore(%arg34 : memref<!tpu.dma_semaphore, #tpu.memory_space<semaphore_mem>>)
    %dma_start3A_26 = tpu.memref_slice %arg4[%add3A_23] : memref<320000xi32, #tpu.memory_space<hbm>> -> memref<104xi32, #tpu.memory_space<hbm>>
    %dma_start3A_27 = tpu.memref_slice %arg4[%add3A_23] : memref<320000xi32, #tpu.memory_space<hbm>> -> memref<104xi32, #tpu.memory_space<hbm>>
    tpu.enqueue_dma source(%dma_start3A_27 : memref<104xi32, #tpu.memory_space<hbm>>) target(%arg19 : memref<104xi32, #tpu.memory_space<vmem>>) target_semaphore(%arg34 : memref<!tpu.dma_semaphore, #tpu.memory_space<semaphore_mem>>)
    %mul3A_28 = arith.constant 10000 : i32
    %mul3A_29 = arith.muli %add3A, %mul3A_28 : i32
    %add3A_30 = arith.constant 312 : i32
    %add3A_31 = arith.addi %mul3A_29, %add3A_30 : i32
    %dma_start3A_32 = tpu.memref_slice %arg3[%add3A_31] : memref<320000xi32, #tpu.memory_space<hbm>> -> memref<104xi32, #tpu.memory_space<hbm>>
    %dma_start3A_33 = tpu.memref_slice %arg3[%add3A_31] : memref<320000xi32, #tpu.memory_space<hbm>> -> memref<104xi32, #tpu.memory_space<hbm>>
    tpu.enqueue_dma source(%dma_start3A_33 : memref<104xi32, #tpu.memory_space<hbm>>) target(%arg14 : memref<104xi32, #tpu.memory_space<vmem>>) target_semaphore(%arg35 : memref<!tpu.dma_semaphore, #tpu.memory_space<semaphore_mem>>)
    %dma_start3A_34 = tpu.memref_slice %arg4[%add3A_31] : memref<320000xi32, #tpu.memory_space<hbm>> -> memref<104xi32, #tpu.memory_space<hbm>>
    %dma_start3A_35 = tpu.memref_slice %arg4[%add3A_31] : memref<320000xi32, #tpu.memory_space<hbm>> -> memref<104xi32, #tpu.memory_space<hbm>>
    tpu.enqueue_dma source(%dma_start3A_35 : memref<104xi32, #tpu.memory_space<hbm>>) target(%arg20 : memref<104xi32, #tpu.memory_space<vmem>>) target_semaphore(%arg35 : memref<!tpu.dma_semaphore, #tpu.memory_space<semaphore_mem>>)
    %mul3A_36 = arith.constant 10000 : i32
    %mul3A_37 = arith.muli %add3A, %mul3A_36 : i32
    %add3A_38 = arith.constant 416 : i32
    %add3A_39 = arith.addi %mul3A_37, %add3A_38 : i32
    %dma_start3A_40 = tpu.memref_slice %arg3[%add3A_39] : memref<320000xi32, #tpu.memory_space<hbm>> -> memref<104xi32, #tpu.memory_space<hbm>>
    %dma_start3A_41 = tpu.memref_slice %arg3[%add3A_39] : memref<320000xi32, #tpu.memory_space<hbm>> -> memref<104xi32, #tpu.memory_space<hbm>>
    tpu.enqueue_dma source(%dma_start3A_41 : memref<104xi32, #tpu.memory_space<hbm>>) target(%arg15 : memref<104xi32, #tpu.memory_space<vmem>>) target_semaphore(%arg36 : memref<!tpu.dma_semaphore, #tpu.memory_space<semaphore_mem>>)
    %dma_start3A_42 = tpu.memref_slice %arg4[%add3A_39] : memref<320000xi32, #tpu.memory_space<hbm>> -> memref<104xi32, #tpu.memory_space<hbm>>
    %dma_start3A_43 = tpu.memref_slice %arg4[%add3A_39] : memref<320000xi32, #tpu.memory_space<hbm>> -> memref<104xi32, #tpu.memory_space<hbm>>
    tpu.enqueue_dma source(%dma_start3A_43 : memref<104xi32, #tpu.memory_space<hbm>>) target(%arg21 : memref<104xi32, #tpu.memory_space<vmem>>) target_semaphore(%arg36 : memref<!tpu.dma_semaphore, #tpu.memory_space<semaphore_mem>>)
    %barrier3A = arith.constant 0 : index
    tpu.barrier barrier_id(%barrier3A)
    %mul3A_44 = arith.constant 10000 : i32
    %mul3A_45 = arith.muli %add3A, %mul3A_44 : i32
    %add3A_46 = arith.constant 0 : i32
    %add3A_47 = arith.addi %mul3A_45, %add3A_46 : i32
    %dma_wait3A = tpu.memref_slice %arg3[%add3A_47] : memref<320000xi32, #tpu.memory_space<hbm>> -> memref<104xi32, #tpu.memory_space<hbm>>
    %dma_wait3A_48 = tpu.memref_slice %arg3[%add3A_47] : memref<320000xi32, #tpu.memory_space<hbm>> -> memref<104xi32, #tpu.memory_space<hbm>>
    tpu.wait_dma2 semaphore(%arg32 : memref<!tpu.dma_semaphore, #tpu.memory_space<semaphore_mem>>) src(%dma_wait3A_48 : memref<104xi32, #tpu.memory_space<hbm>>) dst(%arg11 : memref<104xi32, #tpu.memory_space<vmem>>)
    %dma_wait3A_49 = tpu.memref_slice %arg4[%add3A_47] : memref<320000xi32, #tpu.memory_space<hbm>> -> memref<104xi32, #tpu.memory_space<hbm>>
    %dma_wait3A_50 = tpu.memref_slice %arg4[%add3A_47] : memref<320000xi32, #tpu.memory_space<hbm>> -> memref<104xi32, #tpu.memory_space<hbm>>
    tpu.wait_dma2 semaphore(%arg32 : memref<!tpu.dma_semaphore, #tpu.memory_space<semaphore_mem>>) src(%dma_wait3A_50 : memref<104xi32, #tpu.memory_space<hbm>>) dst(%arg17 : memref<104xi32, #tpu.memory_space<vmem>>)
    %dma_start3A_51 = arith.constant 0 : i32
    %dma_start3A_52 = arith.constant 0 : i32
    %dma_start3A_53 = tpu.memref_slice %arg2[%dma_start3A_51, %dma_start3A_52] : memref<10000x128xf32, #tpu.memory_space<hbm>> -> memref<10000x128xf32, #tpu.memory_space<hbm>>
    tpu.enqueue_indirect_dma source(%dma_start3A_53 : memref<10000x128xf32, #tpu.memory_space<hbm>>) target(%arg8 : memref<104x128xf32, #tpu.memory_space<vmem>>) offsets(%arg11 : memref<104xi32, #tpu.memory_space<vmem>>) semaphore(%arg26 : memref<!tpu.dma_semaphore, #tpu.memory_space<semaphore_mem>>)
    %mul3A_54 = arith.constant 10000 : i32
    %mul3A_55 = arith.muli %add3A, %mul3A_54 : i32
    %add3A_56 = arith.constant 104 : i32
    %add3A_57 = arith.addi %mul3A_55, %add3A_56 : i32
    %dma_wait3A_58 = tpu.memref_slice %arg3[%add3A_57] : memref<320000xi32, #tpu.memory_space<hbm>> -> memref<104xi32, #tpu.memory_space<hbm>>
    %dma_wait3A_59 = tpu.memref_slice %arg3[%add3A_57] : memref<320000xi32, #tpu.memory_space<hbm>> -> memref<104xi32, #tpu.memory_space<hbm>>
    tpu.wait_dma2 semaphore(%arg33 : memref<!tpu.dma_semaphore, #tpu.memory_space<semaphore_mem>>) src(%dma_wait3A_59 : memref<104xi32, #tpu.memory_space<hbm>>) dst(%arg12 : memref<104xi32, #tpu.memory_space<vmem>>)
    %dma_wait3A_60 = tpu.memref_slice %arg4[%add3A_57] : memref<320000xi32, #tpu.memory_space<hbm>> -> memref<104xi32, #tpu.memory_space<hbm>>
    %dma_wait3A_61 = tpu.memref_slice %arg4[%add3A_57] : memref<320000xi32, #tpu.memory_space<hbm>> -> memref<104xi32, #tpu.memory_space<hbm>>
    tpu.wait_dma2 semaphore(%arg33 : memref<!tpu.dma_semaphore, #tpu.memory_space<semaphore_mem>>) src(%dma_wait3A_61 : memref<104xi32, #tpu.memory_space<hbm>>) dst(%arg18 : memref<104xi32, #tpu.memory_space<vmem>>)
    %dma_start3A_62 = arith.constant 0 : i32
    %dma_start3A_63 = arith.constant 0 : i32
    %dma_start3A_64 = tpu.memref_slice %arg2[%dma_start3A_62, %dma_start3A_63] : memref<10000x128xf32, #tpu.memory_space<hbm>> -> memref<10000x128xf32, #tpu.memory_space<hbm>>
    tpu.enqueue_indirect_dma source(%dma_start3A_64 : memref<10000x128xf32, #tpu.memory_space<hbm>>) target(%arg9 : memref<104x128xf32, #tpu.memory_space<vmem>>) offsets(%arg12 : memref<104xi32, #tpu.memory_space<vmem>>) semaphore(%arg27 : memref<!tpu.dma_semaphore, #tpu.memory_space<semaphore_mem>>)
    %scan3A = arith.constant 0 : i32
    %scan3A_65 = arith.constant 0 : i32
    %scan3A_66 = arith.constant 16 : i32
    %scan3A_67 = arith.addi %scan3A_65, %scan3A_66 : i32
    %scan3A_68 = arith.constant 1 : i32
    scf.for %scan3A_88 = %scan3A_65 to %scan3A_67 step %scan3A_68  : i32 {
      %mul3A_89 = arith.constant 6 : i32
      %mul3A_90 = arith.muli %scan3A_88, %mul3A_89 : i32
      %add3A_91 = arith.constant 0 : i32
      %add3A_92 = arith.addi %mul3A_90, %add3A_91 : i32
      %dma_wait3A_93 = arith.constant 0 : i32
      %dma_wait3A_94 = arith.constant 0 : i32
      %dma_wait3A_95 = tpu.memref_slice %arg2[%dma_wait3A_93, %dma_wait3A_94] : memref<10000x128xf32, #tpu.memory_space<hbm>> -> memref<10000x128xf32, #tpu.memory_space<hbm>>
      tpu.wait_indirect_dma semaphore(%arg26 : memref<!tpu.dma_semaphore, #tpu.memory_space<semaphore_mem>>) src(%dma_wait3A_95 : memref<10000x128xf32, #tpu.memory_space<hbm>>) dst(%arg8 : memref<104x128xf32, #tpu.memory_space<vmem>>)
      %dma_start3A_96 = arith.constant 0 : i32
      %dma_start3A_97 = arith.constant 0 : i32
      %dma_start3A_98 = tpu.memref_slice %arg7[%dma_start3A_96, %dma_start3A_97] : memref<10112x128xf32, #tpu.memory_space<vmem_shared>> -> memref<10112x128xf32, #tpu.memory_space<vmem_shared>>
      tpu.enqueue_indirect_dma source(%arg8 : memref<104x128xf32, #tpu.memory_space<vmem>>) target(%dma_start3A_98 : memref<10112x128xf32, #tpu.memory_space<vmem_shared>>) offsets(%arg17 : memref<104xi32, #tpu.memory_space<vmem>>) semaphore(%arg29 : memref<!tpu.dma_semaphore, #tpu.memory_space<semaphore_mem>>) {add = true}
      %gt3A = arith.constant 0 : i32
      %gt3A_99 = arith.cmpi sgt, %scan3A_88, %gt3A : i32
      %convert_element_type3A = arith.extui %gt3A_99 : i1 to i32
      %cond3A = arith.constant 0 : i32
      %cond3A_100 = arith.cmpi ne, %convert_element_type3A, %cond3A : i32
      scf.if %cond3A_100 {
        %sub3A_258 = arith.constant 1 : i32
        %sub3A_259 = arith.subi %add3A_92, %sub3A_258 : i32
        %dma_wait3A_260 = arith.constant 0 : i32
        %dma_wait3A_261 = arith.constant 0 : i32
        %dma_wait3A_262 = tpu.memref_slice %arg7[%dma_wait3A_260, %dma_wait3A_261] : memref<10112x128xf32, #tpu.memory_space<vmem_shared>> -> memref<10112x128xf32, #tpu.memory_space<vmem_shared>>
        tpu.wait_indirect_dma semaphore(%arg31 : memref<!tpu.dma_semaphore, #tpu.memory_space<semaphore_mem>>) src(%arg10 : memref<104x128xf32, #tpu.memory_space<vmem>>) dst(%dma_wait3A_262 : memref<10112x128xf32, #tpu.memory_space<vmem_shared>>)
      } else {
      }
      %add3A_101 = arith.constant 5 : i32
      %add3A_102 = arith.addi %add3A_92, %add3A_101 : i32
      %lt3A = arith.constant 96 : i32
      %lt3A_103 = arith.cmpi slt, %add3A_102, %lt3A : i32
      %convert_element_type3A_104 = arith.extui %lt3A_103 : i1 to i32
      %cond3A_105 = arith.constant 0 : i32
      %cond3A_106 = arith.cmpi ne, %convert_element_type3A_104, %cond3A_105 : i32
      scf.if %cond3A_106 {
        %add3A_258 = arith.constant 5 : i32
        %add3A_259 = arith.addi %add3A_92, %add3A_258 : i32
        %mul3A_260 = arith.constant 10000 : i32
        %mul3A_261 = arith.muli %add3A, %mul3A_260 : i32
        %mul3A_262 = arith.constant 104 : i32
        %mul3A_263 = arith.muli %add3A_259, %mul3A_262 : i32
        %add3A_264 = arith.addi %mul3A_261, %mul3A_263 : i32
        %dma_start3A_265 = tpu.memref_slice %arg3[%add3A_264] : memref<320000xi32, #tpu.memory_space<hbm>> -> memref<104xi32, #tpu.memory_space<hbm>>
        %dma_start3A_266 = tpu.memref_slice %arg3[%add3A_264] : memref<320000xi32, #tpu.memory_space<hbm>> -> memref<104xi32, #tpu.memory_space<hbm>>
        tpu.enqueue_dma source(%dma_start3A_266 : memref<104xi32, #tpu.memory_space<hbm>>) target(%arg16 : memref<104xi32, #tpu.memory_space<vmem>>) target_semaphore(%arg37 : memref<!tpu.dma_semaphore, #tpu.memory_space<semaphore_mem>>)
        %dma_start3A_267 = tpu.memref_slice %arg4[%add3A_264] : memref<320000xi32, #tpu.memory_space<hbm>> -> memref<104xi32, #tpu.memory_space<hbm>>
        %dma_start3A_268 = tpu.memref_slice %arg4[%add3A_264] : memref<320000xi32, #tpu.memory_space<hbm>> -> memref<104xi32, #tpu.memory_space<hbm>>
        tpu.enqueue_dma source(%dma_start3A_268 : memref<104xi32, #tpu.memory_space<hbm>>) target(%arg22 : memref<104xi32, #tpu.memory_space<vmem>>) target_semaphore(%arg37 : memref<!tpu.dma_semaphore, #tpu.memory_space<semaphore_mem>>)
      } else {
      }
      %add3A_107 = arith.constant 2 : i32
      %add3A_108 = arith.addi %add3A_92, %add3A_107 : i32
      %lt3A_109 = arith.constant 96 : i32
      %lt3A_110 = arith.cmpi slt, %add3A_108, %lt3A_109 : i32
      %convert_element_type3A_111 = arith.extui %lt3A_110 : i1 to i32
      %cond3A_112 = arith.constant 0 : i32
      %cond3A_113 = arith.cmpi ne, %convert_element_type3A_111, %cond3A_112 : i32
      scf.if %cond3A_113 {
        %add3A_258 = arith.constant 2 : i32
        %add3A_259 = arith.addi %add3A_92, %add3A_258 : i32
        %mul3A_260 = arith.constant 10000 : i32
        %mul3A_261 = arith.muli %add3A, %mul3A_260 : i32
        %mul3A_262 = arith.constant 104 : i32
        %mul3A_263 = arith.muli %add3A_259, %mul3A_262 : i32
        %add3A_264 = arith.addi %mul3A_261, %mul3A_263 : i32
        %dma_wait3A_265 = tpu.memref_slice %arg3[%add3A_264] : memref<320000xi32, #tpu.memory_space<hbm>> -> memref<104xi32, #tpu.memory_space<hbm>>
        %dma_wait3A_266 = tpu.memref_slice %arg3[%add3A_264] : memref<320000xi32, #tpu.memory_space<hbm>> -> memref<104xi32, #tpu.memory_space<hbm>>
        tpu.wait_dma2 semaphore(%arg34 : memref<!tpu.dma_semaphore, #tpu.memory_space<semaphore_mem>>) src(%dma_wait3A_266 : memref<104xi32, #tpu.memory_space<hbm>>) dst(%arg13 : memref<104xi32, #tpu.memory_space<vmem>>)
        %dma_wait3A_267 = tpu.memref_slice %arg4[%add3A_264] : memref<320000xi32, #tpu.memory_space<hbm>> -> memref<104xi32, #tpu.memory_space<hbm>>
        %dma_wait3A_268 = tpu.memref_slice %arg4[%add3A_264] : memref<320000xi32, #tpu.memory_space<hbm>> -> memref<104xi32, #tpu.memory_space<hbm>>
        tpu.wait_dma2 semaphore(%arg34 : memref<!tpu.dma_semaphore, #tpu.memory_space<semaphore_mem>>) src(%dma_wait3A_268 : memref<104xi32, #tpu.memory_space<hbm>>) dst(%arg19 : memref<104xi32, #tpu.memory_space<vmem>>)
        %add3A_269 = arith.constant 2 : i32
        %add3A_270 = arith.addi %add3A_92, %add3A_269 : i32
        %dma_start3A_271 = arith.constant 0 : i32
        %dma_start3A_272 = arith.constant 0 : i32
        %dma_start3A_273 = tpu.memref_slice %arg2[%dma_start3A_271, %dma_start3A_272] : memref<10000x128xf32, #tpu.memory_space<hbm>> -> memref<10000x128xf32, #tpu.memory_space<hbm>>
        tpu.enqueue_indirect_dma source(%dma_start3A_273 : memref<10000x128xf32, #tpu.memory_space<hbm>>) target(%arg10 : memref<104x128xf32, #tpu.memory_space<vmem>>) offsets(%arg13 : memref<104xi32, #tpu.memory_space<vmem>>) semaphore(%arg28 : memref<!tpu.dma_semaphore, #tpu.memory_space<semaphore_mem>>)
      } else {
      }
      %mul3A_114 = arith.constant 6 : i32
      %mul3A_115 = arith.muli %scan3A_88, %mul3A_114 : i32
      %add3A_116 = arith.constant 1 : i32
      %add3A_117 = arith.addi %mul3A_115, %add3A_116 : i32
      %dma_wait3A_118 = arith.constant 0 : i32
      %dma_wait3A_119 = arith.constant 0 : i32
      %dma_wait3A_120 = tpu.memref_slice %arg2[%dma_wait3A_118, %dma_wait3A_119] : memref<10000x128xf32, #tpu.memory_space<hbm>> -> memref<10000x128xf32, #tpu.memory_space<hbm>>
      tpu.wait_indirect_dma semaphore(%arg27 : memref<!tpu.dma_semaphore, #tpu.memory_space<semaphore_mem>>) src(%dma_wait3A_120 : memref<10000x128xf32, #tpu.memory_space<hbm>>) dst(%arg9 : memref<104x128xf32, #tpu.memory_space<vmem>>)
      %dma_start3A_121 = arith.constant 0 : i32
      %dma_start3A_122 = arith.constant 0 : i32
      %dma_start3A_123 = tpu.memref_slice %arg7[%dma_start3A_121, %dma_start3A_122] : memref<10112x128xf32, #tpu.memory_space<vmem_shared>> -> memref<10112x128xf32, #tpu.memory_space<vmem_shared>>
      tpu.enqueue_indirect_dma source(%arg9 : memref<104x128xf32, #tpu.memory_space<vmem>>) target(%dma_start3A_123 : memref<10112x128xf32, #tpu.memory_space<vmem_shared>>) offsets(%arg18 : memref<104xi32, #tpu.memory_space<vmem>>) semaphore(%arg30 : memref<!tpu.dma_semaphore, #tpu.memory_space<semaphore_mem>>) {add = true}
      %sub3A = arith.constant 1 : i32
      %sub3A_124 = arith.subi %add3A_117, %sub3A : i32
      %dma_wait3A_125 = arith.constant 0 : i32
      %dma_wait3A_126 = arith.constant 0 : i32
      %dma_wait3A_127 = tpu.memref_slice %arg7[%dma_wait3A_125, %dma_wait3A_126] : memref<10112x128xf32, #tpu.memory_space<vmem_shared>> -> memref<10112x128xf32, #tpu.memory_space<vmem_shared>>
      tpu.wait_indirect_dma semaphore(%arg29 : memref<!tpu.dma_semaphore, #tpu.memory_space<semaphore_mem>>) src(%arg8 : memref<104x128xf32, #tpu.memory_space<vmem>>) dst(%dma_wait3A_127 : memref<10112x128xf32, #tpu.memory_space<vmem_shared>>)
      %add3A_128 = arith.constant 5 : i32
      %add3A_129 = arith.addi %add3A_117, %add3A_128 : i32
      %lt3A_130 = arith.constant 96 : i32
      %lt3A_131 = arith.cmpi slt, %add3A_129, %lt3A_130 : i32
      %convert_element_type3A_132 = arith.extui %lt3A_131 : i1 to i32
      %cond3A_133 = arith.constant 0 : i32
      %cond3A_134 = arith.cmpi ne, %convert_element_type3A_132, %cond3A_133 : i32
      scf.if %cond3A_134 {
        %add3A_258 = arith.constant 5 : i32
        %add3A_259 = arith.addi %add3A_117, %add3A_258 : i32
        %mul3A_260 = arith.constant 10000 : i32
        %mul3A_261 = arith.muli %add3A, %mul3A_260 : i32
        %mul3A_262 = arith.constant 104 : i32
        %mul3A_263 = arith.muli %add3A_259, %mul3A_262 : i32
        %add3A_264 = arith.addi %mul3A_261, %mul3A_263 : i32
        %dma_start3A_265 = tpu.memref_slice %arg3[%add3A_264] : memref<320000xi32, #tpu.memory_space<hbm>> -> memref<104xi32, #tpu.memory_space<hbm>>
        %dma_start3A_266 = tpu.memref_slice %arg3[%add3A_264] : memref<320000xi32, #tpu.memory_space<hbm>> -> memref<104xi32, #tpu.memory_space<hbm>>
        tpu.enqueue_dma source(%dma_start3A_266 : memref<104xi32, #tpu.memory_space<hbm>>) target(%arg11 : memref<104xi32, #tpu.memory_space<vmem>>) target_semaphore(%arg32 : memref<!tpu.dma_semaphore, #tpu.memory_space<semaphore_mem>>)
        %dma_start3A_267 = tpu.memref_slice %arg4[%add3A_264] : memref<320000xi32, #tpu.memory_space<hbm>> -> memref<104xi32, #tpu.memory_space<hbm>>
        %dma_start3A_268 = tpu.memref_slice %arg4[%add3A_264] : memref<320000xi32, #tpu.memory_space<hbm>> -> memref<104xi32, #tpu.memory_space<hbm>>
        tpu.enqueue_dma source(%dma_start3A_268 : memref<104xi32, #tpu.memory_space<hbm>>) target(%arg17 : memref<104xi32, #tpu.memory_space<vmem>>) target_semaphore(%arg32 : memref<!tpu.dma_semaphore, #tpu.memory_space<semaphore_mem>>)
      } else {
      }
      %add3A_135 = arith.constant 2 : i32
      %add3A_136 = arith.addi %add3A_117, %add3A_135 : i32
      %lt3A_137 = arith.constant 96 : i32
      %lt3A_138 = arith.cmpi slt, %add3A_136, %lt3A_137 : i32
      %convert_element_type3A_139 = arith.extui %lt3A_138 : i1 to i32
      %cond3A_140 = arith.constant 0 : i32
      %cond3A_141 = arith.cmpi ne, %convert_element_type3A_139, %cond3A_140 : i32
      scf.if %cond3A_141 {
        %add3A_258 = arith.constant 2 : i32
        %add3A_259 = arith.addi %add3A_117, %add3A_258 : i32
        %mul3A_260 = arith.constant 10000 : i32
        %mul3A_261 = arith.muli %add3A, %mul3A_260 : i32
        %mul3A_262 = arith.constant 104 : i32
        %mul3A_263 = arith.muli %add3A_259, %mul3A_262 : i32
        %add3A_264 = arith.addi %mul3A_261, %mul3A_263 : i32
        %dma_wait3A_265 = tpu.memref_slice %arg3[%add3A_264] : memref<320000xi32, #tpu.memory_space<hbm>> -> memref<104xi32, #tpu.memory_space<hbm>>
        %dma_wait3A_266 = tpu.memref_slice %arg3[%add3A_264] : memref<320000xi32, #tpu.memory_space<hbm>> -> memref<104xi32, #tpu.memory_space<hbm>>
        tpu.wait_dma2 semaphore(%arg35 : memref<!tpu.dma_semaphore, #tpu.memory_space<semaphore_mem>>) src(%dma_wait3A_266 : memref<104xi32, #tpu.memory_space<hbm>>) dst(%arg14 : memref<104xi32, #tpu.memory_space<vmem>>)
        %dma_wait3A_267 = tpu.memref_slice %arg4[%add3A_264] : memref<320000xi32, #tpu.memory_space<hbm>> -> memref<104xi32, #tpu.memory_space<hbm>>
        %dma_wait3A_268 = tpu.memref_slice %arg4[%add3A_264] : memref<320000xi32, #tpu.memory_space<hbm>> -> memref<104xi32, #tpu.memory_space<hbm>>
        tpu.wait_dma2 semaphore(%arg35 : memref<!tpu.dma_semaphore, #tpu.memory_space<semaphore_mem>>) src(%dma_wait3A_268 : memref<104xi32, #tpu.memory_space<hbm>>) dst(%arg20 : memref<104xi32, #tpu.memory_space<vmem>>)
        %add3A_269 = arith.constant 2 : i32
        %add3A_270 = arith.addi %add3A_117, %add3A_269 : i32
        %dma_start3A_271 = arith.constant 0 : i32
        %dma_start3A_272 = arith.constant 0 : i32
        %dma_start3A_273 = tpu.memref_slice %arg2[%dma_start3A_271, %dma_start3A_272] : memref<10000x128xf32, #tpu.memory_space<hbm>> -> memref<10000x128xf32, #tpu.memory_space<hbm>>
        tpu.enqueue_indirect_dma source(%dma_start3A_273 : memref<10000x128xf32, #tpu.memory_space<hbm>>) target(%arg8 : memref<104x128xf32, #tpu.memory_space<vmem>>) offsets(%arg14 : memref<104xi32, #tpu.memory_space<vmem>>) semaphore(%arg26 : memref<!tpu.dma_semaphore, #tpu.memory_space<semaphore_mem>>)
      } else {
      }
      %mul3A_142 = arith.constant 6 : i32
      %mul3A_143 = arith.muli %scan3A_88, %mul3A_142 : i32
      %add3A_144 = arith.constant 2 : i32
      %add3A_145 = arith.addi %mul3A_143, %add3A_144 : i32
      %dma_wait3A_146 = arith.constant 0 : i32
      %dma_wait3A_147 = arith.constant 0 : i32
      %dma_wait3A_148 = tpu.memref_slice %arg2[%dma_wait3A_146, %dma_wait3A_147] : memref<10000x128xf32, #tpu.memory_space<hbm>> -> memref<10000x128xf32, #tpu.memory_space<hbm>>
      tpu.wait_indirect_dma semaphore(%arg28 : memref<!tpu.dma_semaphore, #tpu.memory_space<semaphore_mem>>) src(%dma_wait3A_148 : memref<10000x128xf32, #tpu.memory_space<hbm>>) dst(%arg10 : memref<104x128xf32, #tpu.memory_space<vmem>>)
      %dma_start3A_149 = arith.constant 0 : i32
      %dma_start3A_150 = arith.constant 0 : i32
      %dma_start3A_151 = tpu.memref_slice %arg7[%dma_start3A_149, %dma_start3A_150] : memref<10112x128xf32, #tpu.memory_space<vmem_shared>> -> memref<10112x128xf32, #tpu.memory_space<vmem_shared>>
      tpu.enqueue_indirect_dma source(%arg10 : memref<104x128xf32, #tpu.memory_space<vmem>>) target(%dma_start3A_151 : memref<10112x128xf32, #tpu.memory_space<vmem_shared>>) offsets(%arg19 : memref<104xi32, #tpu.memory_space<vmem>>) semaphore(%arg31 : memref<!tpu.dma_semaphore, #tpu.memory_space<semaphore_mem>>) {add = true}
      %sub3A_152 = arith.constant 1 : i32
      %sub3A_153 = arith.subi %add3A_145, %sub3A_152 : i32
      %dma_wait3A_154 = arith.constant 0 : i32
      %dma_wait3A_155 = arith.constant 0 : i32
      %dma_wait3A_156 = tpu.memref_slice %arg7[%dma_wait3A_154, %dma_wait3A_155] : memref<10112x128xf32, #tpu.memory_space<vmem_shared>> -> memref<10112x128xf32, #tpu.memory_space<vmem_shared>>
      tpu.wait_indirect_dma semaphore(%arg30 : memref<!tpu.dma_semaphore, #tpu.memory_space<semaphore_mem>>) src(%arg9 : memref<104x128xf32, #tpu.memory_space<vmem>>) dst(%dma_wait3A_156 : memref<10112x128xf32, #tpu.memory_space<vmem_shared>>)
      %add3A_157 = arith.constant 5 : i32
      %add3A_158 = arith.addi %add3A_145, %add3A_157 : i32
      %lt3A_159 = arith.constant 96 : i32
      %lt3A_160 = arith.cmpi slt, %add3A_158, %lt3A_159 : i32
      %convert_element_type3A_161 = arith.extui %lt3A_160 : i1 to i32
      %cond3A_162 = arith.constant 0 : i32
      %cond3A_163 = arith.cmpi ne, %convert_element_type3A_161, %cond3A_162 : i32
      scf.if %cond3A_163 {
        %add3A_258 = arith.constant 5 : i32
        %add3A_259 = arith.addi %add3A_145, %add3A_258 : i32
        %mul3A_260 = arith.constant 10000 : i32
        %mul3A_261 = arith.muli %add3A, %mul3A_260 : i32
        %mul3A_262 = arith.constant 104 : i32
        %mul3A_263 = arith.muli %add3A_259, %mul3A_262 : i32
        %add3A_264 = arith.addi %mul3A_261, %mul3A_263 : i32
        %dma_start3A_265 = tpu.memref_slice %arg3[%add3A_264] : memref<320000xi32, #tpu.memory_space<hbm>> -> memref<104xi32, #tpu.memory_space<hbm>>
        %dma_start3A_266 = tpu.memref_slice %arg3[%add3A_264] : memref<320000xi32, #tpu.memory_space<hbm>> -> memref<104xi32, #tpu.memory_space<hbm>>
        tpu.enqueue_dma source(%dma_start3A_266 : memref<104xi32, #tpu.memory_space<hbm>>) target(%arg12 : memref<104xi32, #tpu.memory_space<vmem>>) target_semaphore(%arg33 : memref<!tpu.dma_semaphore, #tpu.memory_space<semaphore_mem>>)
        %dma_start3A_267 = tpu.memref_slice %arg4[%add3A_264] : memref<320000xi32, #tpu.memory_space<hbm>> -> memref<104xi32, #tpu.memory_space<hbm>>
        %dma_start3A_268 = tpu.memref_slice %arg4[%add3A_264] : memref<320000xi32, #tpu.memory_space<hbm>> -> memref<104xi32, #tpu.memory_space<hbm>>
        tpu.enqueue_dma source(%dma_start3A_268 : memref<104xi32, #tpu.memory_space<hbm>>) target(%arg18 : memref<104xi32, #tpu.memory_space<vmem>>) target_semaphore(%arg33 : memref<!tpu.dma_semaphore, #tpu.memory_space<semaphore_mem>>)
      } else {
      }
      %add3A_164 = arith.constant 2 : i32
      %add3A_165 = arith.addi %add3A_145, %add3A_164 : i32
      %lt3A_166 = arith.constant 96 : i32
      %lt3A_167 = arith.cmpi slt, %add3A_165, %lt3A_166 : i32
      %convert_element_type3A_168 = arith.extui %lt3A_167 : i1 to i32
      %cond3A_169 = arith.constant 0 : i32
      %cond3A_170 = arith.cmpi ne, %convert_element_type3A_168, %cond3A_169 : i32
      scf.if %cond3A_170 {
        %add3A_258 = arith.constant 2 : i32
        %add3A_259 = arith.addi %add3A_145, %add3A_258 : i32
        %mul3A_260 = arith.constant 10000 : i32
        %mul3A_261 = arith.muli %add3A, %mul3A_260 : i32
        %mul3A_262 = arith.constant 104 : i32
        %mul3A_263 = arith.muli %add3A_259, %mul3A_262 : i32
        %add3A_264 = arith.addi %mul3A_261, %mul3A_263 : i32
        %dma_wait3A_265 = tpu.memref_slice %arg3[%add3A_264] : memref<320000xi32, #tpu.memory_space<hbm>> -> memref<104xi32, #tpu.memory_space<hbm>>
        %dma_wait3A_266 = tpu.memref_slice %arg3[%add3A_264] : memref<320000xi32, #tpu.memory_space<hbm>> -> memref<104xi32, #tpu.memory_space<hbm>>
        tpu.wait_dma2 semaphore(%arg36 : memref<!tpu.dma_semaphore, #tpu.memory_space<semaphore_mem>>) src(%dma_wait3A_266 : memref<104xi32, #tpu.memory_space<hbm>>) dst(%arg15 : memref<104xi32, #tpu.memory_space<vmem>>)
        %dma_wait3A_267 = tpu.memref_slice %arg4[%add3A_264] : memref<320000xi32, #tpu.memory_space<hbm>> -> memref<104xi32, #tpu.memory_space<hbm>>
        %dma_wait3A_268 = tpu.memref_slice %arg4[%add3A_264] : memref<320000xi32, #tpu.memory_space<hbm>> -> memref<104xi32, #tpu.memory_space<hbm>>
        tpu.wait_dma2 semaphore(%arg36 : memref<!tpu.dma_semaphore, #tpu.memory_space<semaphore_mem>>) src(%dma_wait3A_268 : memref<104xi32, #tpu.memory_space<hbm>>) dst(%arg21 : memref<104xi32, #tpu.memory_space<vmem>>)
        %add3A_269 = arith.constant 2 : i32
        %add3A_270 = arith.addi %add3A_145, %add3A_269 : i32
        %dma_start3A_271 = arith.constant 0 : i32
        %dma_start3A_272 = arith.constant 0 : i32
        %dma_start3A_273 = tpu.memref_slice %arg2[%dma_start3A_271, %dma_start3A_272] : memref<10000x128xf32, #tpu.memory_space<hbm>> -> memref<10000x128xf32, #tpu.memory_space<hbm>>
        tpu.enqueue_indirect_dma source(%dma_start3A_273 : memref<10000x128xf32, #tpu.memory_space<hbm>>) target(%arg9 : memref<104x128xf32, #tpu.memory_space<vmem>>) offsets(%arg15 : memref<104xi32, #tpu.memory_space<vmem>>) semaphore(%arg27 : memref<!tpu.dma_semaphore, #tpu.memory_space<semaphore_mem>>)
      } else {
      }
      %mul3A_171 = arith.constant 6 : i32
      %mul3A_172 = arith.muli %scan3A_88, %mul3A_171 : i32
      %add3A_173 = arith.constant 3 : i32
      %add3A_174 = arith.addi %mul3A_172, %add3A_173 : i32
      %dma_wait3A_175 = arith.constant 0 : i32
      %dma_wait3A_176 = arith.constant 0 : i32
      %dma_wait3A_177 = tpu.memref_slice %arg2[%dma_wait3A_175, %dma_wait3A_176] : memref<10000x128xf32, #tpu.memory_space<hbm>> -> memref<10000x128xf32, #tpu.memory_space<hbm>>
      tpu.wait_indirect_dma semaphore(%arg26 : memref<!tpu.dma_semaphore, #tpu.memory_space<semaphore_mem>>) src(%dma_wait3A_177 : memref<10000x128xf32, #tpu.memory_space<hbm>>) dst(%arg8 : memref<104x128xf32, #tpu.memory_space<vmem>>)
      %dma_start3A_178 = arith.constant 0 : i32
      %dma_start3A_179 = arith.constant 0 : i32
      %dma_start3A_180 = tpu.memref_slice %arg7[%dma_start3A_178, %dma_start3A_179] : memref<10112x128xf32, #tpu.memory_space<vmem_shared>> -> memref<10112x128xf32, #tpu.memory_space<vmem_shared>>
      tpu.enqueue_indirect_dma source(%arg8 : memref<104x128xf32, #tpu.memory_space<vmem>>) target(%dma_start3A_180 : memref<10112x128xf32, #tpu.memory_space<vmem_shared>>) offsets(%arg20 : memref<104xi32, #tpu.memory_space<vmem>>) semaphore(%arg29 : memref<!tpu.dma_semaphore, #tpu.memory_space<semaphore_mem>>) {add = true}
      %sub3A_181 = arith.constant 1 : i32
      %sub3A_182 = arith.subi %add3A_174, %sub3A_181 : i32
      %dma_wait3A_183 = arith.constant 0 : i32
      %dma_wait3A_184 = arith.constant 0 : i32
      %dma_wait3A_185 = tpu.memref_slice %arg7[%dma_wait3A_183, %dma_wait3A_184] : memref<10112x128xf32, #tpu.memory_space<vmem_shared>> -> memref<10112x128xf32, #tpu.memory_space<vmem_shared>>
      tpu.wait_indirect_dma semaphore(%arg31 : memref<!tpu.dma_semaphore, #tpu.memory_space<semaphore_mem>>) src(%arg10 : memref<104x128xf32, #tpu.memory_space<vmem>>) dst(%dma_wait3A_185 : memref<10112x128xf32, #tpu.memory_space<vmem_shared>>)
      %add3A_186 = arith.constant 5 : i32
      %add3A_187 = arith.addi %add3A_174, %add3A_186 : i32
      %lt3A_188 = arith.constant 96 : i32
      %lt3A_189 = arith.cmpi slt, %add3A_187, %lt3A_188 : i32
      %convert_element_type3A_190 = arith.extui %lt3A_189 : i1 to i32
      %cond3A_191 = arith.constant 0 : i32
      %cond3A_192 = arith.cmpi ne, %convert_element_type3A_190, %cond3A_191 : i32
      scf.if %cond3A_192 {
        %add3A_258 = arith.constant 5 : i32
        %add3A_259 = arith.addi %add3A_174, %add3A_258 : i32
        %mul3A_260 = arith.constant 10000 : i32
        %mul3A_261 = arith.muli %add3A, %mul3A_260 : i32
        %mul3A_262 = arith.constant 104 : i32
        %mul3A_263 = arith.muli %add3A_259, %mul3A_262 : i32
        %add3A_264 = arith.addi %mul3A_261, %mul3A_263 : i32
        %dma_start3A_265 = tpu.memref_slice %arg3[%add3A_264] : memref<320000xi32, #tpu.memory_space<hbm>> -> memref<104xi32, #tpu.memory_space<hbm>>
        %dma_start3A_266 = tpu.memref_slice %arg3[%add3A_264] : memref<320000xi32, #tpu.memory_space<hbm>> -> memref<104xi32, #tpu.memory_space<hbm>>
        tpu.enqueue_dma source(%dma_start3A_266 : memref<104xi32, #tpu.memory_space<hbm>>) target(%arg13 : memref<104xi32, #tpu.memory_space<vmem>>) target_semaphore(%arg34 : memref<!tpu.dma_semaphore, #tpu.memory_space<semaphore_mem>>)
        %dma_start3A_267 = tpu.memref_slice %arg4[%add3A_264] : memref<320000xi32, #tpu.memory_space<hbm>> -> memref<104xi32, #tpu.memory_space<hbm>>
        %dma_start3A_268 = tpu.memref_slice %arg4[%add3A_264] : memref<320000xi32, #tpu.memory_space<hbm>> -> memref<104xi32, #tpu.memory_space<hbm>>
        tpu.enqueue_dma source(%dma_start3A_268 : memref<104xi32, #tpu.memory_space<hbm>>) target(%arg19 : memref<104xi32, #tpu.memory_space<vmem>>) target_semaphore(%arg34 : memref<!tpu.dma_semaphore, #tpu.memory_space<semaphore_mem>>)
      } else {
      }
      %add3A_193 = arith.constant 2 : i32
      %add3A_194 = arith.addi %add3A_174, %add3A_193 : i32
      %lt3A_195 = arith.constant 96 : i32
      %lt3A_196 = arith.cmpi slt, %add3A_194, %lt3A_195 : i32
      %convert_element_type3A_197 = arith.extui %lt3A_196 : i1 to i32
      %cond3A_198 = arith.constant 0 : i32
      %cond3A_199 = arith.cmpi ne, %convert_element_type3A_197, %cond3A_198 : i32
      scf.if %cond3A_199 {
        %add3A_258 = arith.constant 2 : i32
        %add3A_259 = arith.addi %add3A_174, %add3A_258 : i32
        %mul3A_260 = arith.constant 10000 : i32
        %mul3A_261 = arith.muli %add3A, %mul3A_260 : i32
        %mul3A_262 = arith.constant 104 : i32
        %mul3A_263 = arith.muli %add3A_259, %mul3A_262 : i32
        %add3A_264 = arith.addi %mul3A_261, %mul3A_263 : i32
        %dma_wait3A_265 = tpu.memref_slice %arg3[%add3A_264] : memref<320000xi32, #tpu.memory_space<hbm>> -> memref<104xi32, #tpu.memory_space<hbm>>
        %dma_wait3A_266 = tpu.memref_slice %arg3[%add3A_264] : memref<320000xi32, #tpu.memory_space<hbm>> -> memref<104xi32, #tpu.memory_space<hbm>>
        tpu.wait_dma2 semaphore(%arg37 : memref<!tpu.dma_semaphore, #tpu.memory_space<semaphore_mem>>) src(%dma_wait3A_266 : memref<104xi32, #tpu.memory_space<hbm>>) dst(%arg16 : memref<104xi32, #tpu.memory_space<vmem>>)
        %dma_wait3A_267 = tpu.memref_slice %arg4[%add3A_264] : memref<320000xi32, #tpu.memory_space<hbm>> -> memref<104xi32, #tpu.memory_space<hbm>>
        %dma_wait3A_268 = tpu.memref_slice %arg4[%add3A_264] : memref<320000xi32, #tpu.memory_space<hbm>> -> memref<104xi32, #tpu.memory_space<hbm>>
        tpu.wait_dma2 semaphore(%arg37 : memref<!tpu.dma_semaphore, #tpu.memory_space<semaphore_mem>>) src(%dma_wait3A_268 : memref<104xi32, #tpu.memory_space<hbm>>) dst(%arg22 : memref<104xi32, #tpu.memory_space<vmem>>)
        %add3A_269 = arith.constant 2 : i32
        %add3A_270 = arith.addi %add3A_174, %add3A_269 : i32
        %dma_start3A_271 = arith.constant 0 : i32
        %dma_start3A_272 = arith.constant 0 : i32
        %dma_start3A_273 = tpu.memref_slice %arg2[%dma_start3A_271, %dma_start3A_272] : memref<10000x128xf32, #tpu.memory_space<hbm>> -> memref<10000x128xf32, #tpu.memory_space<hbm>>
        tpu.enqueue_indirect_dma source(%dma_start3A_273 : memref<10000x128xf32, #tpu.memory_space<hbm>>) target(%arg10 : memref<104x128xf32, #tpu.memory_space<vmem>>) offsets(%arg16 : memref<104xi32, #tpu.memory_space<vmem>>) semaphore(%arg28 : memref<!tpu.dma_semaphore, #tpu.memory_space<semaphore_mem>>)
      } else {
      }
      %mul3A_200 = arith.constant 6 : i32
      %mul3A_201 = arith.muli %scan3A_88, %mul3A_200 : i32
      %add3A_202 = arith.constant 4 : i32
      %add3A_203 = arith.addi %mul3A_201, %add3A_202 : i32
      %dma_wait3A_204 = arith.constant 0 : i32
      %dma_wait3A_205 = arith.constant 0 : i32
      %dma_wait3A_206 = tpu.memref_slice %arg2[%dma_wait3A_204, %dma_wait3A_205] : memref<10000x128xf32, #tpu.memory_space<hbm>> -> memref<10000x128xf32, #tpu.memory_space<hbm>>
      tpu.wait_indirect_dma semaphore(%arg27 : memref<!tpu.dma_semaphore, #tpu.memory_space<semaphore_mem>>) src(%dma_wait3A_206 : memref<10000x128xf32, #tpu.memory_space<hbm>>) dst(%arg9 : memref<104x128xf32, #tpu.memory_space<vmem>>)
      %dma_start3A_207 = arith.constant 0 : i32
      %dma_start3A_208 = arith.constant 0 : i32
      %dma_start3A_209 = tpu.memref_slice %arg7[%dma_start3A_207, %dma_start3A_208] : memref<10112x128xf32, #tpu.memory_space<vmem_shared>> -> memref<10112x128xf32, #tpu.memory_space<vmem_shared>>
      tpu.enqueue_indirect_dma source(%arg9 : memref<104x128xf32, #tpu.memory_space<vmem>>) target(%dma_start3A_209 : memref<10112x128xf32, #tpu.memory_space<vmem_shared>>) offsets(%arg21 : memref<104xi32, #tpu.memory_space<vmem>>) semaphore(%arg30 : memref<!tpu.dma_semaphore, #tpu.memory_space<semaphore_mem>>) {add = true}
      %sub3A_210 = arith.constant 1 : i32
      %sub3A_211 = arith.subi %add3A_203, %sub3A_210 : i32
      %dma_wait3A_212 = arith.constant 0 : i32
      %dma_wait3A_213 = arith.constant 0 : i32
      %dma_wait3A_214 = tpu.memref_slice %arg7[%dma_wait3A_212, %dma_wait3A_213] : memref<10112x128xf32, #tpu.memory_space<vmem_shared>> -> memref<10112x128xf32, #tpu.memory_space<vmem_shared>>
      tpu.wait_indirect_dma semaphore(%arg29 : memref<!tpu.dma_semaphore, #tpu.memory_space<semaphore_mem>>) src(%arg8 : memref<104x128xf32, #tpu.memory_space<vmem>>) dst(%dma_wait3A_214 : memref<10112x128xf32, #tpu.memory_space<vmem_shared>>)
      %add3A_215 = arith.constant 5 : i32
      %add3A_216 = arith.addi %add3A_203, %add3A_215 : i32
      %lt3A_217 = arith.constant 96 : i32
      %lt3A_218 = arith.cmpi slt, %add3A_216, %lt3A_217 : i32
      %convert_element_type3A_219 = arith.extui %lt3A_218 : i1 to i32
      %cond3A_220 = arith.constant 0 : i32
      %cond3A_221 = arith.cmpi ne, %convert_element_type3A_219, %cond3A_220 : i32
      scf.if %cond3A_221 {
        %add3A_258 = arith.constant 5 : i32
        %add3A_259 = arith.addi %add3A_203, %add3A_258 : i32
        %mul3A_260 = arith.constant 10000 : i32
        %mul3A_261 = arith.muli %add3A, %mul3A_260 : i32
        %mul3A_262 = arith.constant 104 : i32
        %mul3A_263 = arith.muli %add3A_259, %mul3A_262 : i32
        %add3A_264 = arith.addi %mul3A_261, %mul3A_263 : i32
        %dma_start3A_265 = tpu.memref_slice %arg3[%add3A_264] : memref<320000xi32, #tpu.memory_space<hbm>> -> memref<104xi32, #tpu.memory_space<hbm>>
        %dma_start3A_266 = tpu.memref_slice %arg3[%add3A_264] : memref<320000xi32, #tpu.memory_space<hbm>> -> memref<104xi32, #tpu.memory_space<hbm>>
        tpu.enqueue_dma source(%dma_start3A_266 : memref<104xi32, #tpu.memory_space<hbm>>) target(%arg14 : memref<104xi32, #tpu.memory_space<vmem>>) target_semaphore(%arg35 : memref<!tpu.dma_semaphore, #tpu.memory_space<semaphore_mem>>)
        %dma_start3A_267 = tpu.memref_slice %arg4[%add3A_264] : memref<320000xi32, #tpu.memory_space<hbm>> -> memref<104xi32, #tpu.memory_space<hbm>>
        %dma_start3A_268 = tpu.memref_slice %arg4[%add3A_264] : memref<320000xi32, #tpu.memory_space<hbm>> -> memref<104xi32, #tpu.memory_space<hbm>>
        tpu.enqueue_dma source(%dma_start3A_268 : memref<104xi32, #tpu.memory_space<hbm>>) target(%arg20 : memref<104xi32, #tpu.memory_space<vmem>>) target_semaphore(%arg35 : memref<!tpu.dma_semaphore, #tpu.memory_space<semaphore_mem>>)
      } else {
      }
      %add3A_222 = arith.constant 2 : i32
      %add3A_223 = arith.addi %add3A_203, %add3A_222 : i32
      %lt3A_224 = arith.constant 96 : i32
      %lt3A_225 = arith.cmpi slt, %add3A_223, %lt3A_224 : i32
      %convert_element_type3A_226 = arith.extui %lt3A_225 : i1 to i32
      %cond3A_227 = arith.constant 0 : i32
      %cond3A_228 = arith.cmpi ne, %convert_element_type3A_226, %cond3A_227 : i32
      scf.if %cond3A_228 {
        %add3A_258 = arith.constant 2 : i32
        %add3A_259 = arith.addi %add3A_203, %add3A_258 : i32
        %mul3A_260 = arith.constant 10000 : i32
        %mul3A_261 = arith.muli %add3A, %mul3A_260 : i32
        %mul3A_262 = arith.constant 104 : i32
        %mul3A_263 = arith.muli %add3A_259, %mul3A_262 : i32
        %add3A_264 = arith.addi %mul3A_261, %mul3A_263 : i32
        %dma_wait3A_265 = tpu.memref_slice %arg3[%add3A_264] : memref<320000xi32, #tpu.memory_space<hbm>> -> memref<104xi32, #tpu.memory_space<hbm>>
        %dma_wait3A_266 = tpu.memref_slice %arg3[%add3A_264] : memref<320000xi32, #tpu.memory_space<hbm>> -> memref<104xi32, #tpu.memory_space<hbm>>
        tpu.wait_dma2 semaphore(%arg32 : memref<!tpu.dma_semaphore, #tpu.memory_space<semaphore_mem>>) src(%dma_wait3A_266 : memref<104xi32, #tpu.memory_space<hbm>>) dst(%arg11 : memref<104xi32, #tpu.memory_space<vmem>>)
        %dma_wait3A_267 = tpu.memref_slice %arg4[%add3A_264] : memref<320000xi32, #tpu.memory_space<hbm>> -> memref<104xi32, #tpu.memory_space<hbm>>
        %dma_wait3A_268 = tpu.memref_slice %arg4[%add3A_264] : memref<320000xi32, #tpu.memory_space<hbm>> -> memref<104xi32, #tpu.memory_space<hbm>>
        tpu.wait_dma2 semaphore(%arg32 : memref<!tpu.dma_semaphore, #tpu.memory_space<semaphore_mem>>) src(%dma_wait3A_268 : memref<104xi32, #tpu.memory_space<hbm>>) dst(%arg17 : memref<104xi32, #tpu.memory_space<vmem>>)
        %add3A_269 = arith.constant 2 : i32
        %add3A_270 = arith.addi %add3A_203, %add3A_269 : i32
        %dma_start3A_271 = arith.constant 0 : i32
        %dma_start3A_272 = arith.constant 0 : i32
        %dma_start3A_273 = tpu.memref_slice %arg2[%dma_start3A_271, %dma_start3A_272] : memref<10000x128xf32, #tpu.memory_space<hbm>> -> memref<10000x128xf32, #tpu.memory_space<hbm>>
        tpu.enqueue_indirect_dma source(%dma_start3A_273 : memref<10000x128xf32, #tpu.memory_space<hbm>>) target(%arg8 : memref<104x128xf32, #tpu.memory_space<vmem>>) offsets(%arg11 : memref<104xi32, #tpu.memory_space<vmem>>) semaphore(%arg26 : memref<!tpu.dma_semaphore, #tpu.memory_space<semaphore_mem>>)
      } else {
      }
      %mul3A_229 = arith.constant 6 : i32
      %mul3A_230 = arith.muli %scan3A_88, %mul3A_229 : i32
      %add3A_231 = arith.constant 5 : i32
      %add3A_232 = arith.addi %mul3A_230, %add3A_231 : i32
      %dma_wait3A_233 = arith.constant 0 : i32
      %dma_wait3A_234 = arith.constant 0 : i32
      %dma_wait3A_235 = tpu.memref_slice %arg2[%dma_wait3A_233, %dma_wait3A_234] : memref<10000x128xf32, #tpu.memory_space<hbm>> -> memref<10000x128xf32, #tpu.memory_space<hbm>>
      tpu.wait_indirect_dma semaphore(%arg28 : memref<!tpu.dma_semaphore, #tpu.memory_space<semaphore_mem>>) src(%dma_wait3A_235 : memref<10000x128xf32, #tpu.memory_space<hbm>>) dst(%arg10 : memref<104x128xf32, #tpu.memory_space<vmem>>)
      %dma_start3A_236 = arith.constant 0 : i32
      %dma_start3A_237 = arith.constant 0 : i32
      %dma_start3A_238 = tpu.memref_slice %arg7[%dma_start3A_236, %dma_start3A_237] : memref<10112x128xf32, #tpu.memory_space<vmem_shared>> -> memref<10112x128xf32, #tpu.memory_space<vmem_shared>>
      tpu.enqueue_indirect_dma source(%arg10 : memref<104x128xf32, #tpu.memory_space<vmem>>) target(%dma_start3A_238 : memref<10112x128xf32, #tpu.memory_space<vmem_shared>>) offsets(%arg22 : memref<104xi32, #tpu.memory_space<vmem>>) semaphore(%arg31 : memref<!tpu.dma_semaphore, #tpu.memory_space<semaphore_mem>>) {add = true}
      %sub3A_239 = arith.constant 1 : i32
      %sub3A_240 = arith.subi %add3A_232, %sub3A_239 : i32
      %dma_wait3A_241 = arith.constant 0 : i32
      %dma_wait3A_242 = arith.constant 0 : i32
      %dma_wait3A_243 = tpu.memref_slice %arg7[%dma_wait3A_241, %dma_wait3A_242] : memref<10112x128xf32, #tpu.memory_space<vmem_shared>> -> memref<10112x128xf32, #tpu.memory_space<vmem_shared>>
      tpu.wait_indirect_dma semaphore(%arg30 : memref<!tpu.dma_semaphore, #tpu.memory_space<semaphore_mem>>) src(%arg9 : memref<104x128xf32, #tpu.memory_space<vmem>>) dst(%dma_wait3A_243 : memref<10112x128xf32, #tpu.memory_space<vmem_shared>>)
      %add3A_244 = arith.constant 5 : i32
      %add3A_245 = arith.addi %add3A_232, %add3A_244 : i32
      %lt3A_246 = arith.constant 96 : i32
      %lt3A_247 = arith.cmpi slt, %add3A_245, %lt3A_246 : i32
      %convert_element_type3A_248 = arith.extui %lt3A_247 : i1 to i32
      %cond3A_249 = arith.constant 0 : i32
      %cond3A_250 = arith.cmpi ne, %convert_element_type3A_248, %cond3A_249 : i32
      scf.if %cond3A_250 {
        %add3A_258 = arith.constant 5 : i32
        %add3A_259 = arith.addi %add3A_232, %add3A_258 : i32
        %mul3A_260 = arith.constant 10000 : i32
        %mul3A_261 = arith.muli %add3A, %mul3A_260 : i32
        %mul3A_262 = arith.constant 104 : i32
        %mul3A_263 = arith.muli %add3A_259, %mul3A_262 : i32
        %add3A_264 = arith.addi %mul3A_261, %mul3A_263 : i32
        %dma_start3A_265 = tpu.memref_slice %arg3[%add3A_264] : memref<320000xi32, #tpu.memory_space<hbm>> -> memref<104xi32, #tpu.memory_space<hbm>>
        %dma_start3A_266 = tpu.memref_slice %arg3[%add3A_264] : memref<320000xi32, #tpu.memory_space<hbm>> -> memref<104xi32, #tpu.memory_space<hbm>>
        tpu.enqueue_dma source(%dma_start3A_266 : memref<104xi32, #tpu.memory_space<hbm>>) target(%arg15 : memref<104xi32, #tpu.memory_space<vmem>>) target_semaphore(%arg36 : memref<!tpu.dma_semaphore, #tpu.memory_space<semaphore_mem>>)
        %dma_start3A_267 = tpu.memref_slice %arg4[%add3A_264] : memref<320000xi32, #tpu.memory_space<hbm>> -> memref<104xi32, #tpu.memory_space<hbm>>
        %dma_start3A_268 = tpu.memref_slice %arg4[%add3A_264] : memref<320000xi32, #tpu.memory_space<hbm>> -> memref<104xi32, #tpu.memory_space<hbm>>
        tpu.enqueue_dma source(%dma_start3A_268 : memref<104xi32, #tpu.memory_space<hbm>>) target(%arg21 : memref<104xi32, #tpu.memory_space<vmem>>) target_semaphore(%arg36 : memref<!tpu.dma_semaphore, #tpu.memory_space<semaphore_mem>>)
      } else {
      }
      %add3A_251 = arith.constant 2 : i32
      %add3A_252 = arith.addi %add3A_232, %add3A_251 : i32
      %lt3A_253 = arith.constant 96 : i32
      %lt3A_254 = arith.cmpi slt, %add3A_252, %lt3A_253 : i32
      %convert_element_type3A_255 = arith.extui %lt3A_254 : i1 to i32
      %cond3A_256 = arith.constant 0 : i32
      %cond3A_257 = arith.cmpi ne, %convert_element_type3A_255, %cond3A_256 : i32
      scf.if %cond3A_257 {
        %add3A_258 = arith.constant 2 : i32
        %add3A_259 = arith.addi %add3A_232, %add3A_258 : i32
        %mul3A_260 = arith.constant 10000 : i32
        %mul3A_261 = arith.muli %add3A, %mul3A_260 : i32
        %mul3A_262 = arith.constant 104 : i32
        %mul3A_263 = arith.muli %add3A_259, %mul3A_262 : i32
        %add3A_264 = arith.addi %mul3A_261, %mul3A_263 : i32
        %dma_wait3A_265 = tpu.memref_slice %arg3[%add3A_264] : memref<320000xi32, #tpu.memory_space<hbm>> -> memref<104xi32, #tpu.memory_space<hbm>>
        %dma_wait3A_266 = tpu.memref_slice %arg3[%add3A_264] : memref<320000xi32, #tpu.memory_space<hbm>> -> memref<104xi32, #tpu.memory_space<hbm>>
        tpu.wait_dma2 semaphore(%arg33 : memref<!tpu.dma_semaphore, #tpu.memory_space<semaphore_mem>>) src(%dma_wait3A_266 : memref<104xi32, #tpu.memory_space<hbm>>) dst(%arg12 : memref<104xi32, #tpu.memory_space<vmem>>)
        %dma_wait3A_267 = tpu.memref_slice %arg4[%add3A_264] : memref<320000xi32, #tpu.memory_space<hbm>> -> memref<104xi32, #tpu.memory_space<hbm>>
        %dma_wait3A_268 = tpu.memref_slice %arg4[%add3A_264] : memref<320000xi32, #tpu.memory_space<hbm>> -> memref<104xi32, #tpu.memory_space<hbm>>
        tpu.wait_dma2 semaphore(%arg33 : memref<!tpu.dma_semaphore, #tpu.memory_space<semaphore_mem>>) src(%dma_wait3A_268 : memref<104xi32, #tpu.memory_space<hbm>>) dst(%arg18 : memref<104xi32, #tpu.memory_space<vmem>>)
        %add3A_269 = arith.constant 2 : i32
        %add3A_270 = arith.addi %add3A_232, %add3A_269 : i32
        %dma_start3A_271 = arith.constant 0 : i32
        %dma_start3A_272 = arith.constant 0 : i32
        %dma_start3A_273 = tpu.memref_slice %arg2[%dma_start3A_271, %dma_start3A_272] : memref<10000x128xf32, #tpu.memory_space<hbm>> -> memref<10000x128xf32, #tpu.memory_space<hbm>>
        tpu.enqueue_indirect_dma source(%dma_start3A_273 : memref<10000x128xf32, #tpu.memory_space<hbm>>) target(%arg9 : memref<104x128xf32, #tpu.memory_space<vmem>>) offsets(%arg12 : memref<104xi32, #tpu.memory_space<vmem>>) semaphore(%arg27 : memref<!tpu.dma_semaphore, #tpu.memory_space<semaphore_mem>>)
      } else {
      }
    }
    %scan3A_69 = arith.constant 16 : i32
    %mul3A_70 = arith.constant 10000 : i32
    %mul3A_71 = arith.muli %add3A, %mul3A_70 : i32
    %add3A_72 = arith.constant 9984 : i32
    %add3A_73 = arith.addi %mul3A_71, %add3A_72 : i32
    "tpu.region"() ({
      %run_scoped3A = tpu.sem_alloc : memref<!tpu.dma_semaphore, #tpu.memory_space<semaphore_mem>>
      %dma_start3A_88 = tpu.memref_slice %arg3[%add3A_73] : memref<320000xi32, #tpu.memory_space<hbm>> -> memref<16xi32, #tpu.memory_space<hbm>>
      %dma_start3A_89 = tpu.memref_slice %arg3[%add3A_73] : memref<320000xi32, #tpu.memory_space<hbm>> -> memref<16xi32, #tpu.memory_space<hbm>>
      tpu.enqueue_dma source(%dma_start3A_89 : memref<16xi32, #tpu.memory_space<hbm>>) target(%arg23 : memref<16xi32, #tpu.memory_space<vmem>>) target_semaphore(%run_scoped3A : memref<!tpu.dma_semaphore, #tpu.memory_space<semaphore_mem>>)
      %dma_wait3A_90 = tpu.memref_slice %arg3[%add3A_73] : memref<320000xi32, #tpu.memory_space<hbm>> -> memref<16xi32, #tpu.memory_space<hbm>>
      %dma_wait3A_91 = tpu.memref_slice %arg3[%add3A_73] : memref<320000xi32, #tpu.memory_space<hbm>> -> memref<16xi32, #tpu.memory_space<hbm>>
      tpu.wait_dma2 semaphore(%run_scoped3A : memref<!tpu.dma_semaphore, #tpu.memory_space<semaphore_mem>>) src(%dma_wait3A_91 : memref<16xi32, #tpu.memory_space<hbm>>) dst(%arg23 : memref<16xi32, #tpu.memory_space<vmem>>)
      tpu.yield
    }) : () -> ()
    "tpu.region"() ({
      %run_scoped3A = tpu.sem_alloc : memref<!tpu.dma_semaphore, #tpu.memory_space<semaphore_mem>>
      %dma_start3A_88 = tpu.memref_slice %arg4[%add3A_73] : memref<320000xi32, #tpu.memory_space<hbm>> -> memref<16xi32, #tpu.memory_space<hbm>>
      %dma_start3A_89 = tpu.memref_slice %arg4[%add3A_73] : memref<320000xi32, #tpu.memory_space<hbm>> -> memref<16xi32, #tpu.memory_space<hbm>>
      tpu.enqueue_dma source(%dma_start3A_89 : memref<16xi32, #tpu.memory_space<hbm>>) target(%arg24 : memref<16xi32, #tpu.memory_space<vmem>>) target_semaphore(%run_scoped3A : memref<!tpu.dma_semaphore, #tpu.memory_space<semaphore_mem>>)
      %dma_wait3A_90 = tpu.memref_slice %arg4[%add3A_73] : memref<320000xi32, #tpu.memory_space<hbm>> -> memref<16xi32, #tpu.memory_space<hbm>>
      %dma_wait3A_91 = tpu.memref_slice %arg4[%add3A_73] : memref<320000xi32, #tpu.memory_space<hbm>> -> memref<16xi32, #tpu.memory_space<hbm>>
      tpu.wait_dma2 semaphore(%run_scoped3A : memref<!tpu.dma_semaphore, #tpu.memory_space<semaphore_mem>>) src(%dma_wait3A_91 : memref<16xi32, #tpu.memory_space<hbm>>) dst(%arg24 : memref<16xi32, #tpu.memory_space<vmem>>)
      tpu.yield
    }) : () -> ()
    %dma_start3A_74 = arith.constant 0 : i32
    %dma_start3A_75 = arith.constant 0 : i32
    %dma_start3A_76 = tpu.memref_slice %arg2[%dma_start3A_74, %dma_start3A_75] : memref<10000x128xf32, #tpu.memory_space<hbm>> -> memref<10000x128xf32, #tpu.memory_space<hbm>>
    tpu.enqueue_indirect_dma source(%dma_start3A_76 : memref<10000x128xf32, #tpu.memory_space<hbm>>) target(%arg25 : memref<16x128xf32, #tpu.memory_space<vmem>>) offsets(%arg23 : memref<16xi32, #tpu.memory_space<vmem>>) semaphore(%arg26 : memref<!tpu.dma_semaphore, #tpu.memory_space<semaphore_mem>>)
    %dma_wait3A_77 = arith.constant 0 : i32
    %dma_wait3A_78 = arith.constant 0 : i32
    %dma_wait3A_79 = tpu.memref_slice %arg2[%dma_wait3A_77, %dma_wait3A_78] : memref<10000x128xf32, #tpu.memory_space<hbm>> -> memref<10000x128xf32, #tpu.memory_space<hbm>>
    tpu.wait_indirect_dma semaphore(%arg26 : memref<!tpu.dma_semaphore, #tpu.memory_space<semaphore_mem>>) src(%dma_wait3A_79 : memref<10000x128xf32, #tpu.memory_space<hbm>>) dst(%arg25 : memref<16x128xf32, #tpu.memory_space<vmem>>)
    "tpu.region"() ({
      %run_scoped3A = tpu.sem_alloc : memref<!tpu.dma_semaphore, #tpu.memory_space<semaphore_mem>>
      %dma_start3A_88 = arith.constant 0 : i32
      %dma_start3A_89 = arith.constant 0 : i32
      %dma_start3A_90 = tpu.memref_slice %arg7[%dma_start3A_88, %dma_start3A_89] : memref<10112x128xf32, #tpu.memory_space<vmem_shared>> -> memref<10112x128xf32, #tpu.memory_space<vmem_shared>>
      tpu.enqueue_indirect_dma source(%arg25 : memref<16x128xf32, #tpu.memory_space<vmem>>) target(%dma_start3A_90 : memref<10112x128xf32, #tpu.memory_space<vmem_shared>>) offsets(%arg24 : memref<16xi32, #tpu.memory_space<vmem>>) semaphore(%run_scoped3A : memref<!tpu.dma_semaphore, #tpu.memory_space<semaphore_mem>>) {add = true}
      %dma_wait3A_91 = arith.constant 0 : i32
      %dma_wait3A_92 = arith.constant 0 : i32
      %dma_wait3A_93 = tpu.memref_slice %arg7[%dma_wait3A_91, %dma_wait3A_92] : memref<10112x128xf32, #tpu.memory_space<vmem_shared>> -> memref<10112x128xf32, #tpu.memory_space<vmem_shared>>
      tpu.wait_indirect_dma semaphore(%run_scoped3A : memref<!tpu.dma_semaphore, #tpu.memory_space<semaphore_mem>>) src(%arg25 : memref<16x128xf32, #tpu.memory_space<vmem>>) dst(%dma_wait3A_93 : memref<10112x128xf32, #tpu.memory_space<vmem_shared>>)
      tpu.yield
    }) : () -> ()
    %dma_wait3A_80 = arith.constant 0 : i32
    %dma_wait3A_81 = arith.constant 0 : i32
    %dma_wait3A_82 = tpu.memref_slice %arg7[%dma_wait3A_80, %dma_wait3A_81] : memref<10112x128xf32, #tpu.memory_space<vmem_shared>> -> memref<10112x128xf32, #tpu.memory_space<vmem_shared>>
    tpu.wait_indirect_dma semaphore(%arg31 : memref<!tpu.dma_semaphore, #tpu.memory_space<semaphore_mem>>) src(%arg10 : memref<104x128xf32, #tpu.memory_space<vmem>>) dst(%dma_wait3A_82 : memref<10112x128xf32, #tpu.memory_space<vmem_shared>>)
    %barrier3A_83 = arith.constant 0 : index
    tpu.barrier barrier_id(%barrier3A_83)
    %mul3A_84 = arith.constant 632 : i32
    %mul3A_85 = arith.muli %arg1, %mul3A_84 : i32
    %mul3A_86 = arith.constant 632 : i32
    %mul3A_87 = arith.muli %arg1, %mul3A_86 : i32
    "tpu.region"() ({
      %run_scoped3A = tpu.sem_alloc : memref<!tpu.dma_semaphore, #tpu.memory_space<semaphore_mem>>
      %dma_start3A_88 = arith.constant 0 : i32
      %dma_start3A_89 = tpu.memref_slice %arg6[%arg0, %mul3A_87, %dma_start3A_88] : memref<2x10112x128xf32, #tpu.memory_space<hbm>> -> memref<1x632x128xf32, #tpu.memory_space<hbm>>
      %dma_start3A_90 = tpu.memref_squeeze %dma_start3A_89 : memref<1x632x128xf32, #tpu.memory_space<hbm>> -> memref<632x128xf32, #tpu.memory_space<hbm>>
      %dma_start3A_91 = arith.constant 0 : i32
      %dma_start3A_92 = tpu.memref_slice %arg7[%mul3A_85, %dma_start3A_91] : memref<10112x128xf32, #tpu.memory_space<vmem_shared>> -> memref<632x128xf32, #tpu.memory_space<vmem_shared>>
      tpu.enqueue_dma source(%dma_start3A_92 : memref<632x128xf32, #tpu.memory_space<vmem_shared>>) target(%dma_start3A_90 : memref<632x128xf32, #tpu.memory_space<hbm>>) target_semaphore(%run_scoped3A : memref<!tpu.dma_semaphore, #tpu.memory_space<semaphore_mem>>)
      %dma_wait3A_93 = arith.constant 0 : i32
      %dma_wait3A_94 = tpu.memref_slice %arg6[%arg0, %mul3A_87, %dma_wait3A_93] : memref<2x10112x128xf32, #tpu.memory_space<hbm>> -> memref<1x632x128xf32, #tpu.memory_space<hbm>>
      %dma_wait3A_95 = tpu.memref_squeeze %dma_wait3A_94 : memref<1x632x128xf32, #tpu.memory_space<hbm>> -> memref<632x128xf32, #tpu.memory_space<hbm>>
      %dma_wait3A_96 = arith.constant 0 : i32
      %dma_wait3A_97 = tpu.memref_slice %arg7[%mul3A_85, %dma_wait3A_96] : memref<10112x128xf32, #tpu.memory_space<vmem_shared>> -> memref<632x128xf32, #tpu.memory_space<vmem_shared>>
      tpu.wait_dma2 semaphore(%run_scoped3A : memref<!tpu.dma_semaphore, #tpu.memory_space<semaphore_mem>>) src(%dma_wait3A_97 : memref<632x128xf32, #tpu.memory_space<vmem_shared>>) dst(%dma_wait3A_95 : memref<632x128xf32, #tpu.memory_space<hbm>>)
      tpu.yield
    }) : () -> ()
    return
  }
}

#map = affine_map<(d0, d1) -> (0, 0)>
#map1 = affine_map<(d0, d1) -> (0)>
#map2 = affine_map<(d0, d1) -> (0, 0, 0)>
module attributes {stable_mosaic.version = 14 : i64} {
  func.func @body(%arg0: i32, %arg1: i32, %arg2: memref<10000x128xf32, #tpu.memory_space<hbm>>, %arg3: memref<320000xi32, #tpu.memory_space<hbm>>, %arg4: memref<320000xi32, #tpu.memory_space<hbm>>, %arg5: memref<10112x128xf32, #tpu.memory_space<hbm>>, %arg6: memref<10112xf32, #tpu.memory_space<hbm>>, %arg7: memref<2x10112x128xf32, #tpu.memory_space<hbm>>, %arg8: memref<20224xf32, #tpu.memory_space<hbm>>, %arg9: memref<10112x128xf32, #tpu.memory_space<vmem_shared>>, %arg10: memref<10112xf32, #tpu.memory_space<vmem_shared>>, %arg11: memref<104x128xf32, #tpu.memory_space<vmem>>, %arg12: memref<104x128xf32, #tpu.memory_space<vmem>>, %arg13: memref<104x128xf32, #tpu.memory_space<vmem>>, %arg14: memref<104xi32, #tpu.memory_space<vmem>>, %arg15: memref<104xi32, #tpu.memory_space<vmem>>, %arg16: memref<104xi32, #tpu.memory_space<vmem>>, %arg17: memref<104xi32, #tpu.memory_space<vmem>>, %arg18: memref<104xi32, #tpu.memory_space<vmem>>, %arg19: memref<104xi32, #tpu.memory_space<vmem>>, %arg20: memref<104xi32, #tpu.memory_space<vmem>>, %arg21: memref<104xi32, #tpu.memory_space<vmem>>, %arg22: memref<104xi32, #tpu.memory_space<vmem>>, %arg23: memref<104xi32, #tpu.memory_space<vmem>>, %arg24: memref<104xi32, #tpu.memory_space<vmem>>, %arg25: memref<104xi32, #tpu.memory_space<vmem>>, %arg26: memref<16xi32, #tpu.memory_space<vmem>>, %arg27: memref<16xi32, #tpu.memory_space<vmem>>, %arg28: memref<16x128xf32, #tpu.memory_space<vmem>>, %arg29: memref<128xf32, #tpu.memory_space<vmem>>, %arg30: memref<632xf32, #tpu.memory_space<vmem>>, %arg31: memref<!tpu.dma_semaphore, #tpu.memory_space<semaphore_mem>>, %arg32: memref<!tpu.dma_semaphore, #tpu.memory_space<semaphore_mem>>, %arg33: memref<!tpu.dma_semaphore, #tpu.memory_space<semaphore_mem>>, %arg34: memref<!tpu.dma_semaphore, #tpu.memory_space<semaphore_mem>>, %arg35: memref<!tpu.dma_semaphore, #tpu.memory_space<semaphore_mem>>, %arg36: memref<!tpu.dma_semaphore, #tpu.memory_space<semaphore_mem>>, %arg37: memref<!tpu.dma_semaphore, #tpu.memory_space<semaphore_mem>>, %arg38: memref<!tpu.dma_semaphore, #tpu.memory_space<semaphore_mem>>, %arg39: memref<!tpu.dma_semaphore, #tpu.memory_space<semaphore_mem>>, %arg40: memref<!tpu.dma_semaphore, #tpu.memory_space<semaphore_mem>>, %arg41: memref<!tpu.dma_semaphore, #tpu.memory_space<semaphore_mem>>, %arg42: memref<!tpu.dma_semaphore, #tpu.memory_space<semaphore_mem>>, %arg43: memref<!tpu.dma_semaphore, #tpu.memory_space<semaphore_mem>>, %arg44: memref<!tpu.dma_semaphore, #tpu.memory_space<semaphore_mem>>, %arg45: memref<!tpu.dma_semaphore, #tpu.memory_space<semaphore_mem>>) attributes {dimension_semantics = [#tpu.dimension_semantics<core_parallel>, #tpu.dimension_semantics<subcore_parallel>], iteration_bounds = array<i64: 2, 16>, scalar_prefetch = 0 : i64, scratch_operands = 37 : i64, tpu.core_type = #tpu.core_type<sc_vector_subcore>, window_params = [{transform_indices = #map}, {transform_indices = #map1}, {transform_indices = #map1}, {transform_indices = #map}, {transform_indices = #map1}, {transform_indices = #map2}, {transform_indices = #map1}]} {
    %mul3A = arith.constant 16 : i32
    %mul3A_0 = arith.muli %arg0, %mul3A : i32
    %add3A = arith.addi %mul3A_0, %arg1 : i32
    %mul3A_1 = arith.constant 632 : i32
    %mul3A_2 = arith.muli %arg1, %mul3A_1 : i32
    %mul3A_3 = arith.constant 632 : i32
    %mul3A_4 = arith.muli %arg1, %mul3A_3 : i32
    "tpu.region"() ({
      %run_scoped3A = tpu.sem_alloc : memref<!tpu.dma_semaphore, #tpu.memory_space<semaphore_mem>>
      %dma_start3A_149 = arith.constant 0 : i32
      %dma_start3A_150 = tpu.memref_slice %arg9[%mul3A_4, %dma_start3A_149] : memref<10112x128xf32, #tpu.memory_space<vmem_shared>> -> memref<632x128xf32, #tpu.memory_space<vmem_shared>>
      %dma_start3A_151 = arith.constant 0 : i32
      %dma_start3A_152 = tpu.memref_slice %arg5[%mul3A_2, %dma_start3A_151] : memref<10112x128xf32, #tpu.memory_space<hbm>> -> memref<632x128xf32, #tpu.memory_space<hbm>>
      tpu.enqueue_dma source(%dma_start3A_152 : memref<632x128xf32, #tpu.memory_space<hbm>>) target(%dma_start3A_150 : memref<632x128xf32, #tpu.memory_space<vmem_shared>>) target_semaphore(%run_scoped3A : memref<!tpu.dma_semaphore, #tpu.memory_space<semaphore_mem>>)
      %dma_wait3A_153 = arith.constant 0 : i32
      %dma_wait3A_154 = tpu.memref_slice %arg9[%mul3A_4, %dma_wait3A_153] : memref<10112x128xf32, #tpu.memory_space<vmem_shared>> -> memref<632x128xf32, #tpu.memory_space<vmem_shared>>
      %dma_wait3A_155 = arith.constant 0 : i32
      %dma_wait3A_156 = tpu.memref_slice %arg5[%mul3A_2, %dma_wait3A_155] : memref<10112x128xf32, #tpu.memory_space<hbm>> -> memref<632x128xf32, #tpu.memory_space<hbm>>
      tpu.wait_dma2 semaphore(%run_scoped3A : memref<!tpu.dma_semaphore, #tpu.memory_space<semaphore_mem>>) src(%dma_wait3A_156 : memref<632x128xf32, #tpu.memory_space<hbm>>) dst(%dma_wait3A_154 : memref<632x128xf32, #tpu.memory_space<vmem_shared>>)
      tpu.yield
    }) : () -> ()
    %mul3A_5 = arith.constant 632 : i32
    %mul3A_6 = arith.muli %arg1, %mul3A_5 : i32
    "tpu.region"() ({
      %run_scoped3A = tpu.sem_alloc : memref<!tpu.dma_semaphore, #tpu.memory_space<semaphore_mem>>
      %dma_start3A_149 = tpu.memref_slice %arg6[%mul3A_6] : memref<10112xf32, #tpu.memory_space<hbm>> -> memref<632xf32, #tpu.memory_space<hbm>>
      %dma_start3A_150 = tpu.memref_slice %arg6[%mul3A_6] : memref<10112xf32, #tpu.memory_space<hbm>> -> memref<632xf32, #tpu.memory_space<hbm>>
      tpu.enqueue_dma source(%dma_start3A_150 : memref<632xf32, #tpu.memory_space<hbm>>) target(%arg30 : memref<632xf32, #tpu.memory_space<vmem>>) target_semaphore(%run_scoped3A : memref<!tpu.dma_semaphore, #tpu.memory_space<semaphore_mem>>)
      %dma_wait3A_151 = tpu.memref_slice %arg6[%mul3A_6] : memref<10112xf32, #tpu.memory_space<hbm>> -> memref<632xf32, #tpu.memory_space<hbm>>
      %dma_wait3A_152 = tpu.memref_slice %arg6[%mul3A_6] : memref<10112xf32, #tpu.memory_space<hbm>> -> memref<632xf32, #tpu.memory_space<hbm>>
      tpu.wait_dma2 semaphore(%run_scoped3A : memref<!tpu.dma_semaphore, #tpu.memory_space<semaphore_mem>>) src(%dma_wait3A_152 : memref<632xf32, #tpu.memory_space<hbm>>) dst(%arg30 : memref<632xf32, #tpu.memory_space<vmem>>)
      tpu.yield
    }) : () -> ()
    %mul3A_7 = arith.constant 632 : i32
    %mul3A_8 = arith.muli %arg1, %mul3A_7 : i32
    "tpu.region"() ({
      %run_scoped3A = tpu.sem_alloc : memref<!tpu.dma_semaphore, #tpu.memory_space<semaphore_mem>>
      %dma_start3A_149 = tpu.memref_slice %arg10[%mul3A_8] : memref<10112xf32, #tpu.memory_space<vmem_shared>> -> memref<632xf32, #tpu.memory_space<vmem_shared>>
      %dma_start3A_150 = tpu.memref_slice %arg10[%mul3A_8] : memref<10112xf32, #tpu.memory_space<vmem_shared>> -> memref<632xf32, #tpu.memory_space<vmem_shared>>
      tpu.enqueue_dma source(%arg30 : memref<632xf32, #tpu.memory_space<vmem>>) target(%dma_start3A_150 : memref<632xf32, #tpu.memory_space<vmem_shared>>) target_semaphore(%run_scoped3A : memref<!tpu.dma_semaphore, #tpu.memory_space<semaphore_mem>>)
      %dma_wait3A_151 = tpu.memref_slice %arg10[%mul3A_8] : memref<10112xf32, #tpu.memory_space<vmem_shared>> -> memref<632xf32, #tpu.memory_space<vmem_shared>>
      %dma_wait3A_152 = tpu.memref_slice %arg10[%mul3A_8] : memref<10112xf32, #tpu.memory_space<vmem_shared>> -> memref<632xf32, #tpu.memory_space<vmem_shared>>
      tpu.wait_dma2 semaphore(%run_scoped3A : memref<!tpu.dma_semaphore, #tpu.memory_space<semaphore_mem>>) src(%arg30 : memref<632xf32, #tpu.memory_space<vmem>>) dst(%dma_wait3A_152 : memref<632xf32, #tpu.memory_space<vmem_shared>>)
      tpu.yield
    }) : () -> ()
    %broadcast_in_dim3A = arith.constant 1.000000e+00 : f32
    %broadcast_in_dim3A_9 = vector.broadcast %broadcast_in_dim3A : f32 to vector<16xf32>
    %swap3A = arith.constant 0 : index
    %swap3A_10 = tpu.vector_load %arg29[%swap3A] {strides = array<i32>} : memref<128xf32, #tpu.memory_space<vmem>>, vector<16xf32>,
    %swap3A_11 = vector.shape_cast %swap3A_10 : vector<16xf32> to vector<16xf32>
    %swap3A_12 = vector.shape_cast %broadcast_in_dim3A_9 : vector<16xf32> to vector<16xf32>
    tpu.vector_store %arg29[%swap3A], %swap3A_12 {strides = array<i32>} : memref<128xf32, #tpu.memory_space<vmem>>, vector<16xf32>,
    %broadcast_in_dim3A_13 = arith.constant 1.000000e+00 : f32
    %broadcast_in_dim3A_14 = vector.broadcast %broadcast_in_dim3A_13 : f32 to vector<16xf32>
    %swap3A_15 = arith.constant 16 : index
    %swap3A_16 = tpu.vector_load %arg29[%swap3A_15] {strides = array<i32>} : memref<128xf32, #tpu.memory_space<vmem>>, vector<16xf32>,
    %swap3A_17 = vector.shape_cast %swap3A_16 : vector<16xf32> to vector<16xf32>
    %swap3A_18 = vector.shape_cast %broadcast_in_dim3A_14 : vector<16xf32> to vector<16xf32>
    tpu.vector_store %arg29[%swap3A_15], %swap3A_18 {strides = array<i32>} : memref<128xf32, #tpu.memory_space<vmem>>, vector<16xf32>,
    %broadcast_in_dim3A_19 = arith.constant 1.000000e+00 : f32
    %broadcast_in_dim3A_20 = vector.broadcast %broadcast_in_dim3A_19 : f32 to vector<16xf32>
    %swap3A_21 = arith.constant 32 : index
    %swap3A_22 = tpu.vector_load %arg29[%swap3A_21] {strides = array<i32>} : memref<128xf32, #tpu.memory_space<vmem>>, vector<16xf32>,
    %swap3A_23 = vector.shape_cast %swap3A_22 : vector<16xf32> to vector<16xf32>
    %swap3A_24 = vector.shape_cast %broadcast_in_dim3A_20 : vector<16xf32> to vector<16xf32>
    tpu.vector_store %arg29[%swap3A_21], %swap3A_24 {strides = array<i32>} : memref<128xf32, #tpu.memory_space<vmem>>, vector<16xf32>,
    %broadcast_in_dim3A_25 = arith.constant 1.000000e+00 : f32
    %broadcast_in_dim3A_26 = vector.broadcast %broadcast_in_dim3A_25 : f32 to vector<16xf32>
    %swap3A_27 = arith.constant 48 : index
    %swap3A_28 = tpu.vector_load %arg29[%swap3A_27] {strides = array<i32>} : memref<128xf32, #tpu.memory_space<vmem>>, vector<16xf32>,
    %swap3A_29 = vector.shape_cast %swap3A_28 : vector<16xf32> to vector<16xf32>
    %swap3A_30 = vector.shape_cast %broadcast_in_dim3A_26 : vector<16xf32> to vector<16xf32>
    tpu.vector_store %arg29[%swap3A_27], %swap3A_30 {strides = array<i32>} : memref<128xf32, #tpu.memory_space<vmem>>, vector<16xf32>,
    %broadcast_in_dim3A_31 = arith.constant 1.000000e+00 : f32
    %broadcast_in_dim3A_32 = vector.broadcast %broadcast_in_dim3A_31 : f32 to vector<16xf32>
    %swap3A_33 = arith.constant 64 : index
    %swap3A_34 = tpu.vector_load %arg29[%swap3A_33] {strides = array<i32>} : memref<128xf32, #tpu.memory_space<vmem>>, vector<16xf32>,
    %swap3A_35 = vector.shape_cast %swap3A_34 : vector<16xf32> to vector<16xf32>
    %swap3A_36 = vector.shape_cast %broadcast_in_dim3A_32 : vector<16xf32> to vector<16xf32>
    tpu.vector_store %arg29[%swap3A_33], %swap3A_36 {strides = array<i32>} : memref<128xf32, #tpu.memory_space<vmem>>, vector<16xf32>,
    %broadcast_in_dim3A_37 = arith.constant 1.000000e+00 : f32
    %broadcast_in_dim3A_38 = vector.broadcast %broadcast_in_dim3A_37 : f32 to vector<16xf32>
    %swap3A_39 = arith.constant 80 : index
    %swap3A_40 = tpu.vector_load %arg29[%swap3A_39] {strides = array<i32>} : memref<128xf32, #tpu.memory_space<vmem>>, vector<16xf32>,
    %swap3A_41 = vector.shape_cast %swap3A_40 : vector<16xf32> to vector<16xf32>
    %swap3A_42 = vector.shape_cast %broadcast_in_dim3A_38 : vector<16xf32> to vector<16xf32>
    tpu.vector_store %arg29[%swap3A_39], %swap3A_42 {strides = array<i32>} : memref<128xf32, #tpu.memory_space<vmem>>, vector<16xf32>,
    %broadcast_in_dim3A_43 = arith.constant 1.000000e+00 : f32
    %broadcast_in_dim3A_44 = vector.broadcast %broadcast_in_dim3A_43 : f32 to vector<16xf32>
    %swap3A_45 = arith.constant 96 : index
    %swap3A_46 = tpu.vector_load %arg29[%swap3A_45] {strides = array<i32>} : memref<128xf32, #tpu.memory_space<vmem>>, vector<16xf32>,
    %swap3A_47 = vector.shape_cast %swap3A_46 : vector<16xf32> to vector<16xf32>
    %swap3A_48 = vector.shape_cast %broadcast_in_dim3A_44 : vector<16xf32> to vector<16xf32>
    tpu.vector_store %arg29[%swap3A_45], %swap3A_48 {strides = array<i32>} : memref<128xf32, #tpu.memory_space<vmem>>, vector<16xf32>,
    %broadcast_in_dim3A_49 = arith.constant 1.000000e+00 : f32
    %broadcast_in_dim3A_50 = vector.broadcast %broadcast_in_dim3A_49 : f32 to vector<16xf32>
    %swap3A_51 = arith.constant 112 : index
    %swap3A_52 = tpu.vector_load %arg29[%swap3A_51] {strides = array<i32>} : memref<128xf32, #tpu.memory_space<vmem>>, vector<16xf32>,
    %swap3A_53 = vector.shape_cast %swap3A_52 : vector<16xf32> to vector<16xf32>
    %swap3A_54 = vector.shape_cast %broadcast_in_dim3A_50 : vector<16xf32> to vector<16xf32>
    tpu.vector_store %arg29[%swap3A_51], %swap3A_54 {strides = array<i32>} : memref<128xf32, #tpu.memory_space<vmem>>, vector<16xf32>,
    %mul3A_55 = arith.constant 10000 : i32
    %mul3A_56 = arith.muli %add3A, %mul3A_55 : i32
    %add3A_57 = arith.constant 0 : i32
    %add3A_58 = arith.addi %mul3A_56, %add3A_57 : i32
    %dma_start3A = tpu.memref_slice %arg3[%add3A_58] : memref<320000xi32, #tpu.memory_space<hbm>> -> memref<104xi32, #tpu.memory_space<hbm>>
    %dma_start3A_59 = tpu.memref_slice %arg3[%add3A_58] : memref<320000xi32, #tpu.memory_space<hbm>> -> memref<104xi32, #tpu.memory_space<hbm>>
    tpu.enqueue_dma source(%dma_start3A_59 : memref<104xi32, #tpu.memory_space<hbm>>) target(%arg14 : memref<104xi32, #tpu.memory_space<vmem>>) target_semaphore(%arg37 : memref<!tpu.dma_semaphore, #tpu.memory_space<semaphore_mem>>)
    %dma_start3A_60 = tpu.memref_slice %arg4[%add3A_58] : memref<320000xi32, #tpu.memory_space<hbm>> -> memref<104xi32, #tpu.memory_space<hbm>>
    %dma_start3A_61 = tpu.memref_slice %arg4[%add3A_58] : memref<320000xi32, #tpu.memory_space<hbm>> -> memref<104xi32, #tpu.memory_space<hbm>>
    tpu.enqueue_dma source(%dma_start3A_61 : memref<104xi32, #tpu.memory_space<hbm>>) target(%arg20 : memref<104xi32, #tpu.memory_space<vmem>>) target_semaphore(%arg37 : memref<!tpu.dma_semaphore, #tpu.memory_space<semaphore_mem>>)
    %mul3A_62 = arith.constant 10000 : i32
    %mul3A_63 = arith.muli %add3A, %mul3A_62 : i32
    %add3A_64 = arith.constant 104 : i32
    %add3A_65 = arith.addi %mul3A_63, %add3A_64 : i32
    %dma_start3A_66 = tpu.memref_slice %arg3[%add3A_65] : memref<320000xi32, #tpu.memory_space<hbm>> -> memref<104xi32, #tpu.memory_space<hbm>>
    %dma_start3A_67 = tpu.memref_slice %arg3[%add3A_65] : memref<320000xi32, #tpu.memory_space<hbm>> -> memref<104xi32, #tpu.memory_space<hbm>>
    tpu.enqueue_dma source(%dma_start3A_67 : memref<104xi32, #tpu.memory_space<hbm>>) target(%arg15 : memref<104xi32, #tpu.memory_space<vmem>>) target_semaphore(%arg38 : memref<!tpu.dma_semaphore, #tpu.memory_space<semaphore_mem>>)
    %dma_start3A_68 = tpu.memref_slice %arg4[%add3A_65] : memref<320000xi32, #tpu.memory_space<hbm>> -> memref<104xi32, #tpu.memory_space<hbm>>
    %dma_start3A_69 = tpu.memref_slice %arg4[%add3A_65] : memref<320000xi32, #tpu.memory_space<hbm>> -> memref<104xi32, #tpu.memory_space<hbm>>
    tpu.enqueue_dma source(%dma_start3A_69 : memref<104xi32, #tpu.memory_space<hbm>>) target(%arg21 : memref<104xi32, #tpu.memory_space<vmem>>) target_semaphore(%arg38 : memref<!tpu.dma_semaphore, #tpu.memory_space<semaphore_mem>>)
    %mul3A_70 = arith.constant 10000 : i32
    %mul3A_71 = arith.muli %add3A, %mul3A_70 : i32
    %add3A_72 = arith.constant 208 : i32
    %add3A_73 = arith.addi %mul3A_71, %add3A_72 : i32
    %dma_start3A_74 = tpu.memref_slice %arg3[%add3A_73] : memref<320000xi32, #tpu.memory_space<hbm>> -> memref<104xi32, #tpu.memory_space<hbm>>
    %dma_start3A_75 = tpu.memref_slice %arg3[%add3A_73] : memref<320000xi32, #tpu.memory_space<hbm>> -> memref<104xi32, #tpu.memory_space<hbm>>
    tpu.enqueue_dma source(%dma_start3A_75 : memref<104xi32, #tpu.memory_space<hbm>>) target(%arg16 : memref<104xi32, #tpu.memory_space<vmem>>) target_semaphore(%arg39 : memref<!tpu.dma_semaphore, #tpu.memory_space<semaphore_mem>>)
    %dma_start3A_76 = tpu.memref_slice %arg4[%add3A_73] : memref<320000xi32, #tpu.memory_space<hbm>> -> memref<104xi32, #tpu.memory_space<hbm>>
    %dma_start3A_77 = tpu.memref_slice %arg4[%add3A_73] : memref<320000xi32, #tpu.memory_space<hbm>> -> memref<104xi32, #tpu.memory_space<hbm>>
    tpu.enqueue_dma source(%dma_start3A_77 : memref<104xi32, #tpu.memory_space<hbm>>) target(%arg22 : memref<104xi32, #tpu.memory_space<vmem>>) target_semaphore(%arg39 : memref<!tpu.dma_semaphore, #tpu.memory_space<semaphore_mem>>)
    %mul3A_78 = arith.constant 10000 : i32
    %mul3A_79 = arith.muli %add3A, %mul3A_78 : i32
    %add3A_80 = arith.constant 312 : i32
    %add3A_81 = arith.addi %mul3A_79, %add3A_80 : i32
    %dma_start3A_82 = tpu.memref_slice %arg3[%add3A_81] : memref<320000xi32, #tpu.memory_space<hbm>> -> memref<104xi32, #tpu.memory_space<hbm>>
    %dma_start3A_83 = tpu.memref_slice %arg3[%add3A_81] : memref<320000xi32, #tpu.memory_space<hbm>> -> memref<104xi32, #tpu.memory_space<hbm>>
    tpu.enqueue_dma source(%dma_start3A_83 : memref<104xi32, #tpu.memory_space<hbm>>) target(%arg17 : memref<104xi32, #tpu.memory_space<vmem>>) target_semaphore(%arg40 : memref<!tpu.dma_semaphore, #tpu.memory_space<semaphore_mem>>)
    %dma_start3A_84 = tpu.memref_slice %arg4[%add3A_81] : memref<320000xi32, #tpu.memory_space<hbm>> -> memref<104xi32, #tpu.memory_space<hbm>>
    %dma_start3A_85 = tpu.memref_slice %arg4[%add3A_81] : memref<320000xi32, #tpu.memory_space<hbm>> -> memref<104xi32, #tpu.memory_space<hbm>>
    tpu.enqueue_dma source(%dma_start3A_85 : memref<104xi32, #tpu.memory_space<hbm>>) target(%arg23 : memref<104xi32, #tpu.memory_space<vmem>>) target_semaphore(%arg40 : memref<!tpu.dma_semaphore, #tpu.memory_space<semaphore_mem>>)
    %mul3A_86 = arith.constant 10000 : i32
    %mul3A_87 = arith.muli %add3A, %mul3A_86 : i32
    %add3A_88 = arith.constant 416 : i32
    %add3A_89 = arith.addi %mul3A_87, %add3A_88 : i32
    %dma_start3A_90 = tpu.memref_slice %arg3[%add3A_89] : memref<320000xi32, #tpu.memory_space<hbm>> -> memref<104xi32, #tpu.memory_space<hbm>>
    %dma_start3A_91 = tpu.memref_slice %arg3[%add3A_89] : memref<320000xi32, #tpu.memory_space<hbm>> -> memref<104xi32, #tpu.memory_space<hbm>>
    tpu.enqueue_dma source(%dma_start3A_91 : memref<104xi32, #tpu.memory_space<hbm>>) target(%arg18 : memref<104xi32, #tpu.memory_space<vmem>>) target_semaphore(%arg41 : memref<!tpu.dma_semaphore, #tpu.memory_space<semaphore_mem>>)
    %dma_start3A_92 = tpu.memref_slice %arg4[%add3A_89] : memref<320000xi32, #tpu.memory_space<hbm>> -> memref<104xi32, #tpu.memory_space<hbm>>
    %dma_start3A_93 = tpu.memref_slice %arg4[%add3A_89] : memref<320000xi32, #tpu.memory_space<hbm>> -> memref<104xi32, #tpu.memory_space<hbm>>
    tpu.enqueue_dma source(%dma_start3A_93 : memref<104xi32, #tpu.memory_space<hbm>>) target(%arg24 : memref<104xi32, #tpu.memory_space<vmem>>) target_semaphore(%arg41 : memref<!tpu.dma_semaphore, #tpu.memory_space<semaphore_mem>>)
    %barrier3A = arith.constant 0 : index
    tpu.barrier barrier_id(%barrier3A)
    %mul3A_94 = arith.constant 10000 : i32
    %mul3A_95 = arith.muli %add3A, %mul3A_94 : i32
    %add3A_96 = arith.constant 0 : i32
    %add3A_97 = arith.addi %mul3A_95, %add3A_96 : i32
    %dma_wait3A = tpu.memref_slice %arg3[%add3A_97] : memref<320000xi32, #tpu.memory_space<hbm>> -> memref<104xi32, #tpu.memory_space<hbm>>
    %dma_wait3A_98 = tpu.memref_slice %arg3[%add3A_97] : memref<320000xi32, #tpu.memory_space<hbm>> -> memref<104xi32, #tpu.memory_space<hbm>>
    tpu.wait_dma2 semaphore(%arg37 : memref<!tpu.dma_semaphore, #tpu.memory_space<semaphore_mem>>) src(%dma_wait3A_98 : memref<104xi32, #tpu.memory_space<hbm>>) dst(%arg14 : memref<104xi32, #tpu.memory_space<vmem>>)
    %dma_wait3A_99 = tpu.memref_slice %arg4[%add3A_97] : memref<320000xi32, #tpu.memory_space<hbm>> -> memref<104xi32, #tpu.memory_space<hbm>>
    %dma_wait3A_100 = tpu.memref_slice %arg4[%add3A_97] : memref<320000xi32, #tpu.memory_space<hbm>> -> memref<104xi32, #tpu.memory_space<hbm>>
    tpu.wait_dma2 semaphore(%arg37 : memref<!tpu.dma_semaphore, #tpu.memory_space<semaphore_mem>>) src(%dma_wait3A_100 : memref<104xi32, #tpu.memory_space<hbm>>) dst(%arg20 : memref<104xi32, #tpu.memory_space<vmem>>)
    %dma_start3A_101 = arith.constant 0 : i32
    %dma_start3A_102 = arith.constant 0 : i32
    %dma_start3A_103 = tpu.memref_slice %arg2[%dma_start3A_101, %dma_start3A_102] : memref<10000x128xf32, #tpu.memory_space<hbm>> -> memref<10000x128xf32, #tpu.memory_space<hbm>>
    tpu.enqueue_indirect_dma source(%dma_start3A_103 : memref<10000x128xf32, #tpu.memory_space<hbm>>) target(%arg11 : memref<104x128xf32, #tpu.memory_space<vmem>>) offsets(%arg14 : memref<104xi32, #tpu.memory_space<vmem>>) semaphore(%arg31 : memref<!tpu.dma_semaphore, #tpu.memory_space<semaphore_mem>>)
    %mul3A_104 = arith.constant 10000 : i32
    %mul3A_105 = arith.muli %add3A, %mul3A_104 : i32
    %add3A_106 = arith.constant 104 : i32
    %add3A_107 = arith.addi %mul3A_105, %add3A_106 : i32
    %dma_wait3A_108 = tpu.memref_slice %arg3[%add3A_107] : memref<320000xi32, #tpu.memory_space<hbm>> -> memref<104xi32, #tpu.memory_space<hbm>>
    %dma_wait3A_109 = tpu.memref_slice %arg3[%add3A_107] : memref<320000xi32, #tpu.memory_space<hbm>> -> memref<104xi32, #tpu.memory_space<hbm>>
    tpu.wait_dma2 semaphore(%arg38 : memref<!tpu.dma_semaphore, #tpu.memory_space<semaphore_mem>>) src(%dma_wait3A_109 : memref<104xi32, #tpu.memory_space<hbm>>) dst(%arg15 : memref<104xi32, #tpu.memory_space<vmem>>)
    %dma_wait3A_110 = tpu.memref_slice %arg4[%add3A_107] : memref<320000xi32, #tpu.memory_space<hbm>> -> memref<104xi32, #tpu.memory_space<hbm>>
    %dma_wait3A_111 = tpu.memref_slice %arg4[%add3A_107] : memref<320000xi32, #tpu.memory_space<hbm>> -> memref<104xi32, #tpu.memory_space<hbm>>
    tpu.wait_dma2 semaphore(%arg38 : memref<!tpu.dma_semaphore, #tpu.memory_space<semaphore_mem>>) src(%dma_wait3A_111 : memref<104xi32, #tpu.memory_space<hbm>>) dst(%arg21 : memref<104xi32, #tpu.memory_space<vmem>>)
    %dma_start3A_112 = arith.constant 0 : i32
    %dma_start3A_113 = arith.constant 0 : i32
    %dma_start3A_114 = tpu.memref_slice %arg2[%dma_start3A_112, %dma_start3A_113] : memref<10000x128xf32, #tpu.memory_space<hbm>> -> memref<10000x128xf32, #tpu.memory_space<hbm>>
    tpu.enqueue_indirect_dma source(%dma_start3A_114 : memref<10000x128xf32, #tpu.memory_space<hbm>>) target(%arg12 : memref<104x128xf32, #tpu.memory_space<vmem>>) offsets(%arg15 : memref<104xi32, #tpu.memory_space<vmem>>) semaphore(%arg32 : memref<!tpu.dma_semaphore, #tpu.memory_space<semaphore_mem>>)
    %scan3A = arith.constant 0 : i32
    %scan3A_115 = arith.constant 0 : i32
    %scan3A_116 = arith.constant 16 : i32
    %scan3A_117 = arith.addi %scan3A_115, %scan3A_116 : i32
    %scan3A_118 = arith.constant 1 : i32
    scf.for %scan3A_149 = %scan3A_115 to %scan3A_117 step %scan3A_118  : i32 {
      %mul3A_150 = arith.constant 6 : i32
      %mul3A_151 = arith.muli %scan3A_149, %mul3A_150 : i32
      %add3A_152 = arith.constant 0 : i32
      %add3A_153 = arith.addi %mul3A_151, %add3A_152 : i32
      %dma_wait3A_154 = arith.constant 0 : i32
      %dma_wait3A_155 = arith.constant 0 : i32
      %dma_wait3A_156 = tpu.memref_slice %arg2[%dma_wait3A_154, %dma_wait3A_155] : memref<10000x128xf32, #tpu.memory_space<hbm>> -> memref<10000x128xf32, #tpu.memory_space<hbm>>
      tpu.wait_indirect_dma semaphore(%arg31 : memref<!tpu.dma_semaphore, #tpu.memory_space<semaphore_mem>>) src(%dma_wait3A_156 : memref<10000x128xf32, #tpu.memory_space<hbm>>) dst(%arg11 : memref<104x128xf32, #tpu.memory_space<vmem>>)
      %dma_start3A_157 = arith.constant 0 : i32
      %dma_start3A_158 = arith.constant 0 : i32
      %dma_start3A_159 = tpu.memref_slice %arg9[%dma_start3A_157, %dma_start3A_158] : memref<10112x128xf32, #tpu.memory_space<vmem_shared>> -> memref<10112x128xf32, #tpu.memory_space<vmem_shared>>
      tpu.enqueue_indirect_dma source(%arg11 : memref<104x128xf32, #tpu.memory_space<vmem>>) target(%dma_start3A_159 : memref<10112x128xf32, #tpu.memory_space<vmem_shared>>) offsets(%arg20 : memref<104xi32, #tpu.memory_space<vmem>>) semaphore(%arg34 : memref<!tpu.dma_semaphore, #tpu.memory_space<semaphore_mem>>) {add = true}
      %dma_start3A_160 = arith.constant 0 : i32
      %dma_start3A_161 = tpu.memref_slice %arg29[%dma_start3A_160] : memref<128xf32, #tpu.memory_space<vmem>> -> memref<104xf32, #tpu.memory_space<vmem>>
      %dma_start3A_162 = arith.constant 0 : i32
      %dma_start3A_163 = tpu.memref_slice %arg10[%dma_start3A_162] : memref<10112xf32, #tpu.memory_space<vmem_shared>> -> memref<10112xf32, #tpu.memory_space<vmem_shared>>
      tpu.enqueue_indirect_dma source(%dma_start3A_161 : memref<104xf32, #tpu.memory_space<vmem>>) target(%dma_start3A_163 : memref<10112xf32, #tpu.memory_space<vmem_shared>>) offsets(%arg20 : memref<104xi32, #tpu.memory_space<vmem>>) semaphore(%arg43 : memref<!tpu.dma_semaphore, #tpu.memory_space<semaphore_mem>>) {add = true}
      %gt3A = arith.constant 0 : i32
      %gt3A_164 = arith.cmpi sgt, %scan3A_149, %gt3A : i32
      %convert_element_type3A = arith.extui %gt3A_164 : i1 to i32
      %cond3A = arith.constant 0 : i32
      %cond3A_165 = arith.cmpi ne, %convert_element_type3A, %cond3A : i32
      scf.if %cond3A_165 {
        %sub3A_373 = arith.constant 1 : i32
        %sub3A_374 = arith.subi %add3A_153, %sub3A_373 : i32
        %dma_wait3A_375 = arith.constant 0 : i32
        %dma_wait3A_376 = arith.constant 0 : i32
        %dma_wait3A_377 = tpu.memref_slice %arg9[%dma_wait3A_375, %dma_wait3A_376] : memref<10112x128xf32, #tpu.memory_space<vmem_shared>> -> memref<10112x128xf32, #tpu.memory_space<vmem_shared>>
        tpu.wait_indirect_dma semaphore(%arg36 : memref<!tpu.dma_semaphore, #tpu.memory_space<semaphore_mem>>) src(%arg13 : memref<104x128xf32, #tpu.memory_space<vmem>>) dst(%dma_wait3A_377 : memref<10112x128xf32, #tpu.memory_space<vmem_shared>>)
        %sub3A_378 = arith.constant 1 : i32
        %sub3A_379 = arith.subi %add3A_153, %sub3A_378 : i32
        %dma_wait3A_380 = arith.constant 0 : i32
        %dma_wait3A_381 = tpu.memref_slice %arg29[%dma_wait3A_380] : memref<128xf32, #tpu.memory_space<vmem>> -> memref<104xf32, #tpu.memory_space<vmem>>
        %dma_wait3A_382 = arith.constant 0 : i32
        %dma_wait3A_383 = tpu.memref_slice %arg10[%dma_wait3A_382] : memref<10112xf32, #tpu.memory_space<vmem_shared>> -> memref<10112xf32, #tpu.memory_space<vmem_shared>>
        tpu.wait_indirect_dma semaphore(%arg45 : memref<!tpu.dma_semaphore, #tpu.memory_space<semaphore_mem>>) src(%dma_wait3A_381 : memref<104xf32, #tpu.memory_space<vmem>>) dst(%dma_wait3A_383 : memref<10112xf32, #tpu.memory_space<vmem_shared>>)
      } else {
      }
      %add3A_166 = arith.constant 5 : i32
      %add3A_167 = arith.addi %add3A_153, %add3A_166 : i32
      %lt3A = arith.constant 96 : i32
      %lt3A_168 = arith.cmpi slt, %add3A_167, %lt3A : i32
      %convert_element_type3A_169 = arith.extui %lt3A_168 : i1 to i32
      %cond3A_170 = arith.constant 0 : i32
      %cond3A_171 = arith.cmpi ne, %convert_element_type3A_169, %cond3A_170 : i32
      scf.if %cond3A_171 {
        %add3A_373 = arith.constant 5 : i32
        %add3A_374 = arith.addi %add3A_153, %add3A_373 : i32
        %mul3A_375 = arith.constant 10000 : i32
        %mul3A_376 = arith.muli %add3A, %mul3A_375 : i32
        %mul3A_377 = arith.constant 104 : i32
        %mul3A_378 = arith.muli %add3A_374, %mul3A_377 : i32
        %add3A_379 = arith.addi %mul3A_376, %mul3A_378 : i32
        %dma_start3A_380 = tpu.memref_slice %arg3[%add3A_379] : memref<320000xi32, #tpu.memory_space<hbm>> -> memref<104xi32, #tpu.memory_space<hbm>>
        %dma_start3A_381 = tpu.memref_slice %arg3[%add3A_379] : memref<320000xi32, #tpu.memory_space<hbm>> -> memref<104xi32, #tpu.memory_space<hbm>>
        tpu.enqueue_dma source(%dma_start3A_381 : memref<104xi32, #tpu.memory_space<hbm>>) target(%arg19 : memref<104xi32, #tpu.memory_space<vmem>>) target_semaphore(%arg42 : memref<!tpu.dma_semaphore, #tpu.memory_space<semaphore_mem>>)
        %dma_start3A_382 = tpu.memref_slice %arg4[%add3A_379] : memref<320000xi32, #tpu.memory_space<hbm>> -> memref<104xi32, #tpu.memory_space<hbm>>
        %dma_start3A_383 = tpu.memref_slice %arg4[%add3A_379] : memref<320000xi32, #tpu.memory_space<hbm>> -> memref<104xi32, #tpu.memory_space<hbm>>
        tpu.enqueue_dma source(%dma_start3A_383 : memref<104xi32, #tpu.memory_space<hbm>>) target(%arg25 : memref<104xi32, #tpu.memory_space<vmem>>) target_semaphore(%arg42 : memref<!tpu.dma_semaphore, #tpu.memory_space<semaphore_mem>>)
      } else {
      }
      %add3A_172 = arith.constant 2 : i32
      %add3A_173 = arith.addi %add3A_153, %add3A_172 : i32
      %lt3A_174 = arith.constant 96 : i32
      %lt3A_175 = arith.cmpi slt, %add3A_173, %lt3A_174 : i32
      %convert_element_type3A_176 = arith.extui %lt3A_175 : i1 to i32
      %cond3A_177 = arith.constant 0 : i32
      %cond3A_178 = arith.cmpi ne, %convert_element_type3A_176, %cond3A_177 : i32
      scf.if %cond3A_178 {
        %add3A_373 = arith.constant 2 : i32
        %add3A_374 = arith.addi %add3A_153, %add3A_373 : i32
        %mul3A_375 = arith.constant 10000 : i32
        %mul3A_376 = arith.muli %add3A, %mul3A_375 : i32
        %mul3A_377 = arith.constant 104 : i32
        %mul3A_378 = arith.muli %add3A_374, %mul3A_377 : i32
        %add3A_379 = arith.addi %mul3A_376, %mul3A_378 : i32
        %dma_wait3A_380 = tpu.memref_slice %arg3[%add3A_379] : memref<320000xi32, #tpu.memory_space<hbm>> -> memref<104xi32, #tpu.memory_space<hbm>>
        %dma_wait3A_381 = tpu.memref_slice %arg3[%add3A_379] : memref<320000xi32, #tpu.memory_space<hbm>> -> memref<104xi32, #tpu.memory_space<hbm>>
        tpu.wait_dma2 semaphore(%arg39 : memref<!tpu.dma_semaphore, #tpu.memory_space<semaphore_mem>>) src(%dma_wait3A_381 : memref<104xi32, #tpu.memory_space<hbm>>) dst(%arg16 : memref<104xi32, #tpu.memory_space<vmem>>)
        %dma_wait3A_382 = tpu.memref_slice %arg4[%add3A_379] : memref<320000xi32, #tpu.memory_space<hbm>> -> memref<104xi32, #tpu.memory_space<hbm>>
        %dma_wait3A_383 = tpu.memref_slice %arg4[%add3A_379] : memref<320000xi32, #tpu.memory_space<hbm>> -> memref<104xi32, #tpu.memory_space<hbm>>
        tpu.wait_dma2 semaphore(%arg39 : memref<!tpu.dma_semaphore, #tpu.memory_space<semaphore_mem>>) src(%dma_wait3A_383 : memref<104xi32, #tpu.memory_space<hbm>>) dst(%arg22 : memref<104xi32, #tpu.memory_space<vmem>>)
        %add3A_384 = arith.constant 2 : i32
        %add3A_385 = arith.addi %add3A_153, %add3A_384 : i32
        %dma_start3A_386 = arith.constant 0 : i32
        %dma_start3A_387 = arith.constant 0 : i32
        %dma_start3A_388 = tpu.memref_slice %arg2[%dma_start3A_386, %dma_start3A_387] : memref<10000x128xf32, #tpu.memory_space<hbm>> -> memref<10000x128xf32, #tpu.memory_space<hbm>>
        tpu.enqueue_indirect_dma source(%dma_start3A_388 : memref<10000x128xf32, #tpu.memory_space<hbm>>) target(%arg13 : memref<104x128xf32, #tpu.memory_space<vmem>>) offsets(%arg16 : memref<104xi32, #tpu.memory_space<vmem>>) semaphore(%arg33 : memref<!tpu.dma_semaphore, #tpu.memory_space<semaphore_mem>>)
      } else {
      }
      %mul3A_179 = arith.constant 6 : i32
      %mul3A_180 = arith.muli %scan3A_149, %mul3A_179 : i32
      %add3A_181 = arith.constant 1 : i32
      %add3A_182 = arith.addi %mul3A_180, %add3A_181 : i32
      %dma_wait3A_183 = arith.constant 0 : i32
      %dma_wait3A_184 = arith.constant 0 : i32
      %dma_wait3A_185 = tpu.memref_slice %arg2[%dma_wait3A_183, %dma_wait3A_184] : memref<10000x128xf32, #tpu.memory_space<hbm>> -> memref<10000x128xf32, #tpu.memory_space<hbm>>
      tpu.wait_indirect_dma semaphore(%arg32 : memref<!tpu.dma_semaphore, #tpu.memory_space<semaphore_mem>>) src(%dma_wait3A_185 : memref<10000x128xf32, #tpu.memory_space<hbm>>) dst(%arg12 : memref<104x128xf32, #tpu.memory_space<vmem>>)
      %dma_start3A_186 = arith.constant 0 : i32
      %dma_start3A_187 = arith.constant 0 : i32
      %dma_start3A_188 = tpu.memref_slice %arg9[%dma_start3A_186, %dma_start3A_187] : memref<10112x128xf32, #tpu.memory_space<vmem_shared>> -> memref<10112x128xf32, #tpu.memory_space<vmem_shared>>
      tpu.enqueue_indirect_dma source(%arg12 : memref<104x128xf32, #tpu.memory_space<vmem>>) target(%dma_start3A_188 : memref<10112x128xf32, #tpu.memory_space<vmem_shared>>) offsets(%arg21 : memref<104xi32, #tpu.memory_space<vmem>>) semaphore(%arg35 : memref<!tpu.dma_semaphore, #tpu.memory_space<semaphore_mem>>) {add = true}
      %dma_start3A_189 = arith.constant 0 : i32
      %dma_start3A_190 = tpu.memref_slice %arg29[%dma_start3A_189] : memref<128xf32, #tpu.memory_space<vmem>> -> memref<104xf32, #tpu.memory_space<vmem>>
      %dma_start3A_191 = arith.constant 0 : i32
      %dma_start3A_192 = tpu.memref_slice %arg10[%dma_start3A_191] : memref<10112xf32, #tpu.memory_space<vmem_shared>> -> memref<10112xf32, #tpu.memory_space<vmem_shared>>
      tpu.enqueue_indirect_dma source(%dma_start3A_190 : memref<104xf32, #tpu.memory_space<vmem>>) target(%dma_start3A_192 : memref<10112xf32, #tpu.memory_space<vmem_shared>>) offsets(%arg21 : memref<104xi32, #tpu.memory_space<vmem>>) semaphore(%arg44 : memref<!tpu.dma_semaphore, #tpu.memory_space<semaphore_mem>>) {add = true}
      %sub3A = arith.constant 1 : i32
      %sub3A_193 = arith.subi %add3A_182, %sub3A : i32
      %dma_wait3A_194 = arith.constant 0 : i32
      %dma_wait3A_195 = arith.constant 0 : i32
      %dma_wait3A_196 = tpu.memref_slice %arg9[%dma_wait3A_194, %dma_wait3A_195] : memref<10112x128xf32, #tpu.memory_space<vmem_shared>> -> memref<10112x128xf32, #tpu.memory_space<vmem_shared>>
      tpu.wait_indirect_dma semaphore(%arg34 : memref<!tpu.dma_semaphore, #tpu.memory_space<semaphore_mem>>) src(%arg11 : memref<104x128xf32, #tpu.memory_space<vmem>>) dst(%dma_wait3A_196 : memref<10112x128xf32, #tpu.memory_space<vmem_shared>>)
      %sub3A_197 = arith.constant 1 : i32
      %sub3A_198 = arith.subi %add3A_182, %sub3A_197 : i32
      %dma_wait3A_199 = arith.constant 0 : i32
      %dma_wait3A_200 = tpu.memref_slice %arg29[%dma_wait3A_199] : memref<128xf32, #tpu.memory_space<vmem>> -> memref<104xf32, #tpu.memory_space<vmem>>
      %dma_wait3A_201 = arith.constant 0 : i32
      %dma_wait3A_202 = tpu.memref_slice %arg10[%dma_wait3A_201] : memref<10112xf32, #tpu.memory_space<vmem_shared>> -> memref<10112xf32, #tpu.memory_space<vmem_shared>>
      tpu.wait_indirect_dma semaphore(%arg43 : memref<!tpu.dma_semaphore, #tpu.memory_space<semaphore_mem>>) src(%dma_wait3A_200 : memref<104xf32, #tpu.memory_space<vmem>>) dst(%dma_wait3A_202 : memref<10112xf32, #tpu.memory_space<vmem_shared>>)
      %add3A_203 = arith.constant 5 : i32
      %add3A_204 = arith.addi %add3A_182, %add3A_203 : i32
      %lt3A_205 = arith.constant 96 : i32
      %lt3A_206 = arith.cmpi slt, %add3A_204, %lt3A_205 : i32
      %convert_element_type3A_207 = arith.extui %lt3A_206 : i1 to i32
      %cond3A_208 = arith.constant 0 : i32
      %cond3A_209 = arith.cmpi ne, %convert_element_type3A_207, %cond3A_208 : i32
      scf.if %cond3A_209 {
        %add3A_373 = arith.constant 5 : i32
        %add3A_374 = arith.addi %add3A_182, %add3A_373 : i32
        %mul3A_375 = arith.constant 10000 : i32
        %mul3A_376 = arith.muli %add3A, %mul3A_375 : i32
        %mul3A_377 = arith.constant 104 : i32
        %mul3A_378 = arith.muli %add3A_374, %mul3A_377 : i32
        %add3A_379 = arith.addi %mul3A_376, %mul3A_378 : i32
        %dma_start3A_380 = tpu.memref_slice %arg3[%add3A_379] : memref<320000xi32, #tpu.memory_space<hbm>> -> memref<104xi32, #tpu.memory_space<hbm>>
        %dma_start3A_381 = tpu.memref_slice %arg3[%add3A_379] : memref<320000xi32, #tpu.memory_space<hbm>> -> memref<104xi32, #tpu.memory_space<hbm>>
        tpu.enqueue_dma source(%dma_start3A_381 : memref<104xi32, #tpu.memory_space<hbm>>) target(%arg14 : memref<104xi32, #tpu.memory_space<vmem>>) target_semaphore(%arg37 : memref<!tpu.dma_semaphore, #tpu.memory_space<semaphore_mem>>)
        %dma_start3A_382 = tpu.memref_slice %arg4[%add3A_379] : memref<320000xi32, #tpu.memory_space<hbm>> -> memref<104xi32, #tpu.memory_space<hbm>>
        %dma_start3A_383 = tpu.memref_slice %arg4[%add3A_379] : memref<320000xi32, #tpu.memory_space<hbm>> -> memref<104xi32, #tpu.memory_space<hbm>>
        tpu.enqueue_dma source(%dma_start3A_383 : memref<104xi32, #tpu.memory_space<hbm>>) target(%arg20 : memref<104xi32, #tpu.memory_space<vmem>>) target_semaphore(%arg37 : memref<!tpu.dma_semaphore, #tpu.memory_space<semaphore_mem>>)
      } else {
      }
      %add3A_210 = arith.constant 2 : i32
      %add3A_211 = arith.addi %add3A_182, %add3A_210 : i32
      %lt3A_212 = arith.constant 96 : i32
      %lt3A_213 = arith.cmpi slt, %add3A_211, %lt3A_212 : i32
      %convert_element_type3A_214 = arith.extui %lt3A_213 : i1 to i32
      %cond3A_215 = arith.constant 0 : i32
      %cond3A_216 = arith.cmpi ne, %convert_element_type3A_214, %cond3A_215 : i32
      scf.if %cond3A_216 {
        %add3A_373 = arith.constant 2 : i32
        %add3A_374 = arith.addi %add3A_182, %add3A_373 : i32
        %mul3A_375 = arith.constant 10000 : i32
        %mul3A_376 = arith.muli %add3A, %mul3A_375 : i32
        %mul3A_377 = arith.constant 104 : i32
        %mul3A_378 = arith.muli %add3A_374, %mul3A_377 : i32
        %add3A_379 = arith.addi %mul3A_376, %mul3A_378 : i32
        %dma_wait3A_380 = tpu.memref_slice %arg3[%add3A_379] : memref<320000xi32, #tpu.memory_space<hbm>> -> memref<104xi32, #tpu.memory_space<hbm>>
        %dma_wait3A_381 = tpu.memref_slice %arg3[%add3A_379] : memref<320000xi32, #tpu.memory_space<hbm>> -> memref<104xi32, #tpu.memory_space<hbm>>
        tpu.wait_dma2 semaphore(%arg40 : memref<!tpu.dma_semaphore, #tpu.memory_space<semaphore_mem>>) src(%dma_wait3A_381 : memref<104xi32, #tpu.memory_space<hbm>>) dst(%arg17 : memref<104xi32, #tpu.memory_space<vmem>>)
        %dma_wait3A_382 = tpu.memref_slice %arg4[%add3A_379] : memref<320000xi32, #tpu.memory_space<hbm>> -> memref<104xi32, #tpu.memory_space<hbm>>
        %dma_wait3A_383 = tpu.memref_slice %arg4[%add3A_379] : memref<320000xi32, #tpu.memory_space<hbm>> -> memref<104xi32, #tpu.memory_space<hbm>>
        tpu.wait_dma2 semaphore(%arg40 : memref<!tpu.dma_semaphore, #tpu.memory_space<semaphore_mem>>) src(%dma_wait3A_383 : memref<104xi32, #tpu.memory_space<hbm>>) dst(%arg23 : memref<104xi32, #tpu.memory_space<vmem>>)
        %add3A_384 = arith.constant 2 : i32
        %add3A_385 = arith.addi %add3A_182, %add3A_384 : i32
        %dma_start3A_386 = arith.constant 0 : i32
        %dma_start3A_387 = arith.constant 0 : i32
        %dma_start3A_388 = tpu.memref_slice %arg2[%dma_start3A_386, %dma_start3A_387] : memref<10000x128xf32, #tpu.memory_space<hbm>> -> memref<10000x128xf32, #tpu.memory_space<hbm>>
        tpu.enqueue_indirect_dma source(%dma_start3A_388 : memref<10000x128xf32, #tpu.memory_space<hbm>>) target(%arg11 : memref<104x128xf32, #tpu.memory_space<vmem>>) offsets(%arg17 : memref<104xi32, #tpu.memory_space<vmem>>) semaphore(%arg31 : memref<!tpu.dma_semaphore, #tpu.memory_space<semaphore_mem>>)
      } else {
      }
      %mul3A_217 = arith.constant 6 : i32
      %mul3A_218 = arith.muli %scan3A_149, %mul3A_217 : i32
      %add3A_219 = arith.constant 2 : i32
      %add3A_220 = arith.addi %mul3A_218, %add3A_219 : i32
      %dma_wait3A_221 = arith.constant 0 : i32
      %dma_wait3A_222 = arith.constant 0 : i32
      %dma_wait3A_223 = tpu.memref_slice %arg2[%dma_wait3A_221, %dma_wait3A_222] : memref<10000x128xf32, #tpu.memory_space<hbm>> -> memref<10000x128xf32, #tpu.memory_space<hbm>>
      tpu.wait_indirect_dma semaphore(%arg33 : memref<!tpu.dma_semaphore, #tpu.memory_space<semaphore_mem>>) src(%dma_wait3A_223 : memref<10000x128xf32, #tpu.memory_space<hbm>>) dst(%arg13 : memref<104x128xf32, #tpu.memory_space<vmem>>)
      %dma_start3A_224 = arith.constant 0 : i32
      %dma_start3A_225 = arith.constant 0 : i32
      %dma_start3A_226 = tpu.memref_slice %arg9[%dma_start3A_224, %dma_start3A_225] : memref<10112x128xf32, #tpu.memory_space<vmem_shared>> -> memref<10112x128xf32, #tpu.memory_space<vmem_shared>>
      tpu.enqueue_indirect_dma source(%arg13 : memref<104x128xf32, #tpu.memory_space<vmem>>) target(%dma_start3A_226 : memref<10112x128xf32, #tpu.memory_space<vmem_shared>>) offsets(%arg22 : memref<104xi32, #tpu.memory_space<vmem>>) semaphore(%arg36 : memref<!tpu.dma_semaphore, #tpu.memory_space<semaphore_mem>>) {add = true}
      %dma_start3A_227 = arith.constant 0 : i32
      %dma_start3A_228 = tpu.memref_slice %arg29[%dma_start3A_227] : memref<128xf32, #tpu.memory_space<vmem>> -> memref<104xf32, #tpu.memory_space<vmem>>
      %dma_start3A_229 = arith.constant 0 : i32
      %dma_start3A_230 = tpu.memref_slice %arg10[%dma_start3A_229] : memref<10112xf32, #tpu.memory_space<vmem_shared>> -> memref<10112xf32, #tpu.memory_space<vmem_shared>>
      tpu.enqueue_indirect_dma source(%dma_start3A_228 : memref<104xf32, #tpu.memory_space<vmem>>) target(%dma_start3A_230 : memref<10112xf32, #tpu.memory_space<vmem_shared>>) offsets(%arg22 : memref<104xi32, #tpu.memory_space<vmem>>) semaphore(%arg45 : memref<!tpu.dma_semaphore, #tpu.memory_space<semaphore_mem>>) {add = true}
      %sub3A_231 = arith.constant 1 : i32
      %sub3A_232 = arith.subi %add3A_220, %sub3A_231 : i32
      %dma_wait3A_233 = arith.constant 0 : i32
      %dma_wait3A_234 = arith.constant 0 : i32
      %dma_wait3A_235 = tpu.memref_slice %arg9[%dma_wait3A_233, %dma_wait3A_234] : memref<10112x128xf32, #tpu.memory_space<vmem_shared>> -> memref<10112x128xf32, #tpu.memory_space<vmem_shared>>
      tpu.wait_indirect_dma semaphore(%arg35 : memref<!tpu.dma_semaphore, #tpu.memory_space<semaphore_mem>>) src(%arg12 : memref<104x128xf32, #tpu.memory_space<vmem>>) dst(%dma_wait3A_235 : memref<10112x128xf32, #tpu.memory_space<vmem_shared>>)
      %sub3A_236 = arith.constant 1 : i32
      %sub3A_237 = arith.subi %add3A_220, %sub3A_236 : i32
      %dma_wait3A_238 = arith.constant 0 : i32
      %dma_wait3A_239 = tpu.memref_slice %arg29[%dma_wait3A_238] : memref<128xf32, #tpu.memory_space<vmem>> -> memref<104xf32, #tpu.memory_space<vmem>>
      %dma_wait3A_240 = arith.constant 0 : i32
      %dma_wait3A_241 = tpu.memref_slice %arg10[%dma_wait3A_240] : memref<10112xf32, #tpu.memory_space<vmem_shared>> -> memref<10112xf32, #tpu.memory_space<vmem_shared>>
      tpu.wait_indirect_dma semaphore(%arg44 : memref<!tpu.dma_semaphore, #tpu.memory_space<semaphore_mem>>) src(%dma_wait3A_239 : memref<104xf32, #tpu.memory_space<vmem>>) dst(%dma_wait3A_241 : memref<10112xf32, #tpu.memory_space<vmem_shared>>)
      %add3A_242 = arith.constant 5 : i32
      %add3A_243 = arith.addi %add3A_220, %add3A_242 : i32
      %lt3A_244 = arith.constant 96 : i32
      %lt3A_245 = arith.cmpi slt, %add3A_243, %lt3A_244 : i32
      %convert_element_type3A_246 = arith.extui %lt3A_245 : i1 to i32
      %cond3A_247 = arith.constant 0 : i32
      %cond3A_248 = arith.cmpi ne, %convert_element_type3A_246, %cond3A_247 : i32
      scf.if %cond3A_248 {
        %add3A_373 = arith.constant 5 : i32
        %add3A_374 = arith.addi %add3A_220, %add3A_373 : i32
        %mul3A_375 = arith.constant 10000 : i32
        %mul3A_376 = arith.muli %add3A, %mul3A_375 : i32
        %mul3A_377 = arith.constant 104 : i32
        %mul3A_378 = arith.muli %add3A_374, %mul3A_377 : i32
        %add3A_379 = arith.addi %mul3A_376, %mul3A_378 : i32
        %dma_start3A_380 = tpu.memref_slice %arg3[%add3A_379] : memref<320000xi32, #tpu.memory_space<hbm>> -> memref<104xi32, #tpu.memory_space<hbm>>
        %dma_start3A_381 = tpu.memref_slice %arg3[%add3A_379] : memref<320000xi32, #tpu.memory_space<hbm>> -> memref<104xi32, #tpu.memory_space<hbm>>
        tpu.enqueue_dma source(%dma_start3A_381 : memref<104xi32, #tpu.memory_space<hbm>>) target(%arg15 : memref<104xi32, #tpu.memory_space<vmem>>) target_semaphore(%arg38 : memref<!tpu.dma_semaphore, #tpu.memory_space<semaphore_mem>>)
        %dma_start3A_382 = tpu.memref_slice %arg4[%add3A_379] : memref<320000xi32, #tpu.memory_space<hbm>> -> memref<104xi32, #tpu.memory_space<hbm>>
        %dma_start3A_383 = tpu.memref_slice %arg4[%add3A_379] : memref<320000xi32, #tpu.memory_space<hbm>> -> memref<104xi32, #tpu.memory_space<hbm>>
        tpu.enqueue_dma source(%dma_start3A_383 : memref<104xi32, #tpu.memory_space<hbm>>) target(%arg21 : memref<104xi32, #tpu.memory_space<vmem>>) target_semaphore(%arg38 : memref<!tpu.dma_semaphore, #tpu.memory_space<semaphore_mem>>)
      } else {
      }
      %add3A_249 = arith.constant 2 : i32
      %add3A_250 = arith.addi %add3A_220, %add3A_249 : i32
      %lt3A_251 = arith.constant 96 : i32
      %lt3A_252 = arith.cmpi slt, %add3A_250, %lt3A_251 : i32
      %convert_element_type3A_253 = arith.extui %lt3A_252 : i1 to i32
      %cond3A_254 = arith.constant 0 : i32
      %cond3A_255 = arith.cmpi ne, %convert_element_type3A_253, %cond3A_254 : i32
      scf.if %cond3A_255 {
        %add3A_373 = arith.constant 2 : i32
        %add3A_374 = arith.addi %add3A_220, %add3A_373 : i32
        %mul3A_375 = arith.constant 10000 : i32
        %mul3A_376 = arith.muli %add3A, %mul3A_375 : i32
        %mul3A_377 = arith.constant 104 : i32
        %mul3A_378 = arith.muli %add3A_374, %mul3A_377 : i32
        %add3A_379 = arith.addi %mul3A_376, %mul3A_378 : i32
        %dma_wait3A_380 = tpu.memref_slice %arg3[%add3A_379] : memref<320000xi32, #tpu.memory_space<hbm>> -> memref<104xi32, #tpu.memory_space<hbm>>
        %dma_wait3A_381 = tpu.memref_slice %arg3[%add3A_379] : memref<320000xi32, #tpu.memory_space<hbm>> -> memref<104xi32, #tpu.memory_space<hbm>>
        tpu.wait_dma2 semaphore(%arg41 : memref<!tpu.dma_semaphore, #tpu.memory_space<semaphore_mem>>) src(%dma_wait3A_381 : memref<104xi32, #tpu.memory_space<hbm>>) dst(%arg18 : memref<104xi32, #tpu.memory_space<vmem>>)
        %dma_wait3A_382 = tpu.memref_slice %arg4[%add3A_379] : memref<320000xi32, #tpu.memory_space<hbm>> -> memref<104xi32, #tpu.memory_space<hbm>>
        %dma_wait3A_383 = tpu.memref_slice %arg4[%add3A_379] : memref<320000xi32, #tpu.memory_space<hbm>> -> memref<104xi32, #tpu.memory_space<hbm>>
        tpu.wait_dma2 semaphore(%arg41 : memref<!tpu.dma_semaphore, #tpu.memory_space<semaphore_mem>>) src(%dma_wait3A_383 : memref<104xi32, #tpu.memory_space<hbm>>) dst(%arg24 : memref<104xi32, #tpu.memory_space<vmem>>)
        %add3A_384 = arith.constant 2 : i32
        %add3A_385 = arith.addi %add3A_220, %add3A_384 : i32
        %dma_start3A_386 = arith.constant 0 : i32
        %dma_start3A_387 = arith.constant 0 : i32
        %dma_start3A_388 = tpu.memref_slice %arg2[%dma_start3A_386, %dma_start3A_387] : memref<10000x128xf32, #tpu.memory_space<hbm>> -> memref<10000x128xf32, #tpu.memory_space<hbm>>
        tpu.enqueue_indirect_dma source(%dma_start3A_388 : memref<10000x128xf32, #tpu.memory_space<hbm>>) target(%arg12 : memref<104x128xf32, #tpu.memory_space<vmem>>) offsets(%arg18 : memref<104xi32, #tpu.memory_space<vmem>>) semaphore(%arg32 : memref<!tpu.dma_semaphore, #tpu.memory_space<semaphore_mem>>)
      } else {
      }
      %mul3A_256 = arith.constant 6 : i32
      %mul3A_257 = arith.muli %scan3A_149, %mul3A_256 : i32
      %add3A_258 = arith.constant 3 : i32
      %add3A_259 = arith.addi %mul3A_257, %add3A_258 : i32
      %dma_wait3A_260 = arith.constant 0 : i32
      %dma_wait3A_261 = arith.constant 0 : i32
      %dma_wait3A_262 = tpu.memref_slice %arg2[%dma_wait3A_260, %dma_wait3A_261] : memref<10000x128xf32, #tpu.memory_space<hbm>> -> memref<10000x128xf32, #tpu.memory_space<hbm>>
      tpu.wait_indirect_dma semaphore(%arg31 : memref<!tpu.dma_semaphore, #tpu.memory_space<semaphore_mem>>) src(%dma_wait3A_262 : memref<10000x128xf32, #tpu.memory_space<hbm>>) dst(%arg11 : memref<104x128xf32, #tpu.memory_space<vmem>>)
      %dma_start3A_263 = arith.constant 0 : i32
      %dma_start3A_264 = arith.constant 0 : i32
      %dma_start3A_265 = tpu.memref_slice %arg9[%dma_start3A_263, %dma_start3A_264] : memref<10112x128xf32, #tpu.memory_space<vmem_shared>> -> memref<10112x128xf32, #tpu.memory_space<vmem_shared>>
      tpu.enqueue_indirect_dma source(%arg11 : memref<104x128xf32, #tpu.memory_space<vmem>>) target(%dma_start3A_265 : memref<10112x128xf32, #tpu.memory_space<vmem_shared>>) offsets(%arg23 : memref<104xi32, #tpu.memory_space<vmem>>) semaphore(%arg34 : memref<!tpu.dma_semaphore, #tpu.memory_space<semaphore_mem>>) {add = true}
      %dma_start3A_266 = arith.constant 0 : i32
      %dma_start3A_267 = tpu.memref_slice %arg29[%dma_start3A_266] : memref<128xf32, #tpu.memory_space<vmem>> -> memref<104xf32, #tpu.memory_space<vmem>>
      %dma_start3A_268 = arith.constant 0 : i32
      %dma_start3A_269 = tpu.memref_slice %arg10[%dma_start3A_268] : memref<10112xf32, #tpu.memory_space<vmem_shared>> -> memref<10112xf32, #tpu.memory_space<vmem_shared>>
      tpu.enqueue_indirect_dma source(%dma_start3A_267 : memref<104xf32, #tpu.memory_space<vmem>>) target(%dma_start3A_269 : memref<10112xf32, #tpu.memory_space<vmem_shared>>) offsets(%arg23 : memref<104xi32, #tpu.memory_space<vmem>>) semaphore(%arg43 : memref<!tpu.dma_semaphore, #tpu.memory_space<semaphore_mem>>) {add = true}
      %sub3A_270 = arith.constant 1 : i32
      %sub3A_271 = arith.subi %add3A_259, %sub3A_270 : i32
      %dma_wait3A_272 = arith.constant 0 : i32
      %dma_wait3A_273 = arith.constant 0 : i32
      %dma_wait3A_274 = tpu.memref_slice %arg9[%dma_wait3A_272, %dma_wait3A_273] : memref<10112x128xf32, #tpu.memory_space<vmem_shared>> -> memref<10112x128xf32, #tpu.memory_space<vmem_shared>>
      tpu.wait_indirect_dma semaphore(%arg36 : memref<!tpu.dma_semaphore, #tpu.memory_space<semaphore_mem>>) src(%arg13 : memref<104x128xf32, #tpu.memory_space<vmem>>) dst(%dma_wait3A_274 : memref<10112x128xf32, #tpu.memory_space<vmem_shared>>)
      %sub3A_275 = arith.constant 1 : i32
      %sub3A_276 = arith.subi %add3A_259, %sub3A_275 : i32
      %dma_wait3A_277 = arith.constant 0 : i32
      %dma_wait3A_278 = tpu.memref_slice %arg29[%dma_wait3A_277] : memref<128xf32, #tpu.memory_space<vmem>> -> memref<104xf32, #tpu.memory_space<vmem>>
      %dma_wait3A_279 = arith.constant 0 : i32
      %dma_wait3A_280 = tpu.memref_slice %arg10[%dma_wait3A_279] : memref<10112xf32, #tpu.memory_space<vmem_shared>> -> memref<10112xf32, #tpu.memory_space<vmem_shared>>
      tpu.wait_indirect_dma semaphore(%arg45 : memref<!tpu.dma_semaphore, #tpu.memory_space<semaphore_mem>>) src(%dma_wait3A_278 : memref<104xf32, #tpu.memory_space<vmem>>) dst(%dma_wait3A_280 : memref<10112xf32, #tpu.memory_space<vmem_shared>>)
      %add3A_281 = arith.constant 5 : i32
      %add3A_282 = arith.addi %add3A_259, %add3A_281 : i32
      %lt3A_283 = arith.constant 96 : i32
      %lt3A_284 = arith.cmpi slt, %add3A_282, %lt3A_283 : i32
      %convert_element_type3A_285 = arith.extui %lt3A_284 : i1 to i32
      %cond3A_286 = arith.constant 0 : i32
      %cond3A_287 = arith.cmpi ne, %convert_element_type3A_285, %cond3A_286 : i32
      scf.if %cond3A_287 {
        %add3A_373 = arith.constant 5 : i32
        %add3A_374 = arith.addi %add3A_259, %add3A_373 : i32
        %mul3A_375 = arith.constant 10000 : i32
        %mul3A_376 = arith.muli %add3A, %mul3A_375 : i32
        %mul3A_377 = arith.constant 104 : i32
        %mul3A_378 = arith.muli %add3A_374, %mul3A_377 : i32
        %add3A_379 = arith.addi %mul3A_376, %mul3A_378 : i32
        %dma_start3A_380 = tpu.memref_slice %arg3[%add3A_379] : memref<320000xi32, #tpu.memory_space<hbm>> -> memref<104xi32, #tpu.memory_space<hbm>>
        %dma_start3A_381 = tpu.memref_slice %arg3[%add3A_379] : memref<320000xi32, #tpu.memory_space<hbm>> -> memref<104xi32, #tpu.memory_space<hbm>>
        tpu.enqueue_dma source(%dma_start3A_381 : memref<104xi32, #tpu.memory_space<hbm>>) target(%arg16 : memref<104xi32, #tpu.memory_space<vmem>>) target_semaphore(%arg39 : memref<!tpu.dma_semaphore, #tpu.memory_space<semaphore_mem>>)
        %dma_start3A_382 = tpu.memref_slice %arg4[%add3A_379] : memref<320000xi32, #tpu.memory_space<hbm>> -> memref<104xi32, #tpu.memory_space<hbm>>
        %dma_start3A_383 = tpu.memref_slice %arg4[%add3A_379] : memref<320000xi32, #tpu.memory_space<hbm>> -> memref<104xi32, #tpu.memory_space<hbm>>
        tpu.enqueue_dma source(%dma_start3A_383 : memref<104xi32, #tpu.memory_space<hbm>>) target(%arg22 : memref<104xi32, #tpu.memory_space<vmem>>) target_semaphore(%arg39 : memref<!tpu.dma_semaphore, #tpu.memory_space<semaphore_mem>>)
      } else {
      }
      %add3A_288 = arith.constant 2 : i32
      %add3A_289 = arith.addi %add3A_259, %add3A_288 : i32
      %lt3A_290 = arith.constant 96 : i32
      %lt3A_291 = arith.cmpi slt, %add3A_289, %lt3A_290 : i32
      %convert_element_type3A_292 = arith.extui %lt3A_291 : i1 to i32
      %cond3A_293 = arith.constant 0 : i32
      %cond3A_294 = arith.cmpi ne, %convert_element_type3A_292, %cond3A_293 : i32
      scf.if %cond3A_294 {
        %add3A_373 = arith.constant 2 : i32
        %add3A_374 = arith.addi %add3A_259, %add3A_373 : i32
        %mul3A_375 = arith.constant 10000 : i32
        %mul3A_376 = arith.muli %add3A, %mul3A_375 : i32
        %mul3A_377 = arith.constant 104 : i32
        %mul3A_378 = arith.muli %add3A_374, %mul3A_377 : i32
        %add3A_379 = arith.addi %mul3A_376, %mul3A_378 : i32
        %dma_wait3A_380 = tpu.memref_slice %arg3[%add3A_379] : memref<320000xi32, #tpu.memory_space<hbm>> -> memref<104xi32, #tpu.memory_space<hbm>>
        %dma_wait3A_381 = tpu.memref_slice %arg3[%add3A_379] : memref<320000xi32, #tpu.memory_space<hbm>> -> memref<104xi32, #tpu.memory_space<hbm>>
        tpu.wait_dma2 semaphore(%arg42 : memref<!tpu.dma_semaphore, #tpu.memory_space<semaphore_mem>>) src(%dma_wait3A_381 : memref<104xi32, #tpu.memory_space<hbm>>) dst(%arg19 : memref<104xi32, #tpu.memory_space<vmem>>)
        %dma_wait3A_382 = tpu.memref_slice %arg4[%add3A_379] : memref<320000xi32, #tpu.memory_space<hbm>> -> memref<104xi32, #tpu.memory_space<hbm>>
        %dma_wait3A_383 = tpu.memref_slice %arg4[%add3A_379] : memref<320000xi32, #tpu.memory_space<hbm>> -> memref<104xi32, #tpu.memory_space<hbm>>
        tpu.wait_dma2 semaphore(%arg42 : memref<!tpu.dma_semaphore, #tpu.memory_space<semaphore_mem>>) src(%dma_wait3A_383 : memref<104xi32, #tpu.memory_space<hbm>>) dst(%arg25 : memref<104xi32, #tpu.memory_space<vmem>>)
        %add3A_384 = arith.constant 2 : i32
        %add3A_385 = arith.addi %add3A_259, %add3A_384 : i32
        %dma_start3A_386 = arith.constant 0 : i32
        %dma_start3A_387 = arith.constant 0 : i32
        %dma_start3A_388 = tpu.memref_slice %arg2[%dma_start3A_386, %dma_start3A_387] : memref<10000x128xf32, #tpu.memory_space<hbm>> -> memref<10000x128xf32, #tpu.memory_space<hbm>>
        tpu.enqueue_indirect_dma source(%dma_start3A_388 : memref<10000x128xf32, #tpu.memory_space<hbm>>) target(%arg13 : memref<104x128xf32, #tpu.memory_space<vmem>>) offsets(%arg19 : memref<104xi32, #tpu.memory_space<vmem>>) semaphore(%arg33 : memref<!tpu.dma_semaphore, #tpu.memory_space<semaphore_mem>>)
      } else {
      }
      %mul3A_295 = arith.constant 6 : i32
      %mul3A_296 = arith.muli %scan3A_149, %mul3A_295 : i32
      %add3A_297 = arith.constant 4 : i32
      %add3A_298 = arith.addi %mul3A_296, %add3A_297 : i32
      %dma_wait3A_299 = arith.constant 0 : i32
      %dma_wait3A_300 = arith.constant 0 : i32
      %dma_wait3A_301 = tpu.memref_slice %arg2[%dma_wait3A_299, %dma_wait3A_300] : memref<10000x128xf32, #tpu.memory_space<hbm>> -> memref<10000x128xf32, #tpu.memory_space<hbm>>
      tpu.wait_indirect_dma semaphore(%arg32 : memref<!tpu.dma_semaphore, #tpu.memory_space<semaphore_mem>>) src(%dma_wait3A_301 : memref<10000x128xf32, #tpu.memory_space<hbm>>) dst(%arg12 : memref<104x128xf32, #tpu.memory_space<vmem>>)
      %dma_start3A_302 = arith.constant 0 : i32
      %dma_start3A_303 = arith.constant 0 : i32
      %dma_start3A_304 = tpu.memref_slice %arg9[%dma_start3A_302, %dma_start3A_303] : memref<10112x128xf32, #tpu.memory_space<vmem_shared>> -> memref<10112x128xf32, #tpu.memory_space<vmem_shared>>
      tpu.enqueue_indirect_dma source(%arg12 : memref<104x128xf32, #tpu.memory_space<vmem>>) target(%dma_start3A_304 : memref<10112x128xf32, #tpu.memory_space<vmem_shared>>) offsets(%arg24 : memref<104xi32, #tpu.memory_space<vmem>>) semaphore(%arg35 : memref<!tpu.dma_semaphore, #tpu.memory_space<semaphore_mem>>) {add = true}
      %dma_start3A_305 = arith.constant 0 : i32
      %dma_start3A_306 = tpu.memref_slice %arg29[%dma_start3A_305] : memref<128xf32, #tpu.memory_space<vmem>> -> memref<104xf32, #tpu.memory_space<vmem>>
      %dma_start3A_307 = arith.constant 0 : i32
      %dma_start3A_308 = tpu.memref_slice %arg10[%dma_start3A_307] : memref<10112xf32, #tpu.memory_space<vmem_shared>> -> memref<10112xf32, #tpu.memory_space<vmem_shared>>
      tpu.enqueue_indirect_dma source(%dma_start3A_306 : memref<104xf32, #tpu.memory_space<vmem>>) target(%dma_start3A_308 : memref<10112xf32, #tpu.memory_space<vmem_shared>>) offsets(%arg24 : memref<104xi32, #tpu.memory_space<vmem>>) semaphore(%arg44 : memref<!tpu.dma_semaphore, #tpu.memory_space<semaphore_mem>>) {add = true}
      %sub3A_309 = arith.constant 1 : i32
      %sub3A_310 = arith.subi %add3A_298, %sub3A_309 : i32
      %dma_wait3A_311 = arith.constant 0 : i32
      %dma_wait3A_312 = arith.constant 0 : i32
      %dma_wait3A_313 = tpu.memref_slice %arg9[%dma_wait3A_311, %dma_wait3A_312] : memref<10112x128xf32, #tpu.memory_space<vmem_shared>> -> memref<10112x128xf32, #tpu.memory_space<vmem_shared>>
      tpu.wait_indirect_dma semaphore(%arg34 : memref<!tpu.dma_semaphore, #tpu.memory_space<semaphore_mem>>) src(%arg11 : memref<104x128xf32, #tpu.memory_space<vmem>>) dst(%dma_wait3A_313 : memref<10112x128xf32, #tpu.memory_space<vmem_shared>>)
      %sub3A_314 = arith.constant 1 : i32
      %sub3A_315 = arith.subi %add3A_298, %sub3A_314 : i32
      %dma_wait3A_316 = arith.constant 0 : i32
      %dma_wait3A_317 = tpu.memref_slice %arg29[%dma_wait3A_316] : memref<128xf32, #tpu.memory_space<vmem>> -> memref<104xf32, #tpu.memory_space<vmem>>
      %dma_wait3A_318 = arith.constant 0 : i32
      %dma_wait3A_319 = tpu.memref_slice %arg10[%dma_wait3A_318] : memref<10112xf32, #tpu.memory_space<vmem_shared>> -> memref<10112xf32, #tpu.memory_space<vmem_shared>>
      tpu.wait_indirect_dma semaphore(%arg43 : memref<!tpu.dma_semaphore, #tpu.memory_space<semaphore_mem>>) src(%dma_wait3A_317 : memref<104xf32, #tpu.memory_space<vmem>>) dst(%dma_wait3A_319 : memref<10112xf32, #tpu.memory_space<vmem_shared>>)
      %add3A_320 = arith.constant 5 : i32
      %add3A_321 = arith.addi %add3A_298, %add3A_320 : i32
      %lt3A_322 = arith.constant 96 : i32
      %lt3A_323 = arith.cmpi slt, %add3A_321, %lt3A_322 : i32
      %convert_element_type3A_324 = arith.extui %lt3A_323 : i1 to i32
      %cond3A_325 = arith.constant 0 : i32
      %cond3A_326 = arith.cmpi ne, %convert_element_type3A_324, %cond3A_325 : i32
      scf.if %cond3A_326 {
        %add3A_373 = arith.constant 5 : i32
        %add3A_374 = arith.addi %add3A_298, %add3A_373 : i32
        %mul3A_375 = arith.constant 10000 : i32
        %mul3A_376 = arith.muli %add3A, %mul3A_375 : i32
        %mul3A_377 = arith.constant 104 : i32
        %mul3A_378 = arith.muli %add3A_374, %mul3A_377 : i32
        %add3A_379 = arith.addi %mul3A_376, %mul3A_378 : i32
        %dma_start3A_380 = tpu.memref_slice %arg3[%add3A_379] : memref<320000xi32, #tpu.memory_space<hbm>> -> memref<104xi32, #tpu.memory_space<hbm>>
        %dma_start3A_381 = tpu.memref_slice %arg3[%add3A_379] : memref<320000xi32, #tpu.memory_space<hbm>> -> memref<104xi32, #tpu.memory_space<hbm>>
        tpu.enqueue_dma source(%dma_start3A_381 : memref<104xi32, #tpu.memory_space<hbm>>) target(%arg17 : memref<104xi32, #tpu.memory_space<vmem>>) target_semaphore(%arg40 : memref<!tpu.dma_semaphore, #tpu.memory_space<semaphore_mem>>)
        %dma_start3A_382 = tpu.memref_slice %arg4[%add3A_379] : memref<320000xi32, #tpu.memory_space<hbm>> -> memref<104xi32, #tpu.memory_space<hbm>>
        %dma_start3A_383 = tpu.memref_slice %arg4[%add3A_379] : memref<320000xi32, #tpu.memory_space<hbm>> -> memref<104xi32, #tpu.memory_space<hbm>>
        tpu.enqueue_dma source(%dma_start3A_383 : memref<104xi32, #tpu.memory_space<hbm>>) target(%arg23 : memref<104xi32, #tpu.memory_space<vmem>>) target_semaphore(%arg40 : memref<!tpu.dma_semaphore, #tpu.memory_space<semaphore_mem>>)
      } else {
      }
      %add3A_327 = arith.constant 2 : i32
      %add3A_328 = arith.addi %add3A_298, %add3A_327 : i32
      %lt3A_329 = arith.constant 96 : i32
      %lt3A_330 = arith.cmpi slt, %add3A_328, %lt3A_329 : i32
      %convert_element_type3A_331 = arith.extui %lt3A_330 : i1 to i32
      %cond3A_332 = arith.constant 0 : i32
      %cond3A_333 = arith.cmpi ne, %convert_element_type3A_331, %cond3A_332 : i32
      scf.if %cond3A_333 {
        %add3A_373 = arith.constant 2 : i32
        %add3A_374 = arith.addi %add3A_298, %add3A_373 : i32
        %mul3A_375 = arith.constant 10000 : i32
        %mul3A_376 = arith.muli %add3A, %mul3A_375 : i32
        %mul3A_377 = arith.constant 104 : i32
        %mul3A_378 = arith.muli %add3A_374, %mul3A_377 : i32
        %add3A_379 = arith.addi %mul3A_376, %mul3A_378 : i32
        %dma_wait3A_380 = tpu.memref_slice %arg3[%add3A_379] : memref<320000xi32, #tpu.memory_space<hbm>> -> memref<104xi32, #tpu.memory_space<hbm>>
        %dma_wait3A_381 = tpu.memref_slice %arg3[%add3A_379] : memref<320000xi32, #tpu.memory_space<hbm>> -> memref<104xi32, #tpu.memory_space<hbm>>
        tpu.wait_dma2 semaphore(%arg37 : memref<!tpu.dma_semaphore, #tpu.memory_space<semaphore_mem>>) src(%dma_wait3A_381 : memref<104xi32, #tpu.memory_space<hbm>>) dst(%arg14 : memref<104xi32, #tpu.memory_space<vmem>>)
        %dma_wait3A_382 = tpu.memref_slice %arg4[%add3A_379] : memref<320000xi32, #tpu.memory_space<hbm>> -> memref<104xi32, #tpu.memory_space<hbm>>
        %dma_wait3A_383 = tpu.memref_slice %arg4[%add3A_379] : memref<320000xi32, #tpu.memory_space<hbm>> -> memref<104xi32, #tpu.memory_space<hbm>>
        tpu.wait_dma2 semaphore(%arg37 : memref<!tpu.dma_semaphore, #tpu.memory_space<semaphore_mem>>) src(%dma_wait3A_383 : memref<104xi32, #tpu.memory_space<hbm>>) dst(%arg20 : memref<104xi32, #tpu.memory_space<vmem>>)
        %add3A_384 = arith.constant 2 : i32
        %add3A_385 = arith.addi %add3A_298, %add3A_384 : i32
        %dma_start3A_386 = arith.constant 0 : i32
        %dma_start3A_387 = arith.constant 0 : i32
        %dma_start3A_388 = tpu.memref_slice %arg2[%dma_start3A_386, %dma_start3A_387] : memref<10000x128xf32, #tpu.memory_space<hbm>> -> memref<10000x128xf32, #tpu.memory_space<hbm>>
        tpu.enqueue_indirect_dma source(%dma_start3A_388 : memref<10000x128xf32, #tpu.memory_space<hbm>>) target(%arg11 : memref<104x128xf32, #tpu.memory_space<vmem>>) offsets(%arg14 : memref<104xi32, #tpu.memory_space<vmem>>) semaphore(%arg31 : memref<!tpu.dma_semaphore, #tpu.memory_space<semaphore_mem>>)
      } else {
      }
      %mul3A_334 = arith.constant 6 : i32
      %mul3A_335 = arith.muli %scan3A_149, %mul3A_334 : i32
      %add3A_336 = arith.constant 5 : i32
      %add3A_337 = arith.addi %mul3A_335, %add3A_336 : i32
      %dma_wait3A_338 = arith.constant 0 : i32
      %dma_wait3A_339 = arith.constant 0 : i32
      %dma_wait3A_340 = tpu.memref_slice %arg2[%dma_wait3A_338, %dma_wait3A_339] : memref<10000x128xf32, #tpu.memory_space<hbm>> -> memref<10000x128xf32, #tpu.memory_space<hbm>>
      tpu.wait_indirect_dma semaphore(%arg33 : memref<!tpu.dma_semaphore, #tpu.memory_space<semaphore_mem>>) src(%dma_wait3A_340 : memref<10000x128xf32, #tpu.memory_space<hbm>>) dst(%arg13 : memref<104x128xf32, #tpu.memory_space<vmem>>)
      %dma_start3A_341 = arith.constant 0 : i32
      %dma_start3A_342 = arith.constant 0 : i32
      %dma_start3A_343 = tpu.memref_slice %arg9[%dma_start3A_341, %dma_start3A_342] : memref<10112x128xf32, #tpu.memory_space<vmem_shared>> -> memref<10112x128xf32, #tpu.memory_space<vmem_shared>>
      tpu.enqueue_indirect_dma source(%arg13 : memref<104x128xf32, #tpu.memory_space<vmem>>) target(%dma_start3A_343 : memref<10112x128xf32, #tpu.memory_space<vmem_shared>>) offsets(%arg25 : memref<104xi32, #tpu.memory_space<vmem>>) semaphore(%arg36 : memref<!tpu.dma_semaphore, #tpu.memory_space<semaphore_mem>>) {add = true}
      %dma_start3A_344 = arith.constant 0 : i32
      %dma_start3A_345 = tpu.memref_slice %arg29[%dma_start3A_344] : memref<128xf32, #tpu.memory_space<vmem>> -> memref<104xf32, #tpu.memory_space<vmem>>
      %dma_start3A_346 = arith.constant 0 : i32
      %dma_start3A_347 = tpu.memref_slice %arg10[%dma_start3A_346] : memref<10112xf32, #tpu.memory_space<vmem_shared>> -> memref<10112xf32, #tpu.memory_space<vmem_shared>>
      tpu.enqueue_indirect_dma source(%dma_start3A_345 : memref<104xf32, #tpu.memory_space<vmem>>) target(%dma_start3A_347 : memref<10112xf32, #tpu.memory_space<vmem_shared>>) offsets(%arg25 : memref<104xi32, #tpu.memory_space<vmem>>) semaphore(%arg45 : memref<!tpu.dma_semaphore, #tpu.memory_space<semaphore_mem>>) {add = true}
      %sub3A_348 = arith.constant 1 : i32
      %sub3A_349 = arith.subi %add3A_337, %sub3A_348 : i32
      %dma_wait3A_350 = arith.constant 0 : i32
      %dma_wait3A_351 = arith.constant 0 : i32
      %dma_wait3A_352 = tpu.memref_slice %arg9[%dma_wait3A_350, %dma_wait3A_351] : memref<10112x128xf32, #tpu.memory_space<vmem_shared>> -> memref<10112x128xf32, #tpu.memory_space<vmem_shared>>
      tpu.wait_indirect_dma semaphore(%arg35 : memref<!tpu.dma_semaphore, #tpu.memory_space<semaphore_mem>>) src(%arg12 : memref<104x128xf32, #tpu.memory_space<vmem>>) dst(%dma_wait3A_352 : memref<10112x128xf32, #tpu.memory_space<vmem_shared>>)
      %sub3A_353 = arith.constant 1 : i32
      %sub3A_354 = arith.subi %add3A_337, %sub3A_353 : i32
      %dma_wait3A_355 = arith.constant 0 : i32
      %dma_wait3A_356 = tpu.memref_slice %arg29[%dma_wait3A_355] : memref<128xf32, #tpu.memory_space<vmem>> -> memref<104xf32, #tpu.memory_space<vmem>>
      %dma_wait3A_357 = arith.constant 0 : i32
      %dma_wait3A_358 = tpu.memref_slice %arg10[%dma_wait3A_357] : memref<10112xf32, #tpu.memory_space<vmem_shared>> -> memref<10112xf32, #tpu.memory_space<vmem_shared>>
      tpu.wait_indirect_dma semaphore(%arg44 : memref<!tpu.dma_semaphore, #tpu.memory_space<semaphore_mem>>) src(%dma_wait3A_356 : memref<104xf32, #tpu.memory_space<vmem>>) dst(%dma_wait3A_358 : memref<10112xf32, #tpu.memory_space<vmem_shared>>)
      %add3A_359 = arith.constant 5 : i32
      %add3A_360 = arith.addi %add3A_337, %add3A_359 : i32
      %lt3A_361 = arith.constant 96 : i32
      %lt3A_362 = arith.cmpi slt, %add3A_360, %lt3A_361 : i32
      %convert_element_type3A_363 = arith.extui %lt3A_362 : i1 to i32
      %cond3A_364 = arith.constant 0 : i32
      %cond3A_365 = arith.cmpi ne, %convert_element_type3A_363, %cond3A_364 : i32
      scf.if %cond3A_365 {
        %add3A_373 = arith.constant 5 : i32
        %add3A_374 = arith.addi %add3A_337, %add3A_373 : i32
        %mul3A_375 = arith.constant 10000 : i32
        %mul3A_376 = arith.muli %add3A, %mul3A_375 : i32
        %mul3A_377 = arith.constant 104 : i32
        %mul3A_378 = arith.muli %add3A_374, %mul3A_377 : i32
        %add3A_379 = arith.addi %mul3A_376, %mul3A_378 : i32
        %dma_start3A_380 = tpu.memref_slice %arg3[%add3A_379] : memref<320000xi32, #tpu.memory_space<hbm>> -> memref<104xi32, #tpu.memory_space<hbm>>
        %dma_start3A_381 = tpu.memref_slice %arg3[%add3A_379] : memref<320000xi32, #tpu.memory_space<hbm>> -> memref<104xi32, #tpu.memory_space<hbm>>
        tpu.enqueue_dma source(%dma_start3A_381 : memref<104xi32, #tpu.memory_space<hbm>>) target(%arg18 : memref<104xi32, #tpu.memory_space<vmem>>) target_semaphore(%arg41 : memref<!tpu.dma_semaphore, #tpu.memory_space<semaphore_mem>>)
        %dma_start3A_382 = tpu.memref_slice %arg4[%add3A_379] : memref<320000xi32, #tpu.memory_space<hbm>> -> memref<104xi32, #tpu.memory_space<hbm>>
        %dma_start3A_383 = tpu.memref_slice %arg4[%add3A_379] : memref<320000xi32, #tpu.memory_space<hbm>> -> memref<104xi32, #tpu.memory_space<hbm>>
        tpu.enqueue_dma source(%dma_start3A_383 : memref<104xi32, #tpu.memory_space<hbm>>) target(%arg24 : memref<104xi32, #tpu.memory_space<vmem>>) target_semaphore(%arg41 : memref<!tpu.dma_semaphore, #tpu.memory_space<semaphore_mem>>)
      } else {
      }
      %add3A_366 = arith.constant 2 : i32
      %add3A_367 = arith.addi %add3A_337, %add3A_366 : i32
      %lt3A_368 = arith.constant 96 : i32
      %lt3A_369 = arith.cmpi slt, %add3A_367, %lt3A_368 : i32
      %convert_element_type3A_370 = arith.extui %lt3A_369 : i1 to i32
      %cond3A_371 = arith.constant 0 : i32
      %cond3A_372 = arith.cmpi ne, %convert_element_type3A_370, %cond3A_371 : i32
      scf.if %cond3A_372 {
        %add3A_373 = arith.constant 2 : i32
        %add3A_374 = arith.addi %add3A_337, %add3A_373 : i32
        %mul3A_375 = arith.constant 10000 : i32
        %mul3A_376 = arith.muli %add3A, %mul3A_375 : i32
        %mul3A_377 = arith.constant 104 : i32
        %mul3A_378 = arith.muli %add3A_374, %mul3A_377 : i32
        %add3A_379 = arith.addi %mul3A_376, %mul3A_378 : i32
        %dma_wait3A_380 = tpu.memref_slice %arg3[%add3A_379] : memref<320000xi32, #tpu.memory_space<hbm>> -> memref<104xi32, #tpu.memory_space<hbm>>
        %dma_wait3A_381 = tpu.memref_slice %arg3[%add3A_379] : memref<320000xi32, #tpu.memory_space<hbm>> -> memref<104xi32, #tpu.memory_space<hbm>>
        tpu.wait_dma2 semaphore(%arg38 : memref<!tpu.dma_semaphore, #tpu.memory_space<semaphore_mem>>) src(%dma_wait3A_381 : memref<104xi32, #tpu.memory_space<hbm>>) dst(%arg15 : memref<104xi32, #tpu.memory_space<vmem>>)
        %dma_wait3A_382 = tpu.memref_slice %arg4[%add3A_379] : memref<320000xi32, #tpu.memory_space<hbm>> -> memref<104xi32, #tpu.memory_space<hbm>>
        %dma_wait3A_383 = tpu.memref_slice %arg4[%add3A_379] : memref<320000xi32, #tpu.memory_space<hbm>> -> memref<104xi32, #tpu.memory_space<hbm>>
        tpu.wait_dma2 semaphore(%arg38 : memref<!tpu.dma_semaphore, #tpu.memory_space<semaphore_mem>>) src(%dma_wait3A_383 : memref<104xi32, #tpu.memory_space<hbm>>) dst(%arg21 : memref<104xi32, #tpu.memory_space<vmem>>)
        %add3A_384 = arith.constant 2 : i32
        %add3A_385 = arith.addi %add3A_337, %add3A_384 : i32
        %dma_start3A_386 = arith.constant 0 : i32
        %dma_start3A_387 = arith.constant 0 : i32
        %dma_start3A_388 = tpu.memref_slice %arg2[%dma_start3A_386, %dma_start3A_387] : memref<10000x128xf32, #tpu.memory_space<hbm>> -> memref<10000x128xf32, #tpu.memory_space<hbm>>
        tpu.enqueue_indirect_dma source(%dma_start3A_388 : memref<10000x128xf32, #tpu.memory_space<hbm>>) target(%arg12 : memref<104x128xf32, #tpu.memory_space<vmem>>) offsets(%arg15 : memref<104xi32, #tpu.memory_space<vmem>>) semaphore(%arg32 : memref<!tpu.dma_semaphore, #tpu.memory_space<semaphore_mem>>)
      } else {
      }
    }
    %scan3A_119 = arith.constant 16 : i32
    %mul3A_120 = arith.constant 10000 : i32
    %mul3A_121 = arith.muli %add3A, %mul3A_120 : i32
    %add3A_122 = arith.constant 9984 : i32
    %add3A_123 = arith.addi %mul3A_121, %add3A_122 : i32
    "tpu.region"() ({
      %run_scoped3A = tpu.sem_alloc : memref<!tpu.dma_semaphore, #tpu.memory_space<semaphore_mem>>
      %dma_start3A_149 = tpu.memref_slice %arg3[%add3A_123] : memref<320000xi32, #tpu.memory_space<hbm>> -> memref<16xi32, #tpu.memory_space<hbm>>
      %dma_start3A_150 = tpu.memref_slice %arg3[%add3A_123] : memref<320000xi32, #tpu.memory_space<hbm>> -> memref<16xi32, #tpu.memory_space<hbm>>
      tpu.enqueue_dma source(%dma_start3A_150 : memref<16xi32, #tpu.memory_space<hbm>>) target(%arg26 : memref<16xi32, #tpu.memory_space<vmem>>) target_semaphore(%run_scoped3A : memref<!tpu.dma_semaphore, #tpu.memory_space<semaphore_mem>>)
      %dma_wait3A_151 = tpu.memref_slice %arg3[%add3A_123] : memref<320000xi32, #tpu.memory_space<hbm>> -> memref<16xi32, #tpu.memory_space<hbm>>
      %dma_wait3A_152 = tpu.memref_slice %arg3[%add3A_123] : memref<320000xi32, #tpu.memory_space<hbm>> -> memref<16xi32, #tpu.memory_space<hbm>>
      tpu.wait_dma2 semaphore(%run_scoped3A : memref<!tpu.dma_semaphore, #tpu.memory_space<semaphore_mem>>) src(%dma_wait3A_152 : memref<16xi32, #tpu.memory_space<hbm>>) dst(%arg26 : memref<16xi32, #tpu.memory_space<vmem>>)
      tpu.yield
    }) : () -> ()
    "tpu.region"() ({
      %run_scoped3A = tpu.sem_alloc : memref<!tpu.dma_semaphore, #tpu.memory_space<semaphore_mem>>
      %dma_start3A_149 = tpu.memref_slice %arg4[%add3A_123] : memref<320000xi32, #tpu.memory_space<hbm>> -> memref<16xi32, #tpu.memory_space<hbm>>
      %dma_start3A_150 = tpu.memref_slice %arg4[%add3A_123] : memref<320000xi32, #tpu.memory_space<hbm>> -> memref<16xi32, #tpu.memory_space<hbm>>
      tpu.enqueue_dma source(%dma_start3A_150 : memref<16xi32, #tpu.memory_space<hbm>>) target(%arg27 : memref<16xi32, #tpu.memory_space<vmem>>) target_semaphore(%run_scoped3A : memref<!tpu.dma_semaphore, #tpu.memory_space<semaphore_mem>>)
      %dma_wait3A_151 = tpu.memref_slice %arg4[%add3A_123] : memref<320000xi32, #tpu.memory_space<hbm>> -> memref<16xi32, #tpu.memory_space<hbm>>
      %dma_wait3A_152 = tpu.memref_slice %arg4[%add3A_123] : memref<320000xi32, #tpu.memory_space<hbm>> -> memref<16xi32, #tpu.memory_space<hbm>>
      tpu.wait_dma2 semaphore(%run_scoped3A : memref<!tpu.dma_semaphore, #tpu.memory_space<semaphore_mem>>) src(%dma_wait3A_152 : memref<16xi32, #tpu.memory_space<hbm>>) dst(%arg27 : memref<16xi32, #tpu.memory_space<vmem>>)
      tpu.yield
    }) : () -> ()
    %dma_start3A_124 = arith.constant 0 : i32
    %dma_start3A_125 = arith.constant 0 : i32
    %dma_start3A_126 = tpu.memref_slice %arg2[%dma_start3A_124, %dma_start3A_125] : memref<10000x128xf32, #tpu.memory_space<hbm>> -> memref<10000x128xf32, #tpu.memory_space<hbm>>
    tpu.enqueue_indirect_dma source(%dma_start3A_126 : memref<10000x128xf32, #tpu.memory_space<hbm>>) target(%arg28 : memref<16x128xf32, #tpu.memory_space<vmem>>) offsets(%arg26 : memref<16xi32, #tpu.memory_space<vmem>>) semaphore(%arg31 : memref<!tpu.dma_semaphore, #tpu.memory_space<semaphore_mem>>)
    %dma_wait3A_127 = arith.constant 0 : i32
    %dma_wait3A_128 = arith.constant 0 : i32
    %dma_wait3A_129 = tpu.memref_slice %arg2[%dma_wait3A_127, %dma_wait3A_128] : memref<10000x128xf32, #tpu.memory_space<hbm>> -> memref<10000x128xf32, #tpu.memory_space<hbm>>
    tpu.wait_indirect_dma semaphore(%arg31 : memref<!tpu.dma_semaphore, #tpu.memory_space<semaphore_mem>>) src(%dma_wait3A_129 : memref<10000x128xf32, #tpu.memory_space<hbm>>) dst(%arg28 : memref<16x128xf32, #tpu.memory_space<vmem>>)
    "tpu.region"() ({
      %run_scoped3A = tpu.sem_alloc : memref<!tpu.dma_semaphore, #tpu.memory_space<semaphore_mem>>
      %dma_start3A_149 = arith.constant 0 : i32
      %dma_start3A_150 = arith.constant 0 : i32
      %dma_start3A_151 = tpu.memref_slice %arg9[%dma_start3A_149, %dma_start3A_150] : memref<10112x128xf32, #tpu.memory_space<vmem_shared>> -> memref<10112x128xf32, #tpu.memory_space<vmem_shared>>
      tpu.enqueue_indirect_dma source(%arg28 : memref<16x128xf32, #tpu.memory_space<vmem>>) target(%dma_start3A_151 : memref<10112x128xf32, #tpu.memory_space<vmem_shared>>) offsets(%arg27 : memref<16xi32, #tpu.memory_space<vmem>>) semaphore(%run_scoped3A : memref<!tpu.dma_semaphore, #tpu.memory_space<semaphore_mem>>) {add = true}
      %dma_wait3A_152 = arith.constant 0 : i32
      %dma_wait3A_153 = arith.constant 0 : i32
      %dma_wait3A_154 = tpu.memref_slice %arg9[%dma_wait3A_152, %dma_wait3A_153] : memref<10112x128xf32, #tpu.memory_space<vmem_shared>> -> memref<10112x128xf32, #tpu.memory_space<vmem_shared>>
      tpu.wait_indirect_dma semaphore(%run_scoped3A : memref<!tpu.dma_semaphore, #tpu.memory_space<semaphore_mem>>) src(%arg28 : memref<16x128xf32, #tpu.memory_space<vmem>>) dst(%dma_wait3A_154 : memref<10112x128xf32, #tpu.memory_space<vmem_shared>>)
      tpu.yield
    }) : () -> ()
    "tpu.region"() ({
      %run_scoped3A = tpu.sem_alloc : memref<!tpu.dma_semaphore, #tpu.memory_space<semaphore_mem>>
      %dma_start3A_149 = arith.constant 0 : i32
      %dma_start3A_150 = tpu.memref_slice %arg29[%dma_start3A_149] : memref<128xf32, #tpu.memory_space<vmem>> -> memref<16xf32, #tpu.memory_space<vmem>>
      %dma_start3A_151 = arith.constant 0 : i32
      %dma_start3A_152 = tpu.memref_slice %arg10[%dma_start3A_151] : memref<10112xf32, #tpu.memory_space<vmem_shared>> -> memref<10112xf32, #tpu.memory_space<vmem_shared>>
      tpu.enqueue_indirect_dma source(%dma_start3A_150 : memref<16xf32, #tpu.memory_space<vmem>>) target(%dma_start3A_152 : memref<10112xf32, #tpu.memory_space<vmem_shared>>) offsets(%arg27 : memref<16xi32, #tpu.memory_space<vmem>>) semaphore(%run_scoped3A : memref<!tpu.dma_semaphore, #tpu.memory_space<semaphore_mem>>) {add = true}
      %dma_wait3A_153 = arith.constant 0 : i32
      %dma_wait3A_154 = tpu.memref_slice %arg29[%dma_wait3A_153] : memref<128xf32, #tpu.memory_space<vmem>> -> memref<16xf32, #tpu.memory_space<vmem>>
      %dma_wait3A_155 = arith.constant 0 : i32
      %dma_wait3A_156 = tpu.memref_slice %arg10[%dma_wait3A_155] : memref<10112xf32, #tpu.memory_space<vmem_shared>> -> memref<10112xf32, #tpu.memory_space<vmem_shared>>
      tpu.wait_indirect_dma semaphore(%run_scoped3A : memref<!tpu.dma_semaphore, #tpu.memory_space<semaphore_mem>>) src(%dma_wait3A_154 : memref<16xf32, #tpu.memory_space<vmem>>) dst(%dma_wait3A_156 : memref<10112xf32, #tpu.memory_space<vmem_shared>>)
      tpu.yield
    }) : () -> ()
    %dma_wait3A_130 = arith.constant 0 : i32
    %dma_wait3A_131 = arith.constant 0 : i32
    %dma_wait3A_132 = tpu.memref_slice %arg9[%dma_wait3A_130, %dma_wait3A_131] : memref<10112x128xf32, #tpu.memory_space<vmem_shared>> -> memref<10112x128xf32, #tpu.memory_space<vmem_shared>>
    tpu.wait_indirect_dma semaphore(%arg36 : memref<!tpu.dma_semaphore, #tpu.memory_space<semaphore_mem>>) src(%arg13 : memref<104x128xf32, #tpu.memory_space<vmem>>) dst(%dma_wait3A_132 : memref<10112x128xf32, #tpu.memory_space<vmem_shared>>)
    %dma_wait3A_133 = arith.constant 0 : i32
    %dma_wait3A_134 = tpu.memref_slice %arg29[%dma_wait3A_133] : memref<128xf32, #tpu.memory_space<vmem>> -> memref<104xf32, #tpu.memory_space<vmem>>
    %dma_wait3A_135 = arith.constant 0 : i32
    %dma_wait3A_136 = tpu.memref_slice %arg10[%dma_wait3A_135] : memref<10112xf32, #tpu.memory_space<vmem_shared>> -> memref<10112xf32, #tpu.memory_space<vmem_shared>>
    tpu.wait_indirect_dma semaphore(%arg45 : memref<!tpu.dma_semaphore, #tpu.memory_space<semaphore_mem>>) src(%dma_wait3A_134 : memref<104xf32, #tpu.memory_space<vmem>>) dst(%dma_wait3A_136 : memref<10112xf32, #tpu.memory_space<vmem_shared>>)
    %barrier3A_137 = arith.constant 0 : index
    tpu.barrier barrier_id(%barrier3A_137)
    %mul3A_138 = arith.constant 632 : i32
    %mul3A_139 = arith.muli %arg1, %mul3A_138 : i32
    %mul3A_140 = arith.constant 632 : i32
    %mul3A_141 = arith.muli %arg1, %mul3A_140 : i32
    "tpu.region"() ({
      %run_scoped3A = tpu.sem_alloc : memref<!tpu.dma_semaphore, #tpu.memory_space<semaphore_mem>>
      %dma_start3A_149 = arith.constant 0 : i32
      %dma_start3A_150 = tpu.memref_slice %arg7[%arg0, %mul3A_141, %dma_start3A_149] : memref<2x10112x128xf32, #tpu.memory_space<hbm>> -> memref<1x632x128xf32, #tpu.memory_space<hbm>>
      %dma_start3A_151 = tpu.memref_squeeze %dma_start3A_150 : memref<1x632x128xf32, #tpu.memory_space<hbm>> -> memref<632x128xf32, #tpu.memory_space<hbm>>
      %dma_start3A_152 = arith.constant 0 : i32
      %dma_start3A_153 = tpu.memref_slice %arg9[%mul3A_139, %dma_start3A_152] : memref<10112x128xf32, #tpu.memory_space<vmem_shared>> -> memref<632x128xf32, #tpu.memory_space<vmem_shared>>
      tpu.enqueue_dma source(%dma_start3A_153 : memref<632x128xf32, #tpu.memory_space<vmem_shared>>) target(%dma_start3A_151 : memref<632x128xf32, #tpu.memory_space<hbm>>) target_semaphore(%run_scoped3A : memref<!tpu.dma_semaphore, #tpu.memory_space<semaphore_mem>>)
      %dma_wait3A_154 = arith.constant 0 : i32
      %dma_wait3A_155 = tpu.memref_slice %arg7[%arg0, %mul3A_141, %dma_wait3A_154] : memref<2x10112x128xf32, #tpu.memory_space<hbm>> -> memref<1x632x128xf32, #tpu.memory_space<hbm>>
      %dma_wait3A_156 = tpu.memref_squeeze %dma_wait3A_155 : memref<1x632x128xf32, #tpu.memory_space<hbm>> -> memref<632x128xf32, #tpu.memory_space<hbm>>
      %dma_wait3A_157 = arith.constant 0 : i32
      %dma_wait3A_158 = tpu.memref_slice %arg9[%mul3A_139, %dma_wait3A_157] : memref<10112x128xf32, #tpu.memory_space<vmem_shared>> -> memref<632x128xf32, #tpu.memory_space<vmem_shared>>
      tpu.wait_dma2 semaphore(%run_scoped3A : memref<!tpu.dma_semaphore, #tpu.memory_space<semaphore_mem>>) src(%dma_wait3A_158 : memref<632x128xf32, #tpu.memory_space<vmem_shared>>) dst(%dma_wait3A_156 : memref<632x128xf32, #tpu.memory_space<hbm>>)
      tpu.yield
    }) : () -> ()
    %mul3A_142 = arith.constant 632 : i32
    %mul3A_143 = arith.muli %arg1, %mul3A_142 : i32
    "tpu.region"() ({
      %run_scoped3A = tpu.sem_alloc : memref<!tpu.dma_semaphore, #tpu.memory_space<semaphore_mem>>
      %dma_start3A_149 = tpu.memref_slice %arg10[%mul3A_143] : memref<10112xf32, #tpu.memory_space<vmem_shared>> -> memref<632xf32, #tpu.memory_space<vmem_shared>>
      %dma_start3A_150 = tpu.memref_slice %arg10[%mul3A_143] : memref<10112xf32, #tpu.memory_space<vmem_shared>> -> memref<632xf32, #tpu.memory_space<vmem_shared>>
      tpu.enqueue_dma source(%dma_start3A_150 : memref<632xf32, #tpu.memory_space<vmem_shared>>) target(%arg30 : memref<632xf32, #tpu.memory_space<vmem>>) target_semaphore(%run_scoped3A : memref<!tpu.dma_semaphore, #tpu.memory_space<semaphore_mem>>)
      %dma_wait3A_151 = tpu.memref_slice %arg10[%mul3A_143] : memref<10112xf32, #tpu.memory_space<vmem_shared>> -> memref<632xf32, #tpu.memory_space<vmem_shared>>
      %dma_wait3A_152 = tpu.memref_slice %arg10[%mul3A_143] : memref<10112xf32, #tpu.memory_space<vmem_shared>> -> memref<632xf32, #tpu.memory_space<vmem_shared>>
      tpu.wait_dma2 semaphore(%run_scoped3A : memref<!tpu.dma_semaphore, #tpu.memory_space<semaphore_mem>>) src(%dma_wait3A_152 : memref<632xf32, #tpu.memory_space<vmem_shared>>) dst(%arg30 : memref<632xf32, #tpu.memory_space<vmem>>)
      tpu.yield
    }) : () -> ()
    %mul3A_144 = arith.constant 10112 : i32
    %mul3A_145 = arith.muli %arg0, %mul3A_144 : i32
    %mul3A_146 = arith.constant 632 : i32
    %mul3A_147 = arith.muli %arg1, %mul3A_146 : i32
    %add3A_148 = arith.addi %mul3A_145, %mul3A_147 : i32
    "tpu.region"() ({
      %run_scoped3A = tpu.sem_alloc : memref<!tpu.dma_semaphore, #tpu.memory_space<semaphore_mem>>
      %dma_start3A_149 = tpu.memref_slice %arg8[%add3A_148] : memref<20224xf32, #tpu.memory_space<hbm>> -> memref<632xf32, #tpu.memory_space<hbm>>
      %dma_start3A_150 = tpu.memref_slice %arg8[%add3A_148] : memref<20224xf32, #tpu.memory_space<hbm>> -> memref<632xf32, #tpu.memory_space<hbm>>
      tpu.enqueue_dma source(%arg30 : memref<632xf32, #tpu.memory_space<vmem>>) target(%dma_start3A_150 : memref<632xf32, #tpu.memory_space<hbm>>) target_semaphore(%run_scoped3A : memref<!tpu.dma_semaphore, #tpu.memory_space<semaphore_mem>>)
      %dma_wait3A_151 = tpu.memref_slice %arg8[%add3A_148] : memref<20224xf32, #tpu.memory_space<hbm>> -> memref<632xf32, #tpu.memory_space<hbm>>
      %dma_wait3A_152 = tpu.memref_slice %arg8[%add3A_148] : memref<20224xf32, #tpu.memory_space<hbm>> -> memref<632xf32, #tpu.memory_space<hbm>>
      tpu.wait_dma2 semaphore(%run_scoped3A : memref<!tpu.dma_semaphore, #tpu.memory_space<semaphore_mem>>) src(%arg30 : memref<632xf32, #tpu.memory_space<vmem>>) dst(%dma_wait3A_152 : memref<632xf32, #tpu.memory_space<hbm>>)
      tpu.yield
    }) : () -> ()
    return
  }
}

module attributes {stable_mosaic.version = 14 : i64} {
  func.func @_tc_self_body(%arg0: i32, %arg1: memref<2000x128xf32, #tpu.memory_space<vmem>>, %arg2: memref<128x128xf32, #tpu.memory_space<vmem>>, %arg3: memref<1x128xf32, #tpu.memory_space<vmem>>, %arg4: memref<2000x128xf32, #tpu.memory_space<vmem>>) attributes {dimension_semantics = [#tpu.dimension_semantics<arbitrary>], iteration_bounds = array<i64: 5>, scalar_prefetch = 0 : i64, scratch_operands = 0 : i64, tpu.core_type = #tpu.core_type<tc>, window_params = [{transform_indices = @transform_0, window_bounds = array<i64: 2000, 128>}, {pipeline_mode = #tpu.pipeline_mode<synchronous>, transform_indices = @transform_1, window_bounds = array<i64: 128, 128>}, {pipeline_mode = #tpu.pipeline_mode<synchronous>, transform_indices = @transform_2, window_bounds = array<i64: 1, 128>}, {transform_indices = @transform_3, window_bounds = array<i64: 2000, 128>}]} {
    %get3A = arith.constant 0 : index
    %get3A_0 = arith.constant 0 : index
    %get3A_1 = vector.load %arg1[%get3A, %get3A_0] : memref<2000x128xf32, #tpu.memory_space<vmem>>, vector<2000x128xf32>
    %get3A_2 = arith.constant 0 : index
    %get3A_3 = arith.constant 0 : index
    %get3A_4 = vector.load %arg2[%get3A_2, %get3A_3] : memref<128x128xf32, #tpu.memory_space<vmem>>, vector<128x128xf32>
    %dot_general3A = arith.constant dense<0.000000e+00> : vector<2000x128xf32>
    %dot_general3A_5 = tpu.matmul %get3A_1, %get3A_4, %dot_general3A {dimension_numbers = #tpu.dot_dimension_numbers<[1], [0], [0], [1], [0, 0, 1, 1], [], []>, transpose_lhs_hint = false} : vector<2000x128xf32>, vector<128x128xf32>, vector<2000x128xf32> -> vector<2000x128xf32>
    %get3A_6 = arith.constant 0 : index
    %get3A_7 = arith.constant 0 : index
    %get3A_8 = vector.load %arg3[%get3A_6, %get3A_7] : memref<1x128xf32, #tpu.memory_space<vmem>>, vector<1x128xf32>
    %add3A = vector.broadcast %get3A_8 : vector<1x128xf32> to vector<2000x128xf32>
    %add3A_9 = arith.addf %dot_general3A_5, %add3A : vector<2000x128xf32>
    %swap3A = arith.constant 0 : index
    %swap3A_10 = arith.constant 0 : index
    %swap3A_11 = vector.load %arg4[%swap3A, %swap3A_10] : memref<2000x128xf32, #tpu.memory_space<vmem>>, vector<2000x128xf32>
    tpu.vector_store %arg4[%swap3A, %swap3A_10], %add3A_9 {strides = array<i32>} : memref<2000x128xf32, #tpu.memory_space<vmem>>, vector<2000x128xf32>,
    return
  }
  func.func @transform_0(%arg0: i32) -> (i32, i32) {
    %c0_i32 = arith.constant 0 : i32
    %c0_i32_0 = arith.constant 0 : i32
    return %arg0, %c0_i32 : i32, i32
  }
  func.func @transform_1(%arg0: i32) -> (i32, i32) {
    %c0_i32 = arith.constant 0 : i32
    %c0_i32_0 = arith.constant 0 : i32
    %c0_i32_1 = arith.constant 0 : i32
    return %c0_i32, %c0_i32_0 : i32, i32
  }
  func.func @transform_2(%arg0: i32) -> (i32, i32) {
    %c0_i32 = arith.constant 0 : i32
    %c0_i32_0 = arith.constant 0 : i32
    %c0_i32_1 = arith.constant 0 : i32
    return %c0_i32, %c0_i32_0 : i32, i32
  }
  func.func @transform_3(%arg0: i32) -> (i32, i32) {
    %c0_i32 = arith.constant 0 : i32
    %c0_i32_0 = arith.constant 0 : i32
    return %arg0, %c0_i32 : i32, i32
  }
}

module attributes {stable_mosaic.version = 14 : i64} {
  func.func @_tc_combine_body(%arg0: i32, %arg1: memref<2x2000x128xf32, #tpu.memory_space<vmem>>, %arg2: memref<2x2000x1xf32, #tpu.memory_space<vmem>>, %arg3: memref<2000x128xf32, #tpu.memory_space<vmem>>, %arg4: memref<128x128xf32, #tpu.memory_space<vmem>>, %arg5: memref<2000x128xf32, #tpu.memory_space<vmem>>) attributes {dimension_semantics = [#tpu.dimension_semantics<arbitrary>], iteration_bounds = array<i64: 5>, scalar_prefetch = 0 : i64, scratch_operands = 0 : i64, tpu.core_type = #tpu.core_type<tc>, window_params = [{transform_indices = @transform_0, window_bounds = array<i64: 2, 2000, 128>}, {transform_indices = @transform_1, window_bounds = array<i64: 2, 2000, 1>}, {transform_indices = @transform_2, window_bounds = array<i64: 2000, 128>}, {pipeline_mode = #tpu.pipeline_mode<synchronous>, transform_indices = @transform_3, window_bounds = array<i64: 128, 128>}, {transform_indices = @transform_4, window_bounds = array<i64: 2000, 128>}]} {
    %get3A = arith.constant 0 : index
    %get3A_0 = arith.constant 0 : index
    %get3A_1 = arith.constant 0 : index
    %get3A_2 = vector.load %arg1[%get3A, %get3A_0, %get3A_1] : memref<2x2000x128xf32, #tpu.memory_space<vmem>>, vector<1x2000x128xf32>
    %get3A_3 = vector.shape_cast %get3A_2 : vector<1x2000x128xf32> to vector<2000x128xf32>
    %get3A_4 = arith.constant 1 : index
    %get3A_5 = arith.constant 0 : index
    %get3A_6 = arith.constant 0 : index
    %get3A_7 = vector.load %arg1[%get3A_4, %get3A_5, %get3A_6] : memref<2x2000x128xf32, #tpu.memory_space<vmem>>, vector<1x2000x128xf32>
    %get3A_8 = vector.shape_cast %get3A_7 : vector<1x2000x128xf32> to vector<2000x128xf32>
    %add3A = arith.addf %get3A_3, %get3A_8 : vector<2000x128xf32>
    %get3A_9 = arith.constant 0 : index
    %get3A_10 = arith.constant 0 : index
    %get3A_11 = arith.constant 0 : index
    %get3A_12 = vector.load %arg2[%get3A_9, %get3A_10, %get3A_11] : memref<2x2000x1xf32, #tpu.memory_space<vmem>>, vector<1x2000x1xf32>
    %get3A_13 = vector.shape_cast %get3A_12 : vector<1x2000x1xf32> to vector<2000x1xf32>
    %get3A_14 = arith.constant 1 : index
    %get3A_15 = arith.constant 0 : index
    %get3A_16 = arith.constant 0 : index
    %get3A_17 = vector.load %arg2[%get3A_14, %get3A_15, %get3A_16] : memref<2x2000x1xf32, #tpu.memory_space<vmem>>, vector<1x2000x1xf32>
    %get3A_18 = vector.shape_cast %get3A_17 : vector<1x2000x1xf32> to vector<2000x1xf32>
    %add3A_19 = arith.addf %get3A_13, %get3A_18 : vector<2000x1xf32>
    %max3A = arith.constant 1.000000e+00 : f32
    %max3A_20 = vector.broadcast %max3A : f32 to vector<2000x1xf32>
    %max3A_21 = arith.maximumf %add3A_19, %max3A_20 : vector<2000x1xf32>
    %div3A = vector.broadcast %max3A_21 : vector<2000x1xf32> to vector<2000x128xf32>
    %div3A_22 = arith.divf %add3A, %div3A : vector<2000x128xf32>
    %get3A_23 = arith.constant 0 : index
    %get3A_24 = arith.constant 0 : index
    %get3A_25 = vector.load %arg4[%get3A_23, %get3A_24] : memref<128x128xf32, #tpu.memory_space<vmem>>, vector<128x128xf32>
    %dot_general3A = arith.constant dense<0.000000e+00> : vector<2000x128xf32>
    %dot_general3A_26 = tpu.matmul %div3A_22, %get3A_25, %dot_general3A {dimension_numbers = #tpu.dot_dimension_numbers<[1], [0], [0], [1], [0, 0, 1, 1], [], []>, transpose_lhs_hint = false} : vector<2000x128xf32>, vector<128x128xf32>, vector<2000x128xf32> -> vector<2000x128xf32>
    %get3A_27 = arith.constant 0 : index
    %get3A_28 = arith.constant 0 : index
    %get3A_29 = vector.load %arg3[%get3A_27, %get3A_28] : memref<2000x128xf32, #tpu.memory_space<vmem>>, vector<2000x128xf32>
    %add3A_30 = arith.addf %dot_general3A_26, %get3A_29 : vector<2000x128xf32>
    %max3A_31 = arith.constant 0.000000e+00 : f32
    %max3A_32 = vector.broadcast %max3A_31 : f32 to vector<2000x128xf32>
    %max3A_33 = arith.maximumf %add3A_30, %max3A_32 : vector<2000x128xf32>
    %swap3A = arith.constant 0 : index
    %swap3A_34 = arith.constant 0 : index
    %swap3A_35 = vector.load %arg5[%swap3A, %swap3A_34] : memref<2000x128xf32, #tpu.memory_space<vmem>>, vector<2000x128xf32>
    tpu.vector_store %arg5[%swap3A, %swap3A_34], %max3A_33 {strides = array<i32>} : memref<2000x128xf32, #tpu.memory_space<vmem>>, vector<2000x128xf32>,
    return
  }
  func.func @transform_0(%arg0: i32) -> (i32, i32, i32) {
    %c0_i32 = arith.constant 0 : i32
    %c0_i32_0 = arith.constant 0 : i32
    %c0_i32_1 = arith.constant 0 : i32
    return %c0_i32, %arg0, %c0_i32_0 : i32, i32, i32
  }
  func.func @transform_1(%arg0: i32) -> (i32, i32, i32) {
    %c0_i32 = arith.constant 0 : i32
    %c0_i32_0 = arith.constant 0 : i32
    %c0_i32_1 = arith.constant 0 : i32
    return %c0_i32, %arg0, %c0_i32_0 : i32, i32, i32
  }
  func.func @transform_2(%arg0: i32) -> (i32, i32) {
    %c0_i32 = arith.constant 0 : i32
    %c0_i32_0 = arith.constant 0 : i32
    return %arg0, %c0_i32 : i32, i32
  }
  func.func @transform_3(%arg0: i32) -> (i32, i32) {
    %c0_i32 = arith.constant 0 : i32
    %c0_i32_0 = arith.constant 0 : i32
    %c0_i32_1 = arith.constant 0 : i32
    return %c0_i32, %c0_i32_0 : i32, i32
  }
  func.func @transform_4(%arg0: i32) -> (i32, i32) {
    %c0_i32 = arith.constant 0 : i32
    %c0_i32_0 = arith.constant 0 : i32
    return %arg0, %c0_i32 : i32, i32
  }
}

module attributes {stable_mosaic.version = 14 : i64} {
  func.func @_tc_combine_body(%arg0: i32, %arg1: memref<2x2000x128xf32, #tpu.memory_space<vmem>>, %arg2: memref<2x2000x1xf32, #tpu.memory_space<vmem>>, %arg3: memref<2000x128xf32, #tpu.memory_space<vmem>>, %arg4: memref<128x128xf32, #tpu.memory_space<vmem>>, %arg5: memref<2000x128xf32, #tpu.memory_space<vmem>>) attributes {dimension_semantics = [#tpu.dimension_semantics<arbitrary>], iteration_bounds = array<i64: 5>, scalar_prefetch = 0 : i64, scratch_operands = 0 : i64, tpu.core_type = #tpu.core_type<tc>, window_params = [{transform_indices = @transform_0, window_bounds = array<i64: 2, 2000, 128>}, {transform_indices = @transform_1, window_bounds = array<i64: 2, 2000, 1>}, {transform_indices = @transform_2, window_bounds = array<i64: 2000, 128>}, {pipeline_mode = #tpu.pipeline_mode<synchronous>, transform_indices = @transform_3, window_bounds = array<i64: 128, 128>}, {transform_indices = @transform_4, window_bounds = array<i64: 2000, 128>}]} {
    %get3A = arith.constant 0 : index
    %get3A_0 = arith.constant 0 : index
    %get3A_1 = arith.constant 0 : index
    %get3A_2 = vector.load %arg1[%get3A, %get3A_0, %get3A_1] : memref<2x2000x128xf32, #tpu.memory_space<vmem>>, vector<1x2000x128xf32>
    %get3A_3 = vector.shape_cast %get3A_2 : vector<1x2000x128xf32> to vector<2000x128xf32>
    %get3A_4 = arith.constant 1 : index
    %get3A_5 = arith.constant 0 : index
    %get3A_6 = arith.constant 0 : index
    %get3A_7 = vector.load %arg1[%get3A_4, %get3A_5, %get3A_6] : memref<2x2000x128xf32, #tpu.memory_space<vmem>>, vector<1x2000x128xf32>
    %get3A_8 = vector.shape_cast %get3A_7 : vector<1x2000x128xf32> to vector<2000x128xf32>
    %add3A = arith.addf %get3A_3, %get3A_8 : vector<2000x128xf32>
    %get3A_9 = arith.constant 0 : index
    %get3A_10 = arith.constant 0 : index
    %get3A_11 = arith.constant 0 : index
    %get3A_12 = vector.load %arg2[%get3A_9, %get3A_10, %get3A_11] : memref<2x2000x1xf32, #tpu.memory_space<vmem>>, vector<1x2000x1xf32>
    %get3A_13 = vector.shape_cast %get3A_12 : vector<1x2000x1xf32> to vector<2000x1xf32>
    %get3A_14 = arith.constant 1 : index
    %get3A_15 = arith.constant 0 : index
    %get3A_16 = arith.constant 0 : index
    %get3A_17 = vector.load %arg2[%get3A_14, %get3A_15, %get3A_16] : memref<2x2000x1xf32, #tpu.memory_space<vmem>>, vector<1x2000x1xf32>
    %get3A_18 = vector.shape_cast %get3A_17 : vector<1x2000x1xf32> to vector<2000x1xf32>
    %add3A_19 = arith.addf %get3A_13, %get3A_18 : vector<2000x1xf32>
    %max3A = arith.constant 1.000000e+00 : f32
    %max3A_20 = vector.broadcast %max3A : f32 to vector<2000x1xf32>
    %max3A_21 = arith.maximumf %add3A_19, %max3A_20 : vector<2000x1xf32>
    %div3A = vector.broadcast %max3A_21 : vector<2000x1xf32> to vector<2000x128xf32>
    %div3A_22 = arith.divf %add3A, %div3A : vector<2000x128xf32>
    %get3A_23 = arith.constant 0 : index
    %get3A_24 = arith.constant 0 : index
    %get3A_25 = vector.load %arg4[%get3A_23, %get3A_24] : memref<128x128xf32, #tpu.memory_space<vmem>>, vector<128x128xf32>
    %dot_general3A = arith.constant dense<0.000000e+00> : vector<2000x128xf32>
    %dot_general3A_26 = tpu.matmul %div3A_22, %get3A_25, %dot_general3A {dimension_numbers = #tpu.dot_dimension_numbers<[1], [0], [0], [1], [0, 0, 1, 1], [], []>, transpose_lhs_hint = false} : vector<2000x128xf32>, vector<128x128xf32>, vector<2000x128xf32> -> vector<2000x128xf32>
    %get3A_27 = arith.constant 0 : index
    %get3A_28 = arith.constant 0 : index
    %get3A_29 = vector.load %arg3[%get3A_27, %get3A_28] : memref<2000x128xf32, #tpu.memory_space<vmem>>, vector<2000x128xf32>
    %add3A_30 = arith.addf %dot_general3A_26, %get3A_29 : vector<2000x128xf32>
    %max3A_31 = arith.constant 0.000000e+00 : f32
    %max3A_32 = vector.broadcast %max3A_31 : f32 to vector<2000x128xf32>
    %max3A_33 = arith.maximumf %add3A_30, %max3A_32 : vector<2000x128xf32>
    %swap3A = arith.constant 0 : index
    %swap3A_34 = arith.constant 0 : index
    %swap3A_35 = vector.load %arg5[%swap3A, %swap3A_34] : memref<2000x128xf32, #tpu.memory_space<vmem>>, vector<2000x128xf32>
    tpu.vector_store %arg5[%swap3A, %swap3A_34], %max3A_33 {strides = array<i32>} : memref<2000x128xf32, #tpu.memory_space<vmem>>, vector<2000x128xf32>,
    return
  }
  func.func @transform_0(%arg0: i32) -> (i32, i32, i32) {
    %c0_i32 = arith.constant 0 : i32
    %c0_i32_0 = arith.constant 0 : i32
    %c0_i32_1 = arith.constant 0 : i32
    return %c0_i32, %arg0, %c0_i32_0 : i32, i32, i32
  }
  func.func @transform_1(%arg0: i32) -> (i32, i32, i32) {
    %c0_i32 = arith.constant 0 : i32
    %c0_i32_0 = arith.constant 0 : i32
    %c0_i32_1 = arith.constant 0 : i32
    return %c0_i32, %arg0, %c0_i32_0 : i32, i32, i32
  }
  func.func @transform_2(%arg0: i32) -> (i32, i32) {
    %c0_i32 = arith.constant 0 : i32
    %c0_i32_0 = arith.constant 0 : i32
    return %arg0, %c0_i32 : i32, i32
  }
  func.func @transform_3(%arg0: i32) -> (i32, i32) {
    %c0_i32 = arith.constant 0 : i32
    %c0_i32_0 = arith.constant 0 : i32
    %c0_i32_1 = arith.constant 0 : i32
    return %c0_i32, %c0_i32_0 : i32, i32
  }
  func.func @transform_4(%arg0: i32) -> (i32, i32) {
    %c0_i32 = arith.constant 0 : i32
    %c0_i32_0 = arith.constant 0 : i32
    return %arg0, %c0_i32 : i32, i32
  }
}

</mosaic_0001>

<sc_bundles>
// kernel: kernel.11.cloned.1.call-start
scs
__scs_entry_jumppad:
0x0: {  	(pc) =	sbr.rel $0x88, $3  }
0x1: {  	(tag) =	ssettag $0x0;
	lr =	simm.s32 $0x1  }
0x2: {  	[smem:$0x3F99] =	sst lr;
	_ =	strace $0xD0000000  }
0x3: {  	_ = 	snop  }
0x4: {  	_ = 	snop  }
0x5: {  	_ = 	snop  }
0x6: {  	_ = 	snop  }
0x7: {  	_ = 	snop  }
__scs_overlays_trampoline_lowered:
0x8: {  	[smem:$0x3FA8] =	sst s0  }
0x9: {  	[smem:$0x3FA9] =	sst s1  }
0xa: {  	[smem:$0x3FAA] =	sst s2  }
0xb: {  	[smem:$0x3FAB] =	sst s3  }
0xc: {  	[smem:$0x3FAC] =	sst s4  }
0xd: {  	[smem:$0x3FAD] =	sst s5  }
0xe: {  	[smem:$0x3FAE] =	sst s6  }
0xf: {  	[smem:$0x3FAF] =	sst s7  }
0x10: {  	[smem:$0x3FB0] =	sst s8  }
0x11: {  	[smem:$0x3FB1] =	sst s9;
	s0 =	simm.s32 @!p0 $0x0  }
0x12: {  	s1 =	sld [smem:$0x3F97];
	s0 =	simm.s32 @p0 $0x1  }
0x13: {  	[smem:$0x3FB2] =	sst s0;
	s0 =	simm.s32 @!p1 $0x0  }
0x14: {  	s2 =	sld [smem:$0x3F96];
	s0 =	simm.s32 @p1 $0x1  }
0x15: {  	[smem:$0x3FB3] =	sst s0;
	s0 =	simm.s32 @!p2 $0x0  }
0x16: {  	s3 =	sld [smem:$0x3FDB];
	s0 =	simm.s32 @p2 $0x1  }
0x17: {  	s4 =	simm.s32 $0x1BF5;
	[smem:$0x3FB5] =	sst s0  }
0x18: {  	s0 =	sld [smem:$0x3F98];
	_ =	swait.ge [sflag:s4], $0x0  }
0x19: {  	s7 =	sld [smem:$0x3F99]  }
0x1a: {  	s8 =	sadd.s32 $0xFFFFE003, lr  }
0x1b: {  	s9 =	sadd.s32 $0xFFFFFEF7, lr;
	s5 =	simm.s32 $0xFFFFFFFF;
	p2 =	slt.u32 s8, $0xFFFFF086  }
0x1c: {  	p1 =	slt.u32 s9, $0xF7A;
	s5 =	simm.s32 @!p2 $0x0  }
0x1d: {  	s5 =	simm.s32 @p1 $0x1;
	p0 =	seq.s32 s7, s2  }
0x1e: {  	s7 =	smul.u32 @!p0 $0xF7A, s2;
	p2 =	seq.s32 @!p0 s5, $0x0  }
0x1f: {  	s9 =	smul.u32 $0xF7A, s1;
	s8 =	simm.s32 @!p0 $0x1BF5;
	p2 =	por !p2, p0  }
0x20: {  	[sflag:s8] =	ssyncset.s32 @!p0 $0xFFFFF086;
	s6 =	sadd.s32 @!p0 s3, s7;
	s7 =	simm.s32 @!p0 $0x108  }
0x21: {  	s3 =	sadd.s32 s3, s9;
	s6 =	sadd.s32 @!p0 $0x88, s6;
	s7 =	simm.s32 @p2 $0x1082  }
0x22: {  	[simem:s7], [sflag:s8] =	dma.local @!p0 [hbm:s6], $0xF7A  }
0x23: {  	s9 =	sor.u32 $0xD0000000, s2;
	s6 =	simm.s32 $0x108;
	_ =	swait.ge @!p0 [sflag:s8], $0x0  }
0x24: {  	s3 =	sadd.s32 $0x88, s3;
	s6 =	simm.s32 @!p1 $0x1082;
	[sflag:s4] =	ssyncset.s32 $0xFFFFF086  }
0x25: {  	[simem:s6], [sflag:s4] =	dma.local [hbm:s3], $0xF7A  }
0x26: {  	[smem:$0x3F99] =	sst s1;
	(tag) =	ssettag s2;
	_ =	strace s9  }
0x27: {  	s1 =	sld [smem:$0x3FA9]  }
0x28: {  	s2 =	sld [smem:$0x3FAA]  }
0x29: {  	s4 =	sld [smem:$0x3FAC]  }
0x2a: {  	p0 =	seq.s32 s5, $0x0;
	s5 =	sld [smem:$0x3FAD]  }
0x2b: {  	s6 =	sld [smem:$0x3FAE]  }
0x2c: {  	s7 =	sld [smem:$0x3FAF]  }
0x2d: {  	s3 =	simm.s32 $0x108;
	s8 =	sld [smem:$0x3FB0]  }
0x2e: {  	s3 =	simm.s32 @!p0 $0x1082;
	s9 =	sld [smem:$0x3FB1]  }
0x2f: {  	lr =	sadd.s32 s0, s3;
	s0 =	sld [smem:$0x3FA8]  }
0x30: {  	s3 =	sld [smem:$0x3FAB]  }
0x31: {  	[smem:$0x3FB4] =	sst s10  }
0x32: {  	s10 =	sld [smem:$0x3FB2];
	_ =	sdelay $0x3  }
0x33: {  	p0 =	seq.s32 s10, $0x1;
	s10 =	sld [smem:$0x3FB4];
	_ =	sdelay $0x3  }
0x34: {  	[smem:$0x3FB4] =	sst s10  }
0x35: {  	s10 =	sld [smem:$0x3FB3];
	_ =	sdelay $0x3  }
0x36: {  	p1 =	seq.s32 s10, $0x1;
	s10 =	sld [smem:$0x3FB4];
	_ =	sdelay $0x3  }
0x37: {  	[smem:$0x3FB4] =	sst s10  }
0x38: {  	s10 =	sld [smem:$0x3FB5]  }
0x39: {  	_ = 	snop;
	(pc) =	sbr.ind lr, $3  }
0x3a: {  	_ = 	snop  }
0x3b: {  	_ = 	snop  }
0x3c: {  	p2 =	seq.s32 s10, $0x1;
	s10 =	sld [smem:$0x3FB4]  }
0x3d: {  	_ =	shalt  }
0x3e: {  	_ =	shalt  }
0x3f: {  	_ =	shalt  }
0x40: {  	_ =	shalt  }
0x41: {  	_ =	shalt  }
0x42: {  	_ =	shalt  }
0x43: {  	_ =	shalt  }
0x44: {  	_ =	shalt  }
0x45: {  	_ =	shalt  }
0x46: {  	_ =	shalt  }
0x47: {  	_ =	shalt  }
0x48: {  	_ =	shalt  }
0x49: {  	_ =	shalt  }
0x4a: {  	_ =	shalt  }
0x4b: {  	_ =	shalt  }
0x4c: {  	_ =	shalt  }
0x4d: {  	_ =	shalt  }
0x4e: {  	_ =	shalt  }
0x4f: {  	_ =	shalt  }
0x50: {  	_ =	shalt  }
0x51: {  	_ =	shalt  }
0x52: {  	_ =	shalt  }
0x53: {  	_ =	shalt  }
0x54: {  	_ =	shalt  }
0x55: {  	_ =	shalt  }
0x56: {  	_ =	shalt  }
0x57: {  	_ =	shalt  }
0x58: {  	_ =	shalt  }
0x59: {  	_ =	shalt  }
0x5a: {  	_ =	shalt  }
0x5b: {  	_ =	shalt  }
0x5c: {  	_ =	shalt  }
0x5d: {  	_ =	shalt  }
0x5e: {  	_ =	shalt  }
0x5f: {  	_ =	shalt  }
0x60: {  	_ =	shalt  }
0x61: {  	_ =	shalt  }
0x62: {  	_ =	shalt  }
0x63: {  	_ =	shalt  }
0x64: {  	_ =	shalt  }
0x65: {  	_ =	shalt  }
0x66: {  	_ =	shalt  }
0x67: {  	_ =	shalt  }
0x68: {  	_ =	shalt  }
0x69: {  	_ =	shalt  }
0x6a: {  	_ =	shalt  }
0x6b: {  	_ =	shalt  }
0x6c: {  	_ =	shalt  }
0x6d: {  	_ =	shalt  }
0x6e: {  	_ =	shalt  }
0x6f: {  	_ =	shalt  }
0x70: {  	_ =	shalt  }
0x71: {  	_ =	shalt  }
0x72: {  	_ =	shalt  }
0x73: {  	_ =	shalt  }
0x74: {  	_ =	shalt  }
0x75: {  	_ =	shalt  }
0x76: {  	_ =	shalt  }
0x77: {  	_ =	shalt  }
0x78: {  	_ =	shalt  }
0x79: {  	_ =	shalt  }
0x7a: {  	_ =	shalt  }
0x7b: {  	_ =	shalt  }
0x7c: {  	_ =	shalt  }
0x7d: {  	_ =	shalt  }
0x7e: {  	_ =	shalt  }
0x7f: {  	_ =	shalt  }
0x80: {  	_ =	shalt  }
0x81: {  	_ =	shalt  }
0x82: {  	_ =	shalt  }
0x83: {  	_ =	shalt  }
0x84: {  	_ =	shalt  }
0x85: {  	_ =	shalt  }
0x86: {  	_ =	shalt  }
0x87: {  	_ =	shalt  }
.Lfunc_end0:
.L_simem_size_0:
called_computation.1_lowered:
.L_overlay_start_0:
0x88: {  	s2 =	sld [smem:$0x3FD9]  }
0x89: {  	s3 =	sld [smem:$0x3FFE];
	_ =	sdelay $0x1  }
0x8a: {  	s1 =	srdreg.scid  }
0x8b: {  	s0 =	sand.u32 $0x1, s1  }
0x8c: {  	s17 =	sshll.u32 s0, $0xA;
	s2 =	sadd.s32 s3, s2  }
0x8d: {  	s2 =	sadd.s32 s2, s17  }
0x8e: {  	[smem:$0x3FC0] =	sst s2  }
0x8f: {  	_ = 	snop  }
0x90: {  	s2 =	sld [smem:$0x3FD0];
	(tm) =	ssettm $0x1  }
0x91: {  	s18 =	sld [smem:$0x3FFB];
	_ =	sdelay $0x3  }
0x92: {  	_ =	strace s18  }
0x93: {  	s3 =	sld [smem:$0x3FFC];
	_ =	sdelay $0x3  }
0x94: {  	_ =	strace s3  }
0x95: {  	s3 =	sld [smem:$0x3FFD];
	_ =	sdelay $0x3  }
0x96: {  	_ =	strace s3  }
0x97: {  	_ =	strace $0x8FFFFFFF  }
0x98: {  	s19 =	sld [smem:$0x3FDB];
	_ =	sdelay $0x1  }
0x99: {  	s4 =	simm.s32 $_scs_section_size  }
0x9a: {  	s5 =	simm.s32 $_size__tile_overlayer_lowered;
	s6 =	simm.s32 $_tile_overlayer_lowered  }
0x9b: {  	s22 =	simm.s32 $0x1BFF;
	s21 =	sshll.u32 s6, $0x1;
	s3 =	sadd.s32 s4, s19  }
0x9c: {  	s7 =	simm.s32 $0x0;
	s20 =	sshll.u32 s5, $0x1;
	s5 =	sadd.s32 s21, s3  }
0x9d: {  	[timem:s7], [sflag:s22] =	dma.local [hbm:s5], s20  }
0x9e: {  	_ =	swait.ge [sflag:s22], s20  }
0x9f: {  	s4 =	ssub.s32 $0x0, s20;
	[sflag:s22] =	ssyncset.done $0x0  }
0xa0: {  	[sflag:s22] =	ssyncadd.s32 s4;
	_ =	sdelay $0x1  }
0xa1: {  	s23 =	simm.s32 $0x1B8B  }
0xa2: {  	_ =	swait.ge [sflag:s23], $0x1  }
0xa3: {  	[sflag:s23] =	ssyncset.done $0x0  }
0xa4: {  	s25 =	simm.s32 $0x1B8E;
	s24 =	sld [smem:$0x3FFE];
	[sflag:s23] =	ssyncadd.s32 $0xFFFFFFFF  }
0xa5: {  	s26 =	simm.s32 $execute0_lowered;
	[smem:$0x3FD2] =	sst s25  }
0xa6: {  	s5 =	sshll.u32 s26, $0x1;
	_ =	strace $0x80000049;
	[dreg:$0x1] =	wrdreg $0xFFFFFFFF  }
0xa7: {  	s28 =	simm.s32 $_size_execute0_lowered;
	s3 =	sadd.s32 s3, s5;
	[dreg:$0x0] =	wrdreg $0x0  }
0xa8: {  	s5 =	sshll.u32 s28, $0x1;
	[dreg:$0x2] =	wrdreg s3  }
0xa9: {  	[dreg:$0x3] =	wrdreg s5  }
0xaa: {  	[dreg:$0x4] =	wrdreg $0xC0  }
0xab: {  	_ =	task [dreg:s7], $0x5FFFF  }
0xac: {  	[dreg:$0x1] =	wrdreg $0xFFFFFFFF  }
0xad: {  	[dreg:$0x0] =	wrdreg $0x60  }
0xae: {  	[dreg:$0x2] =	wrdreg s2  }
0xaf: {  	[dreg:$0x3] =	wrdreg s24  }
0xb0: {  	[dreg:$0x4] =	wrdreg $0x0  }
0xb1: {  	[dreg:$0x5] =	wrdreg $0x9  }
0xb2: {  	_ =	task.clear_ibuf [dreg:s7], $0x6FFFF;
	_ =	strace $0x90000049  }
0xb3: {  	s29 =	simm.s32 $0x9;
	_ =	strace $0x8000004B  }
0xb4: {  	_ =	swait.ge [sflag:s29], $0x1  }
0xb5: {  	[sflag:s29] =	ssyncadd.s32 $0xFFFFFFFF  }
0xb6: {  	_ =	strace $0x9000004B  }
0xb7: {  	_ =	sfence  }
0xb8: {  	s30 =	sld [smem:$0x0];
	_ =	sdelay $0x2  }
0xb9: {  	s31 =	sshll.u32 s1, $0xD;
	s1 =	sshrl.u32 s1, $0x2  }
0xba: {  	s3 =	sand.u32 $0x4000, s31;
	s1 =	sadd.s32 s1, s30  }
0xbb: {  	s0 =	sor.u32 s3, s0;
	s1 =	sshll.u32 s1, $0x11  }
0xbc: {  	s0 =	sor.u32 s1, s0  }
0xbd: {  	s0 =	sadd.s32 $0x8F2B, s0  }
0xbe: {  	[sflag:s0] =	ssyncadd.remote.s32 $0x1  }
0xbf: {  	_ =	sfence.sel $0xFFFF  }
0xc0: {  	[dreg:$0x0] =	wrdreg $0xFFFFFFFF;
	(pc) =	sbr.abs _section_cstart, $3  }
0xc1: {  	[dreg:$0x1] =	wrdreg $0xFFFFFFFF  }
0xc2: {  	_ =	task.clear_ibuf [dreg:s7], $0x2FFFF;
	_ =	strace $0x9FFFFFFF  }
0xc3: {  	(tm) =	ssettm $0x7FFFFFFF  }
tec
execute0_lowered:
.L_overlay_start_1:
0x0: {  	(tag) =	ssettag $0x1  }
0x1: {  	s2 =	rddreg [dreg:$0x0]  }
0x2: {  	s0 =	rddreg [dreg:$0x1]  }
0x3: {  	s3 =	rddreg [dreg:$0x2]  }
0x4: {  	s10 =	stileid.u32;
	s1 =	srdreg.scid  }
0x5: {  	s4 =	simm.s32 $0x0;
	s28 =	simm.s32 $0xC;
	s5 =	smul.u32 $0x13C00, s10  }
0x6: {  	s1 =	sand.u32 $0x1, s1;
	[smem:$0x7FF] =	sst s4;
	s8 =	smul.u32 $0x4F000, s10  }
0x7: {  	s11 =	sadd.s32 $0xBE00, s0;
	s12 =	sadd.s32 $0x2000, s0;
	s25 =	smul.u32 $0x2710, s10  }
0x8: {  	s16 =	sshll.u32 s10, $0x6;
	s6 =	smul.u32 $0x13C000, s1;
	_ =	strace $0x8000004A  }
0x9: {  	s31 =	ssub.s32 $0x2, s1;
	s9 =	sshll.u32 s1, $0x4;
	[dreg:$0x5] =	wrdreg s12  }
0xa: {  	s29 =	sor.u32 $0x1C0D, s16;
	s1 =	smul.u32 $0x27100, s1;
	[dreg:$0x4] =	wrdreg s11  }
0xb: {  	s7 =	sshrl.u32 s5, $0x3;
	s13 =	sshrl.u32 s31, $0x1;
	s9 =	sor.u32 s10, s9  }
0xc: {  	s14 =	sshrl.u32 s8, $0x2;
	[dreg:$0x8] =	wrdreg s29;
	s5 =	sadd.s32 s5, s6  }
0xd: {  	s30 =	sadd.s32 s7, s0;
	s15 =	smul.u32 $0x2710, s9;
	s7 =	sadd.s32 s14, s3  }
0xe: {  	s1 =	sadd.s32 s25, s1;
	s9 =	simm.s32 $0x17000;
	s5 =	sshrl.u32 s5, $0x3  }
0xf: {  	[dreg:$0x6] =	wrdreg s7;
	s6 =	sadd.s32 $0x15C00, s30;
	s16 =	sadd.s32 $0x3A8, s1  }
0x10: {  	s25 =	sadd.s32 $0x270, s1;
	s0 =	sadd.s32 s5, s0;
	s5 =	ssub.s32 s31, s13  }
0x11: {  	[dreg:$0x7] =	wrdreg s6;
	s17 =	sshrl.u32 s15, $0x3;
	s18 =	sadd.s32 $0x68, s15  }
0x12: {  	s8 =	sadd.s32 $0x138, s15;
	s13 =	sadd.s32 $0x410, s1;
	[dreg:$0x1f] =	wrdreg s25  }
0x13: {  	s25 =	simm.s32 $0xB;
	s19 =	sadd.s32 s11, s17;
	s20 =	sadd.s32 s12, s17  }
0x14: {  	s7 =	sshrl.u32 s18, $0x3;
	s22 =	sadd.s32 $0x1A, s17;
	[dreg:$0x9] =	wrdreg s19  }
0x15: {  	s24 =	sshrl.u32 s8, $0x3;
	s0 =	sadd.s32 $0x3D400, s0;
	[dreg:$0xa] =	wrdreg s20  }
0x16: {  	s30 =	sadd.s32 $0x34, s17;
	s5 =	smax.u32 s5, $0x1;
	[dreg:$0x15] =	wrdreg s0  }
0x17: {  	s6 =	sadd.s32 $0x4E0, s17;
	s21 =	sadd.s32 s11, s7;
	[dreg:$0x16] =	wrdreg s5  }
0x18: {  	s14 =	sshrl.u32 s13, $0x3;
	s7 =	sadd.s32 s12, s7;
	[dreg:$0xb] =	wrdreg s21  }
0x19: {  	s17 =	sshrl.u32 s16, $0x3;
	s23 =	sadd.s32 s11, s22;
	[dreg:$0xc] =	wrdreg s7  }
0x1a: {  	s18 =	sadd.s32 $0x340, s1;
	s26 =	sadd.s32 s11, s24;
	[dreg:$0xd] =	wrdreg s23  }
0x1b: {  	s13 =	simm.s32 $0x9;
	s31 =	sadd.s32 s11, s30;
	[dreg:$0xf] =	wrdreg s26  }
0x1c: {  	s16 =	simm.s32 $0x4;
	s10 =	sadd.s32 s11, s6;
	[dreg:$0x11] =	wrdreg s31  }
0x1d: {  	s8 =	simm.s32 $0x0;
	s6 =	sadd.s32 s12, s6;
	[dreg:$0x13] =	wrdreg s10  }
0x1e: {  	s15 =	sadd.s32 s14, s12;
	s0 =	sadd.s32 s14, s11;
	[dreg:$0x14] =	wrdreg s6  }
0x1f: {  	s5 =	sshrl.u32 s18, $0x3;
	s19 =	sadd.s32 s17, s12;
	[dreg:$0x17] =	wrdreg s15  }
0x20: {  	s20 =	sadd.s32 $0x2D8, s1;
	s18 =	simm.s32 $0x1DC80;
	[dreg:$0x18] =	wrdreg s0  }
0x21: {  	s14 =	simm.s32 $0x1A400;
	s7 =	sadd.s32 s12, s22;
	[dreg:$0x19] =	wrdreg s19  }
0x22: {  	s0 =	sadd.s32 s17, s11;
	s21 =	sshrl.u32 s20, $0x3;
	s22 =	sadd.s32 s5, s12  }
0x23: {  	s5 =	sadd.s32 s5, s11;
	s17 =	simm.s32 $0x1D980;
	[dreg:$0xe] =	wrdreg s7  }
0x24: {  	s19 =	simm.s32 $0x1DA00;
	s20 =	simm.s32 $0x1DD00;
	[dreg:$0x1a] =	wrdreg s0  }
0x25: {  	s10 =	simm.s32 $0x1;
	s15 =	simm.s32 $0x2;
	[dreg:$0x1b] =	wrdreg s22  }
0x26: {  	s6 =	simm.s32 $0x3;
	s7 =	sadd.s32 s12, s24;
	[dreg:$0x1c] =	wrdreg s5  }
0x27: {  	s23 =	sadd.s32 s21, s12;
	s24 =	sadd.s32 $0x208, s1;
	s0 =	sadd.s32 s21, s11  }
0x28: {  	s21 =	simm.s32 $0x7;
	s22 =	simm.s32 $0x68;
	[dreg:$0x10] =	wrdreg s7  }
0x29: {  	s1 =	simm.s32 $0x8;
	s5 =	simm.s32 $0xA;
	[dreg:$0x1d] =	wrdreg s23  }
.Ltmp0:
0x2a: {  	s7 =	sadd.s32 s12, s30;
	[dreg:$0x1e] =	wrdreg s0;
	(pc) =	sbr.rel .LBB2_1-.Ltmp0, $4  }
0x2b: {  	s26 =	sshrl.u32 s24, $0x3;
	s23 =	simm.s32 $0x13C00;
	s24 =	simm.s32 $0x5  }
0x2c: {  	[dreg:$0x12] =	wrdreg s7;
	s30 =	sadd.s32 s26, s12;
	s31 =	sadd.s32 s26, s11  }
0x2d: {  	s7 =	simm.s32 $0xD;
	s11 =	simm.s32 $0x1DA80;
	[smem:$0x7FC] =	sst s30  }
0x2e: {  	s12 =	simm.s32 $0x1DD80;
	s26 =	simm.s32 $0x6;
	[smem:$0x7FD] =	sst s31  }
.LBB2_4:
0x2f: {  	_ =	swait.ge [sflag:s6], $0x3400  }
0x30: {  	[sflag:s6] =	ssyncset.done $0x0  }
0x31: {  	[sflag:s6] =	ssyncadd.s32 $0xFFFFCC00  }
0x32: {  	[spmem:s3] =	stream.indirect.scatter.add.f32 [tilespmem:s14], [sflag:$0x6], $0x80, s12, s22, $0xb8;
	[tilespmem:$0x1E700] =	vst v63  }
0x33: {  	_ =	swait.ge [sflag:s24], $0x3400  }
0x34: {  	s8 =	simm.s32 $0x1DE00;
	[sflag:s24] =	ssyncset.done $0x0  }
0x35: {  	s7 =	simm.s32 $0xD;
	s0 =	rddreg [dreg:$0x13];
	[sflag:s24] =	ssyncadd.s32 $0xFFFFCC00  }
0x36: {  	[tilespmem:s8], [sflag:$0xD] =	stream.linear.gather [hbm4b:s0+s4], $0x10, $0x38;
	[tilespmem:$0x1E700] =	vst v63  }
0x37: {  	_ =	swait.ge [sflag:s7], $0x10  }
0x38: {  	[sflag:s7] =	ssyncset.done $0x0  }
0x39: {  	s29 =	simm.s32 $0x1DE80;
	s30 =	rddreg [dreg:$0x14];
	[sflag:s7] =	ssyncadd.s32 $0xFFFFFFF0  }
0x3a: {  	[tilespmem:s29], [sflag:$0xD] =	stream.linear.gather [hbm4b:s30+s4], $0x10, $0x38;
	[tilespmem:$0x1E700] =	vst v63  }
0x3b: {  	_ =	swait.ge [sflag:s7], $0x10  }
0x3c: {  	[sflag:s7] =	ssyncset.done $0x0  }
0x3d: {  	s31 =	simm.s32 $0x10;
	s30 =	simm.s32 $0x1DF00;
	[sflag:s7] =	ssyncadd.s32 $0xFFFFFFF0  }
0x3e: {  	[tilespmem:s30], [sflag:$0x1] =	stream.indirect.gather [hbm4b:s2+s31], $0x80, s8, s31, $0xb8;
	[tilespmem:$0x1E700] =	vst v63  }
0x3f: {  	_ =	swait.ge [sflag:s10], $0x800  }
0x40: {  	[sflag:s10] =	ssyncset.done $0x0  }
0x41: {  	[sflag:s10] =	ssyncadd.s32 $0xFFFFF800  }
0x42: {  	[spmem:s3] =	stream.indirect.scatter.add.f32 [tilespmem:s30], [sflag:$0xD], $0x80, s29, s31, $0xb8;
	[tilespmem:$0x1E700] =	vst v63  }
0x43: {  	_ =	swait.ge [sflag:s7], $0x800  }
0x44: {  	[sflag:s7] =	ssyncset.done $0x0  }
0x45: {  	[sflag:s7] =	ssyncadd.s32 $0xFFFFF800  }
0x46: {  	_ =	swait.ge [sflag:s26], $0x3400  }
0x47: {  	[sflag:s26] =	ssyncset.done $0x0  }
0x48: {  	[sflag:s26] =	ssyncadd.s32 $0xFFFFCC00  }
0x49: {  	[bflag:$0x0] =	sbarrier.arrive $0xFFFF  }
0x4a: {  	s31 =	sld [smem:$0x7FB]  }
0x4b: {  	s29 =	rddreg [dreg:$0x8]  }
0x4c: {  	s30 =	rddreg [dreg:$0x15]  }
0x4d: {  	[hbm:s30], [sflag:s29] =	dma.local [spmem:s31], $0x2780  }
0x4e: {  	_ =	swait.ge [sflag:s7], $0x2780  }
0x4f: {  	s30 =	sld [smem:$0x7FA];
	_ =	sdelay $0x2  }
0x50: {  	s31 =	rddreg [dreg:$0x16];
	s8 =	sadd.s32 $0x1, s30  }
0x51: {  	p0 =	sne.s32 s8, s31  }
.Ltmp1:
0x52: {  	_ = 	snop;
	(pc) =	sbr.rel @!p0 .LBB2_5-.Ltmp1, $3  }
0x53: {  	_ =	sdelay $0x1  }
0x54: {  	[sflag:s7] =	ssyncset.done $0x0  }
0x55: {  	[sflag:s7] =	ssyncadd.s32 $0xFFFFD880  }
.LBB2_1:
0x56: {  	[smem:$0x7FA] =	sst s8  }
0x57: {  	s0 =	rddreg [dreg:$0x6]  }
0x58: {  	s31 =	rddreg [dreg:$0x7];
	s0 =	sshrl.u32 s0, $0x3  }
0x59: {  	[smem:$0x7FB] =	sst s0  }
0x5a: {  	[spmem:s0], [sflag:s29] =	dma.local [hbm:s31], $0x2780  }
0x5b: {  	_ =	swait.ge [sflag:s7], $0x2780  }
0x5c: {  	[sflag:s7] =	ssyncset.done $0x0  }
0x5d: {  	s31 =	rddreg [dreg:$0x9];
	[sflag:s7] =	ssyncadd.s32 $0xFFFFD880;
	s7 =	simm.s32 $0x1D800  }
0x5e: {  	[tilespmem:s7], [sflag:$0x7] =	stream.linear.gather [hbm4b:s31+s4], $0x68, $0x38;
	[tilespmem:$0x1E700] =	vst v63  }
0x5f: {  	s8 =	rddreg [dreg:$0xa];
	s31 =	simm.s32 $0x1DB00  }
0x60: {  	[tilespmem:s31], [sflag:$0x7] =	stream.linear.gather [hbm4b:s8+s4], $0x68, $0x38;
	[tilespmem:$0x1E700] =	vst v63  }
0x61: {  	s31 =	rddreg [dreg:$0xb];
	s8 =	simm.s32 $0x1D880  }
0x62: {  	[tilespmem:s8], [sflag:$0x8] =	stream.linear.gather [hbm4b:s31+s4], $0x68, $0x38;
	[tilespmem:$0x1E700] =	vst v63  }
0x63: {  	s29 =	simm.s32 $0x1DB80;
	s31 =	rddreg [dreg:$0xc]  }
0x64: {  	[tilespmem:s29], [sflag:$0x8] =	stream.linear.gather [hbm4b:s31+s4], $0x68, $0x38;
	[tilespmem:$0x1E700] =	vst v63  }
0x65: {  	s31 =	rddreg [dreg:$0xd];
	s29 =	simm.s32 $0x1D900  }
0x66: {  	[tilespmem:s29], [sflag:$0x9] =	stream.linear.gather [hbm4b:s31+s4], $0x68, $0x38;
	[tilespmem:$0x1E700] =	vst v63  }
0x67: {  	s31 =	rddreg [dreg:$0xe];
	s29 =	simm.s32 $0x1DC00  }
0x68: {  	[tilespmem:s29], [sflag:$0x9] =	stream.linear.gather [hbm4b:s31+s4], $0x68, $0x38;
	[tilespmem:$0x1E700] =	vst v63  }
0x69: {  	s31 =	rddreg [dreg:$0xf]  }
0x6a: {  	[tilespmem:s17], [sflag:$0xA] =	stream.linear.gather [hbm4b:s31+s4], $0x68, $0x38;
	[tilespmem:$0x1E700] =	vst v63  }
0x6b: {  	s31 =	rddreg [dreg:$0x10]  }
0x6c: {  	[tilespmem:s18], [sflag:$0xA] =	stream.linear.gather [hbm4b:s31+s4], $0x68, $0x38;
	[tilespmem:$0x1E700] =	vst v63  }
0x6d: {  	s31 =	rddreg [dreg:$0x11]  }
0x6e: {  	[tilespmem:s19], [sflag:$0xB] =	stream.linear.gather [hbm4b:s31+s4], $0x68, $0x38;
	[tilespmem:$0x1E700] =	vst v63  }
0x6f: {  	s31 =	rddreg [dreg:$0x12]  }
0x70: {  	[tilespmem:s20], [sflag:$0xB] =	stream.linear.gather [hbm4b:s31+s4], $0x68, $0x38;
	[tilespmem:$0x1E700] =	vst v63  }
0x71: {  	[bflag:$0x0] =	sbarrier.arrive $0xFFFF  }
0x72: {  	_ =	swait.ge [sflag:s21], $0x68  }
0x73: {  	[sflag:s21] =	ssyncset.done $0x0  }
0x74: {  	[sflag:s21] =	ssyncadd.s32 $0xFFFFFF98  }
0x75: {  	_ =	swait.ge [sflag:s21], $0x68  }
0x76: {  	[sflag:s21] =	ssyncset.done $0x0  }
0x77: {  	[sflag:s21] =	ssyncadd.s32 $0xFFFFFF98  }
0x78: {  	[tilespmem:s23], [sflag:$0x1] =	stream.indirect.gather [hbm4b:s2+s22], $0x80, s7, s22, $0xb8;
	[tilespmem:$0x1E700] =	vst v63  }
0x79: {  	_ =	swait.ge [sflag:s1], $0x68  }
0x7a: {  	[sflag:s1] =	ssyncset.done $0x0  }
0x7b: {  	[sflag:s1] =	ssyncadd.s32 $0xFFFFFF98  }
0x7c: {  	_ =	swait.ge [sflag:s1], $0x68  }
0x7d: {  	[sflag:s1] =	ssyncset.done $0x0  }
0x7e: {  	s30 =	simm.s32 $0x0;
	s29 =	rddreg [dreg:$0x1f];
	[sflag:s1] =	ssyncadd.s32 $0xFFFFFF98  }
0x7f: {  	[tilespmem:s9], [sflag:$0x2] =	stream.indirect.gather [hbm4b:s2+s22], $0x80, s8, s22, $0xb8;
	[tilespmem:$0x1E700] =	vst v63  }
.LBB2_2:
0x80: {  	_ =	swait.ge [sflag:s10], $0x3400  }
0x81: {  	p0 =	seq.s32 s30, $0x0;
	[sflag:s10] =	ssyncset.done $0x0  }
0x82: {  	s0 =	simm.s32 $0x1DB00;
	s31 =	simm.s32 @!p0 $0x6;
	[sflag:s10] =	ssyncadd.s32 $0xFFFFCC00  }
0x83: {  	[spmem:s3] =	stream.indirect.scatter.add.f32 [tilespmem:s23], [sflag:$0x4], $0x80, s0, s22, $0xb8;
	[tilespmem:$0x1E700] =	vst v63  }
0x84: {  	_ =	swait.ge @!p0 [sflag:s31], $0x3400  }
0x85: {  	s7 =	sld [smem:$0x7FD]  }
0x86: {  	[sflag:s31] =	ssyncset.done @!p0 $0x0  }
0x87: {  	[sflag:s31] =	ssyncadd.s32 @!p0 $0xFFFFCC00;
	s31 =	sld [smem:$0x7FC]  }
0x88: {  	s8 =	sadd.s32 s30, s7  }
0x89: {  	[tilespmem:s11], [sflag:$0xC] =	stream.linear.gather [hbm4b:s8+s4], $0x68, $0x38;
	[tilespmem:$0x1E700] =	vst v63  }
0x8a: {  	s0 =	sadd.s32 s30, s31  }
0x8b: {  	[tilespmem:s12], [sflag:$0xC] =	stream.linear.gather [hbm4b:s0+s4], $0x68, $0x38;
	[tilespmem:$0x1E700] =	vst v63  }
0x8c: {  	_ =	swait.ge [sflag:s13], $0x68  }
0x8d: {  	[sflag:s13] =	ssyncset.done $0x0  }
0x8e: {  	[sflag:s13] =	ssyncadd.s32 $0xFFFFFF98  }
0x8f: {  	_ =	swait.ge [sflag:s13], $0x68  }
0x90: {  	[sflag:s13] =	ssyncset.done $0x0  }
0x91: {  	s7 =	simm.s32 $0x1D900;
	[sflag:s13] =	ssyncadd.s32 $0xFFFFFF98  }
0x92: {  	[tilespmem:s14], [sflag:$0x3] =	stream.indirect.gather [hbm4b:s2+s22], $0x80, s7, s22, $0xb8;
	[tilespmem:$0x1E700] =	vst v63  }
0x93: {  	_ =	swait.ge [sflag:s15], $0x3400  }
0x94: {  	[sflag:s15] =	ssyncset.done $0x0  }
0x95: {  	p0 =	seq.s32 s30, $0x492;
	s8 =	simm.s32 $0x1DB80;
	[sflag:s15] =	ssyncadd.s32 $0xFFFFCC00  }
0x96: {  	[spmem:s3] =	stream.indirect.scatter.add.f32 [tilespmem:s9], [sflag:$0x5], $0x80, s8, s22, $0xb8;
	[tilespmem:$0x1E700] =	vst v63  }
0x97: {  	s31 =	sshrl.u32 @!p0 s29, $0x3;
	_ =	swait.ge [sflag:s16], $0x3400  }
0x98: {  	s7 =	simm.s32 @!p0 $0x0;
	[sflag:s16] =	ssyncset.done $0x0;
	s0 =	rddreg [dreg:$0x4]  }
0x99: {  	s8 =	simm.s32 @!p0 $0x1D800;
	[sflag:s16] =	ssyncadd.s32 $0xFFFFCC00;
	s0 =	sadd.s32 @!p0 s0, s31  }
0x9a: {  	[tilespmem:s8], [sflag:$0x7] =	stream.linear.gather @!p0 [hbm4b:s0+s7], $0x68, $0x38;
	[tilespmem:$0x1E700] =	vst v63  }
0x9b: {  	s0 =	rddreg [dreg:$0x5]  }
0x9c: {  	s8 =	simm.s32 @!p0 $0x1DB00;
	s0 =	sadd.s32 @!p0 s0, s31  }
0x9d: {  	[tilespmem:s8], [sflag:$0x7] =	stream.linear.gather @!p0 [hbm4b:s0+s7], $0x68, $0x38;
	[tilespmem:$0x1E700] =	vst v63  }
0x9e: {  	_ =	swait.ge [sflag:s5], $0x68  }
0x9f: {  	[sflag:s5] =	ssyncset.done $0x0  }
0xa0: {  	[sflag:s5] =	ssyncadd.s32 $0xFFFFFF98  }
0xa1: {  	_ =	swait.ge [sflag:s5], $0x68  }
0xa2: {  	[sflag:s5] =	ssyncset.done $0x0  }
0xa3: {  	[sflag:s5] =	ssyncadd.s32 $0xFFFFFF98  }
0xa4: {  	[tilespmem:s23], [sflag:$0x1] =	stream.indirect.gather [hbm4b:s2+s22], $0x80, s17, s22, $0xb8;
	[tilespmem:$0x1E700] =	vst v63  }
0xa5: {  	_ =	swait.ge [sflag:s6], $0x3400  }
0xa6: {  	[sflag:s6] =	ssyncset.done $0x0  }
0xa7: {  	s31 =	simm.s32 $0x1DC00;
	[sflag:s6] =	ssyncadd.s32 $0xFFFFCC00  }
0xa8: {  	[spmem:s3] =	stream.indirect.scatter.add.f32 [tilespmem:s14], [sflag:$0x6], $0x80, s31, s22, $0xb8;
	[tilespmem:$0x1E700] =	vst v63  }
0xa9: {  	_ =	swait.ge [sflag:s24], $0x3400  }
0xaa: {  	[sflag:s24] =	ssyncset.done $0x0;
	s0 =	rddreg [dreg:$0x1e]  }
0xab: {  	s8 =	simm.s32 @!p0 $0x1D880;
	[sflag:s24] =	ssyncadd.s32 $0xFFFFCC00;
	s0 =	sadd.s32 @!p0 s30, s0  }
0xac: {  	[tilespmem:s8], [sflag:$0x8] =	stream.linear.gather @!p0 [hbm4b:s0+s7], $0x68, $0x38;
	[tilespmem:$0x1E700] =	vst v63  }
0xad: {  	s0 =	rddreg [dreg:$0x1d]  }
0xae: {  	s8 =	simm.s32 @!p0 $0x1DB80;
	s0 =	sadd.s32 @!p0 s30, s0  }
0xaf: {  	[tilespmem:s8], [sflag:$0x8] =	stream.linear.gather @!p0 [hbm4b:s0+s7], $0x68, $0x38;
	[tilespmem:$0x1E700] =	vst v63  }
0xb0: {  	_ =	swait.ge [sflag:s25], $0x68  }
0xb1: {  	[sflag:s25] =	ssyncset.done $0x0  }
0xb2: {  	[sflag:s25] =	ssyncadd.s32 $0xFFFFFF98  }
0xb3: {  	_ =	swait.ge [sflag:s25], $0x68  }
0xb4: {  	[sflag:s25] =	ssyncset.done $0x0  }
0xb5: {  	[sflag:s25] =	ssyncadd.s32 $0xFFFFFF98  }
0xb6: {  	[tilespmem:s9], [sflag:$0x2] =	stream.indirect.gather [hbm4b:s2+s22], $0x80, s19, s22, $0xb8;
	[tilespmem:$0x1E700] =	vst v63  }
0xb7: {  	_ =	swait.ge [sflag:s10], $0x3400  }
0xb8: {  	[sflag:s10] =	ssyncset.done $0x0  }
0xb9: {  	[sflag:s10] =	ssyncadd.s32 $0xFFFFCC00  }
0xba: {  	[spmem:s3] =	stream.indirect.scatter.add.f32 [tilespmem:s23], [sflag:$0x4], $0x80, s18, s22, $0xb8;
	[tilespmem:$0x1E700] =	vst v63  }
0xbb: {  	_ =	swait.ge [sflag:s26], $0x3400  }
0xbc: {  	[sflag:s26] =	ssyncset.done $0x0;
	s0 =	rddreg [dreg:$0x1c]  }
0xbd: {  	s8 =	simm.s32 @!p0 $0x1D900;
	[sflag:s26] =	ssyncadd.s32 $0xFFFFCC00;
	s0 =	sadd.s32 @!p0 s30, s0  }
0xbe: {  	[tilespmem:s8], [sflag:$0x9] =	stream.linear.gather @!p0 [hbm4b:s0+s7], $0x68, $0x38;
	[tilespmem:$0x1E700] =	vst v63  }
0xbf: {  	s0 =	rddreg [dreg:$0x1b]  }
0xc0: {  	s8 =	simm.s32 @!p0 $0x1DC00;
	s0 =	sadd.s32 @!p0 s30, s0  }
0xc1: {  	[tilespmem:s8], [sflag:$0x9] =	stream.linear.gather @!p0 [hbm4b:s0+s7], $0x68, $0x38;
	[tilespmem:$0x1E700] =	vst v63  }
0xc2: {  	_ =	swait.ge [sflag:s28], $0x68  }
0xc3: {  	[sflag:s28] =	ssyncset.done $0x0  }
0xc4: {  	[sflag:s28] =	ssyncadd.s32 $0xFFFFFF98  }
0xc5: {  	_ =	swait.ge [sflag:s28], $0x68  }
0xc6: {  	[sflag:s28] =	ssyncset.done $0x0  }
0xc7: {  	[sflag:s28] =	ssyncadd.s32 $0xFFFFFF98  }
0xc8: {  	[tilespmem:s14], [sflag:$0x3] =	stream.indirect.gather [hbm4b:s2+s22], $0x80, s11, s22, $0xb8;
	[tilespmem:$0x1E700] =	vst v63  }
0xc9: {  	_ =	swait.ge [sflag:s15], $0x3400  }
0xca: {  	[sflag:s15] =	ssyncset.done $0x0  }
.Ltmp2:
0xcb: {  	[sflag:s15] =	ssyncadd.s32 $0xFFFFCC00;
	(pc) =	sbr.rel @p0 .LBB2_4-.Ltmp2, $4  }
0xcc: {  	[spmem:s3] =	stream.indirect.scatter.add.f32 [tilespmem:s9], [sflag:$0x5], $0x80, s20, s22, $0xb8;
	[tilespmem:$0x1E700] =	vst v63  }
0xcd: {  	_ =	swait.ge [sflag:s16], $0x3400  }
0xce: {  	[sflag:s16] =	ssyncset.done $0x0  }
0xcf: {  	[sflag:s16] =	ssyncadd.s32 $0xFFFFCC00  }
0xd0: {  	s0 =	rddreg [dreg:$0x1a]  }
0xd1: {  	s8 =	rddreg [dreg:$0x19];
	s0 =	sadd.s32 s30, s0  }
0xd2: {  	[tilespmem:s17], [sflag:$0xA] =	stream.linear.gather [hbm4b:s0+s4], $0x68, $0x38;
	[tilespmem:$0x1E700] =	vst v63  }
0xd3: {  	s0 =	sadd.s32 s30, s8  }
0xd4: {  	[tilespmem:s18], [sflag:$0xA] =	stream.linear.gather [hbm4b:s0+s4], $0x68, $0x38;
	[tilespmem:$0x1E700] =	vst v63  }
0xd5: {  	_ =	swait.ge [sflag:s21], $0x68  }
0xd6: {  	[sflag:s21] =	ssyncset.done $0x0  }
0xd7: {  	[sflag:s21] =	ssyncadd.s32 $0xFFFFFF98  }
0xd8: {  	_ =	swait.ge [sflag:s21], $0x68  }
0xd9: {  	[sflag:s21] =	ssyncset.done $0x0  }
0xda: {  	s31 =	simm.s32 $0x1D800;
	[sflag:s21] =	ssyncadd.s32 $0xFFFFFF98  }
0xdb: {  	[tilespmem:s23], [sflag:$0x1] =	stream.indirect.gather [hbm4b:s2+s22], $0x80, s31, s22, $0xb8;
	[tilespmem:$0x1E700] =	vst v63  }
0xdc: {  	_ =	swait.ge [sflag:s6], $0x3400  }
0xdd: {  	[sflag:s6] =	ssyncset.done $0x0  }
0xde: {  	[sflag:s6] =	ssyncadd.s32 $0xFFFFCC00  }
0xdf: {  	[spmem:s3] =	stream.indirect.scatter.add.f32 [tilespmem:s14], [sflag:$0x6], $0x80, s12, s22, $0xb8;
	[tilespmem:$0x1E700] =	vst v63  }
0xe0: {  	_ =	swait.ge [sflag:s24], $0x3400  }
0xe1: {  	[sflag:s24] =	ssyncset.done $0x0;
	s7 =	rddreg [dreg:$0x18]  }
0xe2: {  	s8 =	rddreg [dreg:$0x17];
	[sflag:s24] =	ssyncadd.s32 $0xFFFFCC00;
	s0 =	sadd.s32 s30, s7  }
0xe3: {  	[tilespmem:s19], [sflag:$0xB] =	stream.linear.gather [hbm4b:s0+s4], $0x68, $0x38;
	[tilespmem:$0x1E700] =	vst v63  }
0xe4: {  	s0 =	sadd.s32 s30, s8  }
0xe5: {  	[tilespmem:s20], [sflag:$0xB] =	stream.linear.gather [hbm4b:s0+s4], $0x68, $0x38;
	[tilespmem:$0x1E700] =	vst v63  }
0xe6: {  	_ =	swait.ge [sflag:s1], $0x68  }
0xe7: {  	[sflag:s1] =	ssyncset.done $0x0  }
.Ltmp3:
0xe8: {  	[sflag:s1] =	ssyncadd.s32 $0xFFFFFF98;
	(pc) =	sbr.rel .LBB2_2-.Ltmp3, $4  }
0xe9: {  	_ =	swait.ge [sflag:s1], $0x68  }
0xea: {  	s29 =	sadd.s32 $0x270, s29;
	[sflag:s1] =	ssyncset.done $0x0  }
0xeb: {  	s31 =	simm.s32 $0x1D880;
	s30 =	sadd.s32 $0x4E, s30;
	[sflag:s1] =	ssyncadd.s32 $0xFFFFFF98  }
0xec: {  	[tilespmem:s9], [sflag:$0x2] =	stream.indirect.gather [hbm4b:s2+s22], $0x80, s31, s22, $0xb8;
	[tilespmem:$0x1E700] =	vst v63  }
.LBB2_5:
0xed: {  	_ =	sfence.sel $0x180000  }
0xee: {  	[bflag:$0x0] =	sbarrier.arrive $0xFFFF  }
0xef: {  	_ =	strace $0x9000004A  }
0xf0: {  	s0 =	stileid.u32;
	[bflag:$0x2] =	sbarrier.arrive $0xFFFF  }
0xf1: {  	p0 =	sne.s32 s0, $0x0;
	s0 =	rddreg [dreg:$0x3]  }
0xf2: {  	s0 =	sadd.s32 @!p0 $0x100000, s0  }
0xf3: {  	[sflag:s0] =	ssyncadd.tile.s32 @!p0 $0x1;
	_ =	shalt  }
.Lfunc_end2:
_tile_overlayer_lowered:
.L_overlay_start_2:
0xf4: {  	(tag) =	ssettag $0x2  }
0xf5: {  	s0 =	rddreg [dreg:$0x0];
	s2 =	stileid.u32  }
0xf6: {  	s1 =	rddreg [dreg:$0x1];
	p0 =	sne.s32 s2, $0x0  }
0xf7: {  	s3 =	rddreg [dreg:$0x2];
	[bflag:$0x3] =	sbarrier.arrive $0xFFFF;
	s2 =	simm.s32 @!p0 $0x1C0D  }
0xf8: {  	[timem:s3], [sflag:s2] =	dma.local @!p0 [hbm:s0], s1  }
0xf9: {  	s0 =	simm.s32 @!p0 $0xD  }
0xfa: {  	_ =	swait.ge @!p0 [sflag:s0], s1  }
0xfb: {  	s1 =	ssub.s32 @!p0 $0x0, s1;
	[sflag:s0] =	ssyncset.done @!p0 $0x0  }
0xfc: {  	[sflag:s0] =	ssyncadd.s32 @!p0 s1  }
0xfd: {  	[bflag:$0x3] =	sbarrier.arrive $0xFFFF  }
0xfe: {  	_ =	shalt  }

// kernel: kernel.8.cloned.1.call-start
scs
__scs_entry_jumppad:
0x0: {  	(pc) =	sbr.rel $0x88, $3  }
0x1: {  	(tag) =	ssettag $0x0;
	lr =	simm.s32 $0x1  }
0x2: {  	[smem:$0x3F99] =	sst lr;
	_ =	strace $0xD0000000  }
0x3: {  	_ = 	snop  }
0x4: {  	_ = 	snop  }
0x5: {  	_ = 	snop  }
0x6: {  	_ = 	snop  }
0x7: {  	_ = 	snop  }
__scs_overlays_trampoline_lowered:
0x8: {  	[smem:$0x3FA8] =	sst s0  }
0x9: {  	[smem:$0x3FA9] =	sst s1  }
0xa: {  	[smem:$0x3FAA] =	sst s2  }
0xb: {  	[smem:$0x3FAB] =	sst s3  }
0xc: {  	[smem:$0x3FAC] =	sst s4  }
0xd: {  	[smem:$0x3FAD] =	sst s5  }
0xe: {  	[smem:$0x3FAE] =	sst s6  }
0xf: {  	[smem:$0x3FAF] =	sst s7  }
0x10: {  	[smem:$0x3FB0] =	sst s8  }
0x11: {  	[smem:$0x3FB1] =	sst s9;
	s0 =	simm.s32 @!p0 $0x0  }
0x12: {  	s1 =	sld [smem:$0x3F97];
	s0 =	simm.s32 @p0 $0x1  }
0x13: {  	[smem:$0x3FB2] =	sst s0;
	s0 =	simm.s32 @!p1 $0x0  }
0x14: {  	s2 =	sld [smem:$0x3F96];
	s0 =	simm.s32 @p1 $0x1  }
0x15: {  	[smem:$0x3FB3] =	sst s0;
	s0 =	simm.s32 @!p2 $0x0  }
0x16: {  	s3 =	sld [smem:$0x3FDB];
	s0 =	simm.s32 @p2 $0x1  }
0x17: {  	s4 =	simm.s32 $0x1BF5;
	[smem:$0x3FB5] =	sst s0  }
0x18: {  	s0 =	sld [smem:$0x3F98];
	_ =	swait.ge [sflag:s4], $0x0  }
0x19: {  	s7 =	sld [smem:$0x3F99]  }
0x1a: {  	s8 =	sadd.s32 $0xFFFFE003, lr  }
0x1b: {  	s9 =	sadd.s32 $0xFFFFFEF7, lr;
	s5 =	simm.s32 $0xFFFFFFFF;
	p2 =	slt.u32 s8, $0xFFFFF086  }
0x1c: {  	p1 =	slt.u32 s9, $0xF7A;
	s5 =	simm.s32 @!p2 $0x0  }
0x1d: {  	s5 =	simm.s32 @p1 $0x1;
	p0 =	seq.s32 s7, s2  }
0x1e: {  	s7 =	smul.u32 @!p0 $0xF7A, s2;
	p2 =	seq.s32 @!p0 s5, $0x0  }
0x1f: {  	s9 =	smul.u32 $0xF7A, s1;
	s8 =	simm.s32 @!p0 $0x1BF5;
	p2 =	por !p2, p0  }
0x20: {  	[sflag:s8] =	ssyncset.s32 @!p0 $0xFFFFF086;
	s6 =	sadd.s32 @!p0 s3, s7;
	s7 =	simm.s32 @!p0 $0x108  }
0x21: {  	s3 =	sadd.s32 s3, s9;
	s6 =	sadd.s32 @!p0 $0x88, s6;
	s7 =	simm.s32 @p2 $0x1082  }
0x22: {  	[simem:s7], [sflag:s8] =	dma.local @!p0 [hbm:s6], $0xF7A  }
0x23: {  	s9 =	sor.u32 $0xD0000000, s2;
	s6 =	simm.s32 $0x108;
	_ =	swait.ge @!p0 [sflag:s8], $0x0  }
0x24: {  	s3 =	sadd.s32 $0x88, s3;
	s6 =	simm.s32 @!p1 $0x1082;
	[sflag:s4] =	ssyncset.s32 $0xFFFFF086  }
0x25: {  	[simem:s6], [sflag:s4] =	dma.local [hbm:s3], $0xF7A  }
0x26: {  	[smem:$0x3F99] =	sst s1;
	(tag) =	ssettag s2;
	_ =	strace s9  }
0x27: {  	s1 =	sld [smem:$0x3FA9]  }
0x28: {  	s2 =	sld [smem:$0x3FAA]  }
0x29: {  	s4 =	sld [smem:$0x3FAC]  }
0x2a: {  	p0 =	seq.s32 s5, $0x0;
	s5 =	sld [smem:$0x3FAD]  }
0x2b: {  	s6 =	sld [smem:$0x3FAE]  }
0x2c: {  	s7 =	sld [smem:$0x3FAF]  }
0x2d: {  	s3 =	simm.s32 $0x108;
	s8 =	sld [smem:$0x3FB0]  }
0x2e: {  	s3 =	simm.s32 @!p0 $0x1082;
	s9 =	sld [smem:$0x3FB1]  }
0x2f: {  	lr =	sadd.s32 s0, s3;
	s0 =	sld [smem:$0x3FA8]  }
0x30: {  	s3 =	sld [smem:$0x3FAB]  }
0x31: {  	[smem:$0x3FB4] =	sst s10  }
0x32: {  	s10 =	sld [smem:$0x3FB2];
	_ =	sdelay $0x3  }
0x33: {  	p0 =	seq.s32 s10, $0x1;
	s10 =	sld [smem:$0x3FB4];
	_ =	sdelay $0x3  }
0x34: {  	[smem:$0x3FB4] =	sst s10  }
0x35: {  	s10 =	sld [smem:$0x3FB3];
	_ =	sdelay $0x3  }
0x36: {  	p1 =	seq.s32 s10, $0x1;
	s10 =	sld [smem:$0x3FB4];
	_ =	sdelay $0x3  }
0x37: {  	[smem:$0x3FB4] =	sst s10  }
0x38: {  	s10 =	sld [smem:$0x3FB5]  }
0x39: {  	_ = 	snop;
	(pc) =	sbr.ind lr, $3  }
0x3a: {  	_ = 	snop  }
0x3b: {  	_ = 	snop  }
0x3c: {  	p2 =	seq.s32 s10, $0x1;
	s10 =	sld [smem:$0x3FB4]  }
0x3d: {  	_ =	shalt  }
0x3e: {  	_ =	shalt  }
0x3f: {  	_ =	shalt  }
0x40: {  	_ =	shalt  }
0x41: {  	_ =	shalt  }
0x42: {  	_ =	shalt  }
0x43: {  	_ =	shalt  }
0x44: {  	_ =	shalt  }
0x45: {  	_ =	shalt  }
0x46: {  	_ =	shalt  }
0x47: {  	_ =	shalt  }
0x48: {  	_ =	shalt  }
0x49: {  	_ =	shalt  }
0x4a: {  	_ =	shalt  }
0x4b: {  	_ =	shalt  }
0x4c: {  	_ =	shalt  }
0x4d: {  	_ =	shalt  }
0x4e: {  	_ =	shalt  }
0x4f: {  	_ =	shalt  }
0x50: {  	_ =	shalt  }
0x51: {  	_ =	shalt  }
0x52: {  	_ =	shalt  }
0x53: {  	_ =	shalt  }
0x54: {  	_ =	shalt  }
0x55: {  	_ =	shalt  }
0x56: {  	_ =	shalt  }
0x57: {  	_ =	shalt  }
0x58: {  	_ =	shalt  }
0x59: {  	_ =	shalt  }
0x5a: {  	_ =	shalt  }
0x5b: {  	_ =	shalt  }
0x5c: {  	_ =	shalt  }
0x5d: {  	_ =	shalt  }
0x5e: {  	_ =	shalt  }
0x5f: {  	_ =	shalt  }
0x60: {  	_ =	shalt  }
0x61: {  	_ =	shalt  }
0x62: {  	_ =	shalt  }
0x63: {  	_ =	shalt  }
0x64: {  	_ =	shalt  }
0x65: {  	_ =	shalt  }
0x66: {  	_ =	shalt  }
0x67: {  	_ =	shalt  }
0x68: {  	_ =	shalt  }
0x69: {  	_ =	shalt  }
0x6a: {  	_ =	shalt  }
0x6b: {  	_ =	shalt  }
0x6c: {  	_ =	shalt  }
0x6d: {  	_ =	shalt  }
0x6e: {  	_ =	shalt  }
0x6f: {  	_ =	shalt  }
0x70: {  	_ =	shalt  }
0x71: {  	_ =	shalt  }
0x72: {  	_ =	shalt  }
0x73: {  	_ =	shalt  }
0x74: {  	_ =	shalt  }
0x75: {  	_ =	shalt  }
0x76: {  	_ =	shalt  }
0x77: {  	_ =	shalt  }
0x78: {  	_ =	shalt  }
0x79: {  	_ =	shalt  }
0x7a: {  	_ =	shalt  }
0x7b: {  	_ =	shalt  }
0x7c: {  	_ =	shalt  }
0x7d: {  	_ =	shalt  }
0x7e: {  	_ =	shalt  }
0x7f: {  	_ =	shalt  }
0x80: {  	_ =	shalt  }
0x81: {  	_ =	shalt  }
0x82: {  	_ =	shalt  }
0x83: {  	_ =	shalt  }
0x84: {  	_ =	shalt  }
0x85: {  	_ =	shalt  }
0x86: {  	_ =	shalt  }
0x87: {  	_ =	shalt  }
.Lfunc_end0:
.L_simem_size_0:
called_computation_lowered:
.L_overlay_start_0:
0x88: {  	s2 =	sld [smem:$0x3FD9]  }
0x89: {  	s3 =	sld [smem:$0x3FFE];
	_ =	sdelay $0x1  }
0x8a: {  	s1 =	srdreg.scid  }
0x8b: {  	s0 =	sand.u32 $0x1, s1  }
0x8c: {  	s17 =	sshll.u32 s0, $0xA;
	s2 =	sadd.s32 s3, s2  }
0x8d: {  	s2 =	sadd.s32 s2, s17  }
0x8e: {  	[smem:$0x3FC0] =	sst s2  }
0x8f: {  	_ = 	snop  }
0x90: {  	s2 =	sld [smem:$0x3FC9]  }
0x91: {  	s18 =	sld [smem:$0x3FD0];
	(tm) =	ssettm $0x1  }
0x92: {  	s4 =	sld [smem:$0x3FFB];
	_ =	sdelay $0x3  }
0x93: {  	_ =	strace s4  }
0x94: {  	s4 =	sld [smem:$0x3FFC];
	_ =	sdelay $0x3  }
0x95: {  	_ =	strace s4  }
0x96: {  	s4 =	sld [smem:$0x3FFD];
	_ =	sdelay $0x3  }
0x97: {  	_ =	strace s4  }
0x98: {  	_ =	strace $0x8FFFFFFF  }
0x99: {  	s19 =	sld [smem:$0x3FDB];
	_ =	sdelay $0x1  }
0x9a: {  	s5 =	simm.s32 $_scs_section_size  }
0x9b: {  	s6 =	simm.s32 $_size__tile_overlayer_lowered;
	s7 =	simm.s32 $_tile_overlayer_lowered  }
0x9c: {  	s22 =	simm.s32 $0x1BFF;
	s21 =	sshll.u32 s7, $0x1;
	s4 =	sadd.s32 s5, s19  }
0x9d: {  	s8 =	simm.s32 $0x0;
	s20 =	sshll.u32 s6, $0x1;
	s6 =	sadd.s32 s21, s4  }
0x9e: {  	[timem:s8], [sflag:s22] =	dma.local [hbm:s6], s20  }
0x9f: {  	_ =	swait.ge [sflag:s22], s20  }
0xa0: {  	s5 =	ssub.s32 $0x0, s20;
	[sflag:s22] =	ssyncset.done $0x0  }
0xa1: {  	[sflag:s22] =	ssyncadd.s32 s5;
	_ =	sdelay $0x1  }
0xa2: {  	s23 =	simm.s32 $0x1B8B  }
0xa3: {  	_ =	swait.ge [sflag:s23], $0x1  }
0xa4: {  	[sflag:s23] =	ssyncset.done $0x0  }
0xa5: {  	s25 =	simm.s32 $0x1B8E;
	s24 =	sld [smem:$0x3FFE];
	[sflag:s23] =	ssyncadd.s32 $0xFFFFFFFF  }
0xa6: {  	s26 =	simm.s32 $execute0_lowered;
	[smem:$0x3FD2] =	sst s25  }
0xa7: {  	s6 =	sshll.u32 s26, $0x1;
	_ =	strace $0x80000046;
	[dreg:$0x1] =	wrdreg $0xFFFFFFFF  }
0xa8: {  	s28 =	simm.s32 $_size_execute0_lowered;
	s4 =	sadd.s32 s4, s6;
	[dreg:$0x0] =	wrdreg $0x0  }
0xa9: {  	s6 =	sshll.u32 s28, $0x1;
	[dreg:$0x2] =	wrdreg s4  }
0xaa: {  	[dreg:$0x3] =	wrdreg s6  }
0xab: {  	[dreg:$0x4] =	wrdreg $0xC0  }
0xac: {  	_ =	task [dreg:s8], $0x5FFFF  }
0xad: {  	[dreg:$0x1] =	wrdreg $0xFFFFFFFF  }
0xae: {  	[dreg:$0x0] =	wrdreg $0x60  }
0xaf: {  	[dreg:$0x2] =	wrdreg s2  }
0xb0: {  	[dreg:$0x3] =	wrdreg s24  }
0xb1: {  	[dreg:$0x4] =	wrdreg s18  }
0xb2: {  	[dreg:$0x5] =	wrdreg $0x0  }
0xb3: {  	[dreg:$0x6] =	wrdreg $0x13C000  }
0xb4: {  	[dreg:$0x7] =	wrdreg $0x9  }
0xb5: {  	_ =	task.clear_ibuf [dreg:s8], $0x8FFFF;
	_ =	strace $0x90000046  }
0xb6: {  	s29 =	simm.s32 $0x9;
	_ =	strace $0x80000048  }
0xb7: {  	_ =	swait.ge [sflag:s29], $0x1  }
0xb8: {  	[sflag:s29] =	ssyncadd.s32 $0xFFFFFFFF  }
0xb9: {  	_ =	strace $0x90000048  }
0xba: {  	_ =	sfence  }
0xbb: {  	s30 =	sld [smem:$0x0];
	_ =	sdelay $0x2  }
0xbc: {  	s31 =	sshll.u32 s1, $0xD;
	s1 =	sshrl.u32 s1, $0x2  }
0xbd: {  	s3 =	sand.u32 $0x4000, s31;
	s1 =	sadd.s32 s1, s30  }
0xbe: {  	s0 =	sor.u32 s3, s0;
	s1 =	sshll.u32 s1, $0x11  }
0xbf: {  	s0 =	sor.u32 s1, s0  }
0xc0: {  	s0 =	sadd.s32 $0x8F2B, s0  }
0xc1: {  	[sflag:s0] =	ssyncadd.remote.s32 $0x1  }
0xc2: {  	_ =	sfence.sel $0xFFFF  }
0xc3: {  	[dreg:$0x0] =	wrdreg $0xFFFFFFFF;
	(pc) =	sbr.abs _section_cstart, $3  }
0xc4: {  	[dreg:$0x1] =	wrdreg $0xFFFFFFFF  }
0xc5: {  	_ =	task.clear_ibuf [dreg:s8], $0x2FFFF;
	_ =	strace $0x9FFFFFFF  }
0xc6: {  	(tm) =	ssettm $0x7FFFFFFF  }
0xc7: {  	_ =	shalt  }
tec
execute0_lowered:
.L_overlay_start_1:
0x0: {  	(tag) =	ssettag $0x1  }
0x1: {  	s0 =	rddreg [dreg:$0x1]  }
0x2: {  	s2 =	rddreg [dreg:$0x2]  }
0x3: {  	s1 =	rddreg [dreg:$0x3]  }
0x4: {  	s3 =	rddreg [dreg:$0x4];
	s26 =	simm.s32 $0x0  }
0x5: {  	s15 =	stileid.u32;
	s8 =	srdreg.scid;
	s28 =	simm.s32 $0x1DD78  }
0x6: {  	s29 =	simm.s32 $0x4;
	s30 =	simm.s32 $0xD;
	s6 =	smul.u32 $0x13C00, s15  }
0x7: {  	s31 =	simm.s32 $0xA;
	[smem:$0x7FF] =	sst s26;
	s7 =	smul.u32 $0x278, s15  }
0x8: {  	s16 =	sadd.s32 $0xBE00, s0;
	s8 =	sand.u32 $0x1, s8;
	s17 =	sadd.s32 $0x2000, s0  }
0x9: {  	s12 =	smul.u32 $0x4F000, s15;
	s23 =	sshll.u32 s15, $0x6;
	_ =	strace $0x80000047  }
0xa: {  	s11 =	smul.u32 $0x13C000, s8;
	s22 =	sshll.u32 s8, $0x4;
	s13 =	ssub.s32 $0x2, s8  }
0xb: {  	s20 =	sor.u32 $0x1C10, s23;
	s5 =	smul.u32 $0x2780, s8;
	[dreg:$0x7] =	wrdreg s17  }
0xc: {  	s8 =	smul.u32 $0x27100, s8;
	[dreg:$0x6] =	wrdreg s16;
	s9 =	sshrl.u32 s6, $0x3  }
0xd: {  	s10 =	sshrl.u32 s7, $0x3;
	s14 =	sshrl.u32 s13, $0x1;
	s12 =	sshrl.u32 s12, $0x2  }
0xe: {  	s21 =	sadd.s32 s7, s3;
	[dreg:$0xa] =	wrdreg s20;
	s9 =	sadd.s32 s9, s0  }
0xf: {  	s10 =	sadd.s32 s10, s0;
	s6 =	sadd.s32 s6, s11;
	s11 =	sor.u32 s15, s22  }
0x10: {  	s12 =	sadd.s32 s12, s1;
	s7 =	sadd.s32 s7, s5;
	s22 =	smul.u32 $0x2710, s15  }
0x11: {  	[dreg:$0xc] =	wrdreg s21;
	s6 =	sshrl.u32 s6, $0x3;
	s11 =	smul.u32 $0x2710, s11  }
0x12: {  	[dreg:$0x8] =	wrdreg s12;
	s9 =	sadd.s32 $0x15C00, s9;
	s25 =	sadd.s32 $0x3D400, s10  }
0x13: {  	s7 =	sshrl.u32 s7, $0x3;
	s0 =	sadd.s32 s6, s0;
	[dreg:$0x9] =	wrdreg s9  }
0x14: {  	s6 =	ssub.s32 s13, s14;
	[dreg:$0xb] =	wrdreg s25;
	s2 =	sadd.s32 s2, s7  }
0x15: {  	s7 =	simm.s32 $0x2;
	s24 =	sadd.s32 $0x68, s11;
	s10 =	sshrl.u32 s11, $0x3  }
0x16: {  	s18 =	sadd.s32 $0x138, s11;
	[dreg:$0x13] =	wrdreg s2;
	s0 =	sadd.s32 $0x3DA00, s0  }
0x17: {  	s6 =	smax.u32 s6, $0x1;
	s1 =	sshrl.u32 s24, $0x3;
	[dreg:$0x1a] =	wrdreg s0  }
0x18: {  	s4 =	sadd.s32 $0x1A, s10;
	s3 =	sadd.s32 s17, s10;
	[dreg:$0x1b] =	wrdreg s6  }
0x19: {  	s23 =	sadd.s32 $0x34, s10;
	s12 =	sadd.s32 s16, s1;
	[dreg:$0x17] =	wrdreg s3  }
0x1a: {  	s24 =	sadd.s32 s22, s8;
	s9 =	sadd.s32 s17, s1;
	[dreg:$0xd] =	wrdreg s12  }
0x1b: {  	s8 =	simm.s32 $0xE;
	s14 =	sadd.s32 s16, s4;
	[dreg:$0xe] =	wrdreg s9  }
0x1c: {  	s25 =	sadd.s32 s16, s23;
	s2 =	sadd.s32 s17, s23;
	[dreg:$0xf] =	wrdreg s14  }
0x1d: {  	s1 =	sadd.s32 s16, s10;
	s11 =	sadd.s32 $0x3A8, s24;
	[dreg:$0x14] =	wrdreg s25  }
0x1e: {  	s15 =	sadd.s32 $0x2D8, s24;
	s9 =	sadd.s32 s17, s4;
	[dreg:$0x15] =	wrdreg s2  }
0x1f: {  	[dreg:$0x16] =	wrdreg s1;
	s4 =	sadd.s32 $0x4E0, s10;
	s14 =	sadd.s32 $0x340, s24  }
0x20: {  	s1 =	simm.s32 $0x0;
	[dreg:$0x10] =	wrdreg s9;
	s5 =	sadd.s32 s16, s4  }
0x21: {  	s9 =	sshrl.u32 s18, $0x3;
	s2 =	sadd.s32 s17, s4;
	[dreg:$0x18] =	wrdreg s5  }
0x22: {  	s19 =	sadd.s32 s16, s9;
	s9 =	sadd.s32 s17, s9;
	[dreg:$0x19] =	wrdreg s2  }
0x23: {  	s2 =	sshrl.u32 s11, $0x3;
	s11 =	simm.s32 $0x1DEF8;
	[dreg:$0x11] =	wrdreg s19  }
0x24: {  	s5 =	simm.s32 $0x1DF78;
	[dreg:$0x12] =	wrdreg s9;
	s9 =	sadd.s32 $0x410, s24  }
0x25: {  	s13 =	sadd.s32 s2, s17;
	s2 =	sadd.s32 s2, s16;
	s19 =	sadd.s32 $0x208, s24  }
0x26: {  	s24 =	sadd.s32 $0x270, s24;
	s10 =	sshrl.u32 s9, $0x3;
	[dreg:$0x1e] =	wrdreg s13  }
0x27: {  	[dreg:$0x1f] =	wrdreg s2;
	s2 =	sshrl.u32 s15, $0x3;
	s22 =	sshrl.u32 s19, $0x3  }
0x28: {  	[smem:$0x7FB] =	sst s24;
	s13 =	simm.s32 $0x68;
	s12 =	sadd.s32 s10, s17  }
0x29: {  	s9 =	simm.s32 $0xB;
	s0 =	sadd.s32 s10, s16;
	[dreg:$0x1c] =	wrdreg s12  }
0x2a: {  	s15 =	simm.s32 $0xC;
	s23 =	sadd.s32 s2, s17;
	[dreg:$0x1d] =	wrdreg s0  }
0x2b: {  	s24 =	simm.s32 $0x1E978;
	s2 =	sadd.s32 s2, s16;
	[smem:$0x7F9] =	sst s23  }
0x2c: {  	s25 =	sadd.s32 s22, s17;
	s10 =	simm.s32 $0x1DDF8;
	[smem:$0x7FA] =	sst s2  }
0x2d: {  	s0 =	sshrl.u32 s14, $0x3;
	[smem:$0x7FC] =	sst s25;
	s23 =	simm.s32 $0x10  }
.Ltmp0:
0x2e: {  	s25 =	simm.s32 $0x1E9F8;
	s18 =	sadd.s32 s0, s17;
	(pc) =	sbr.rel .LBB2_1-.Ltmp0, $4  }
0x2f: {  	s2 =	simm.s32 $0x5;
	s0 =	sadd.s32 s0, s16;
	[smem:$0x7F7] =	sst s18  }
0x30: {  	s12 =	simm.s32 $0x1DFF8;
	s17 =	simm.s32 $0x13E78;
	[smem:$0x7F8] =	sst s0  }
0x31: {  	s0 =	sadd.s32 s22, s16;
	s22 =	simm.s32 $0x1DE78;
	s18 =	simm.s32 $0x1  }
0x32: {  	v0 =	vimm.f32 $1.000000000e+00;
	s16 =	simm.s32 $0x1A678;
	[smem:$0x7FD] =	sst s0;
	s0 =	simm.s32 $0x3  }
.LBB2_4:
0x33: {  	s19 =	rddreg [dreg:$0x18]  }
0x34: {  	s26 =	simm.s32 $0x0;
	s4 =	simm.s32 $0x1E078;
	s23 =	simm.s32 $0x10  }
0x35: {  	[tilespmem:s4], [sflag:$0x10] =	stream.linear.gather [hbm4b:s19+s26], $0x10, $0x38;
	[tilespmem:$0x1EC78] =	vst v63  }
0x36: {  	_ =	swait.ge [sflag:s23], $0x10  }
0x37: {  	[sflag:s23] =	ssyncset.done $0x0  }
0x38: {  	s5 =	simm.s32 $0x1E0F8;
	s14 =	rddreg [dreg:$0x19];
	[sflag:s23] =	ssyncadd.s32 $0xFFFFFFF0  }
0x39: {  	[tilespmem:s5], [sflag:$0x10] =	stream.linear.gather [hbm4b:s14+s26], $0x10, $0x38;
	[tilespmem:$0x1EC78] =	vst v63  }
0x3a: {  	_ =	swait.ge [sflag:s23], $0x10  }
0x3b: {  	[sflag:s23] =	ssyncset.done $0x0  }
0x3c: {  	[sflag:s23] =	ssyncadd.s32 $0xFFFFFFF0  }
0x3d: {  	s6 =	simm.s32 $0x1E178;
	s1 =	rddreg [dreg:$0x0]  }
0x3e: {  	[tilespmem:s6], [sflag:$0x1] =	stream.indirect.gather [hbm4b:s1+s23], $0x80, s4, s23, $0xb8;
	[tilespmem:$0x1EC78] =	vst v63  }
0x3f: {  	_ =	swait.ge [sflag:s18], $0x800  }
0x40: {  	[sflag:s18] =	ssyncset.done $0x0  }
0x41: {  	[sflag:s18] =	ssyncadd.s32 $0xFFFFF800  }
0x42: {  	s19 =	rddreg [dreg:$0x3]  }
0x43: {  	[spmem:s19] =	stream.indirect.scatter.add.f32 [tilespmem:s6], [sflag:$0x10], $0x80, s5, s23, $0xb8;
	[tilespmem:$0x1EC78] =	vst v63  }
0x44: {  	_ =	swait.ge [sflag:s23], $0x800  }
0x45: {  	[sflag:s23] =	ssyncset.done $0x0  }
0x46: {  	[sflag:s23] =	ssyncadd.s32 $0xFFFFF800  }
0x47: {  	s20 =	rddreg [dreg:$0x4]  }
0x48: {  	[spmem:s20] =	stream.indirect.scatter.add.f32 [tilespmem:s3], [sflag:$0x10], $0x1, s5, s23, $0xb8;
	[tilespmem:$0x1EC78] =	vst v63  }
0x49: {  	_ =	swait.ge [sflag:s23], $0x10  }
0x4a: {  	[sflag:s23] =	ssyncset.done $0x0  }
0x4b: {  	s21 =	simm.s32 $0x6;
	[sflag:s23] =	ssyncadd.s32 $0xFFFFFFF0  }
0x4c: {  	_ =	swait.ge [sflag:s21], $0x3400  }
0x4d: {  	[sflag:s21] =	ssyncset.done $0x0  }
0x4e: {  	s25 =	simm.s32 $0xF;
	[sflag:s21] =	ssyncadd.s32 $0xFFFFCC00  }
0x4f: {  	_ =	swait.ge [sflag:s25], $0x68  }
0x50: {  	[sflag:s25] =	ssyncset.done $0x0  }
0x51: {  	[sflag:s25] =	ssyncadd.s32 $0xFFFFFF98  }
0x52: {  	[bflag:$0x0] =	sbarrier.arrive $0xFFFF  }
0x53: {  	s4 =	sld [smem:$0x7F6]  }
0x54: {  	s20 =	rddreg [dreg:$0xa]  }
0x55: {  	s3 =	rddreg [dreg:$0x1a]  }
0x56: {  	[hbm:s3], [sflag:s20] =	dma.local [spmem:s4], $0x2780  }
0x57: {  	_ =	swait.ge [sflag:s23], $0x2780  }
0x58: {  	[sflag:s23] =	ssyncset.done $0x0  }
0x59: {  	s25 =	simm.s32 $0x1E9F8;
	s21 =	rddreg [dreg:$0xc];
	[sflag:s23] =	ssyncadd.s32 $0xFFFFD880  }
0x5a: {  	[tilespmem:s25], [sflag:$0x10] =	stream.linear.gather [spmem:s21], $0x278, $0x38;
	[tilespmem:$0x1EC78] =	vst v63  }
0x5b: {  	_ =	swait.ge [sflag:s23], $0x278  }
0x5c: {  	[sflag:s23] =	ssyncset.done $0x0  }
0x5d: {  	s5 =	rddreg [dreg:$0x13];
	[sflag:s23] =	ssyncadd.s32 $0xFFFFFD88  }
0x5e: {  	[hbm4b:s5+s26] =	stream.linear.scatter [tilespmem:s25], [sflag:$0x10], $0x278, $0x38;
	[tilespmem:$0x1EC78] =	vst v63  }
0x5f: {  	_ =	swait.ge [sflag:s23], $0x278  }
0x60: {  	s6 =	sld [smem:$0x7F5];
	_ =	sdelay $0x2  }
0x61: {  	s14 =	rddreg [dreg:$0x1b];
	s1 =	sadd.s32 $0x1, s6  }
0x62: {  	p0 =	sne.s32 s1, s14  }
.Ltmp1:
0x63: {  	_ = 	snop;
	(pc) =	sbr.rel @!p0 .LBB2_5-.Ltmp1, $3  }
0x64: {  	_ =	sdelay $0x1  }
0x65: {  	[sflag:s23] =	ssyncset.done $0x0  }
0x66: {  	s5 =	simm.s32 $0x1DF78;
	[sflag:s23] =	ssyncadd.s32 $0xFFFFFD88  }
.LBB2_1:
0x67: {  	[smem:$0x7F5] =	sst s1  }
0x68: {  	s19 =	rddreg [dreg:$0x8]  }
0x69: {  	s4 =	rddreg [dreg:$0x9];
	s3 =	sshrl.u32 s19, $0x3  }
0x6a: {  	[smem:$0x7F6] =	sst s3  }
0x6b: {  	[spmem:s3], [sflag:s20] =	dma.local [hbm:s4], $0x2780  }
0x6c: {  	_ =	swait.ge [sflag:s23], $0x2780  }
0x6d: {  	[sflag:s23] =	ssyncset.done $0x0  }
0x6e: {  	s6 =	rddreg [dreg:$0xb];
	[sflag:s23] =	ssyncadd.s32 $0xFFFFD880  }
0x6f: {  	[tilespmem:s25], [sflag:$0x10] =	stream.linear.gather [hbm4b:s6+s26], $0x278, $0x38;
	[tilespmem:$0x1EC78] =	vst v63  }
0x70: {  	_ =	swait.ge [sflag:s23], $0x278  }
0x71: {  	[sflag:s23] =	ssyncset.done $0x0  }
0x72: {  	[sflag:s23] =	ssyncadd.s32 $0xFFFFFD88  }
0x73: {  	[spmem:s21] =	stream.linear.scatter [tilespmem:s25], [sflag:$0x10], $0x278, $0x38;
	[tilespmem:$0x1EC78] =	vst v63  }
0x74: {  	_ =	swait.ge [sflag:s23], $0x278  }
0x75: {  	[sflag:s23] =	ssyncset.done $0x0  }
0x76: {  	[sflag:s23] =	ssyncadd.s32 $0xFFFFFD88  }
0x77: {  	[tilespmem:$0x1E978] =	vst v0  }
0x78: {  	[tilespmem:$0x1E988] =	vst v0  }
0x79: {  	[tilespmem:$0x1E998] =	vst v0  }
0x7a: {  	[tilespmem:$0x1E9A8] =	vst v0  }
0x7b: {  	[tilespmem:$0x1E9B8] =	vst v0  }
0x7c: {  	[tilespmem:$0x1E9C8] =	vst v0  }
0x7d: {  	[tilespmem:$0x1E9D8] =	vst v0  }
0x7e: {  	s20 =	simm.s32 $0x1DA78;
	s14 =	rddreg [dreg:$0x16];
	[tilespmem:$0x1E9E8] =	vst v0  }
0x7f: {  	[tilespmem:s20], [sflag:$0x7] =	stream.linear.gather [hbm4b:s14+s26], $0x68, $0x38;
	[tilespmem:$0x1EC78] =	vst v63  }
0x80: {  	s21 =	rddreg [dreg:$0x17]  }
0x81: {  	[tilespmem:s28], [sflag:$0x7] =	stream.linear.gather [hbm4b:s21+s26], $0x68, $0x38;
	[tilespmem:$0x1EC78] =	vst v63  }
0x82: {  	s23 =	rddreg [dreg:$0xd];
	s21 =	simm.s32 $0x1DAF8  }
0x83: {  	[tilespmem:s21], [sflag:$0x8] =	stream.linear.gather [hbm4b:s23+s26], $0x68, $0x38;
	[tilespmem:$0x1EC78] =	vst v63  }
0x84: {  	s25 =	rddreg [dreg:$0xe]  }
0x85: {  	[tilespmem:s10], [sflag:$0x8] =	stream.linear.gather [hbm4b:s25+s26], $0x68, $0x38;
	[tilespmem:$0x1EC78] =	vst v63  }
0x86: {  	s1 =	simm.s32 $0x1DB78;
	s28 =	rddreg [dreg:$0xf]  }
0x87: {  	[tilespmem:s1], [sflag:$0x9] =	stream.linear.gather [hbm4b:s28+s26], $0x68, $0x38;
	[tilespmem:$0x1EC78] =	vst v63  }
0x88: {  	s3 =	rddreg [dreg:$0x10]  }
0x89: {  	[tilespmem:s22], [sflag:$0x9] =	stream.linear.gather [hbm4b:s3+s26], $0x68, $0x38;
	[tilespmem:$0x1EC78] =	vst v63  }
0x8a: {  	s6 =	simm.s32 $0x1DBF8;
	s4 =	rddreg [dreg:$0x11]  }
0x8b: {  	[tilespmem:s6], [sflag:$0xA] =	stream.linear.gather [hbm4b:s4+s26], $0x68, $0x38;
	[tilespmem:$0x1EC78] =	vst v63  }
0x8c: {  	s14 =	rddreg [dreg:$0x12]  }
0x8d: {  	[tilespmem:s11], [sflag:$0xA] =	stream.linear.gather [hbm4b:s14+s26], $0x68, $0x38;
	[tilespmem:$0x1EC78] =	vst v63  }
0x8e: {  	s22 =	rddreg [dreg:$0x14];
	s11 =	simm.s32 $0x1DC78  }
0x8f: {  	[tilespmem:s11], [sflag:$0xB] =	stream.linear.gather [hbm4b:s22+s26], $0x68, $0x38;
	[tilespmem:$0x1EC78] =	vst v63  }
0x90: {  	s23 =	rddreg [dreg:$0x15]  }
0x91: {  	[tilespmem:s5], [sflag:$0xB] =	stream.linear.gather [hbm4b:s23+s26], $0x68, $0x38;
	[tilespmem:$0x1EC78] =	vst v63  }
0x92: {  	s25 =	simm.s32 $0x7;
	[bflag:$0x0] =	sbarrier.arrive $0xFFFF  }
0x93: {  	_ =	swait.ge [sflag:s25], $0x68  }
0x94: {  	[sflag:s25] =	ssyncset.done $0x0  }
0x95: {  	[sflag:s25] =	ssyncadd.s32 $0xFFFFFF98  }
0x96: {  	_ =	swait.ge [sflag:s25], $0x68  }
0x97: {  	[sflag:s25] =	ssyncset.done $0x0  }
0x98: {  	[sflag:s25] =	ssyncadd.s32 $0xFFFFFF98  }
0x99: {  	s3 =	simm.s32 $0x8;
	s28 =	rddreg [dreg:$0x0]  }
0x9a: {  	[tilespmem:s17], [sflag:$0x1] =	stream.indirect.gather [hbm4b:s28+s13], $0x80, s20, s13, $0xb8;
	[tilespmem:$0x1EC78] =	vst v63  }
0x9b: {  	_ =	swait.ge [sflag:s3], $0x68  }
0x9c: {  	[sflag:s3] =	ssyncset.done $0x0  }
0x9d: {  	[sflag:s3] =	ssyncadd.s32 $0xFFFFFF98  }
0x9e: {  	_ =	swait.ge [sflag:s3], $0x68  }
0x9f: {  	[sflag:s3] =	ssyncset.done $0x0  }
0xa0: {  	s17 =	simm.s32 $0x17278;
	[sflag:s3] =	ssyncadd.s32 $0xFFFFFF98  }
0xa1: {  	[tilespmem:s17], [sflag:$0x2] =	stream.indirect.gather [hbm4b:s28+s13], $0x80, s21, s13, $0xb8;
	[tilespmem:$0x1EC78] =	vst v63  }
0xa2: {  	s19 =	sld [smem:$0x7FB];
	s21 =	simm.s32 $0x0  }
.LBB2_2:
0xa3: {  	_ =	swait.ge [sflag:s18], $0x3400  }
0xa4: {  	[sflag:s18] =	ssyncset.done $0x0  }
0xa5: {  	s20 =	simm.s32 $0x1DD78;
	[sflag:s18] =	ssyncadd.s32 $0xFFFFCC00  }
0xa6: {  	s14 =	simm.s32 $0x13E78;
	p0 =	seq.s32 s21, $0x0;
	s4 =	rddreg [dreg:$0x3]  }
0xa7: {  	[spmem:s4] =	stream.indirect.scatter.add.f32 [tilespmem:s14], [sflag:$0x4], $0x80, s20, s13, $0xb8;
	[tilespmem:$0x1EC78] =	vst v63  }
0xa8: {  	s23 =	simm.s32 @!p0 $0x6;
	s5 =	rddreg [dreg:$0x4]  }
0xa9: {  	[spmem:s5] =	stream.indirect.scatter.add.f32 [tilespmem:s24], [sflag:$0xD], $0x1, s20, s13, $0xb8;
	[tilespmem:$0x1EC78] =	vst v63  }
0xaa: {  	_ =	swait.ge @!p0 [sflag:s23], $0x3400  }
0xab: {  	[sflag:s23] =	ssyncset.done @!p0 $0x0  }
0xac: {  	[sflag:s23] =	ssyncadd.s32 @!p0 $0xFFFFCC00;
	s23 =	simm.s32 @!p0 $0xF  }
0xad: {  	_ =	swait.ge @!p0 [sflag:s23], $0x68  }
0xae: {  	s3 =	sld [smem:$0x7FD];
	_ =	sdelay $0x1  }
0xaf: {  	[sflag:s23] =	ssyncset.done @!p0 $0x0;
	s10 =	sld [smem:$0x7FC]  }
0xb0: {  	s1 =	simm.s32 $0x1DCF8;
	[sflag:s23] =	ssyncadd.s32 @!p0 $0xFFFFFF98;
	s6 =	sadd.s32 s21, s3  }
0xb1: {  	[tilespmem:s1], [sflag:$0xC] =	stream.linear.gather [hbm4b:s6+s26], $0x68, $0x38;
	[tilespmem:$0x1EC78] =	vst v63  }
0xb2: {  	s22 =	sadd.s32 s21, s10;
	s3 =	simm.s32 $0x9  }
0xb3: {  	[tilespmem:s12], [sflag:$0xC] =	stream.linear.gather [hbm4b:s22+s26], $0x68, $0x38;
	[tilespmem:$0x1EC78] =	vst v63  }
0xb4: {  	_ =	swait.ge [sflag:s3], $0x68  }
0xb5: {  	[sflag:s3] =	ssyncset.done $0x0  }
0xb6: {  	[sflag:s3] =	ssyncadd.s32 $0xFFFFFF98  }
0xb7: {  	_ =	swait.ge [sflag:s3], $0x68  }
0xb8: {  	[sflag:s3] =	ssyncset.done $0x0  }
0xb9: {  	[sflag:s3] =	ssyncadd.s32 $0xFFFFFF98  }
0xba: {  	s10 =	simm.s32 $0x1DB78;
	s3 =	rddreg [dreg:$0x0]  }
0xbb: {  	[tilespmem:s16], [sflag:$0x3] =	stream.indirect.gather [hbm4b:s3+s13], $0x80, s10, s13, $0xb8;
	[tilespmem:$0x1EC78] =	vst v63  }
0xbc: {  	_ =	swait.ge [sflag:s7], $0x3400  }
0xbd: {  	[sflag:s7] =	ssyncset.done $0x0  }
0xbe: {  	s23 =	simm.s32 $0x1DDF8;
	[sflag:s7] =	ssyncadd.s32 $0xFFFFCC00  }
0xbf: {  	[spmem:s4] =	stream.indirect.scatter.add.f32 [tilespmem:s17], [sflag:$0x5], $0x80, s23, s13, $0xb8;
	[tilespmem:$0x1EC78] =	vst v63  }
0xc0: {  	_ = 	snop  }
0xc1: {  	[spmem:s5] =	stream.indirect.scatter.add.f32 [tilespmem:s24], [sflag:$0xE], $0x1, s23, s13, $0xb8;
	[tilespmem:$0x1EC78] =	vst v63  }
0xc2: {  	_ =	swait.ge [sflag:s29], $0x3400  }
0xc3: {  	[sflag:s29] =	ssyncset.done $0x0  }
0xc4: {  	p0 =	seq.s32 s21, $0x492;
	[sflag:s29] =	ssyncadd.s32 $0xFFFFCC00  }
0xc5: {  	s25 =	sshrl.u32 @!p0 s19, $0x3;
	_ =	swait.ge [sflag:s30], $0x68  }
0xc6: {  	s26 =	simm.s32 @!p0 $0x1DA78;
	[sflag:s30] =	ssyncset.done $0x0;
	s20 =	rddreg [dreg:$0x6]  }
0xc7: {  	s23 =	simm.s32 @!p0 $0x0;
	[sflag:s30] =	ssyncadd.s32 $0xFFFFFF98;
	s20 =	sadd.s32 @!p0 s20, s25  }
0xc8: {  	[tilespmem:s26], [sflag:$0x7] =	stream.linear.gather @!p0 [hbm4b:s20+s23], $0x68, $0x38;
	[tilespmem:$0x1EC78] =	vst v63  }
0xc9: {  	s20 =	rddreg [dreg:$0x7]  }
0xca: {  	s20 =	sadd.s32 @!p0 s20, s25;
	s25 =	simm.s32 @!p0 $0x1DD78  }
0xcb: {  	[tilespmem:s25], [sflag:$0x7] =	stream.linear.gather @!p0 [hbm4b:s20+s23], $0x68, $0x38;
	[tilespmem:$0x1EC78] =	vst v63  }
0xcc: {  	_ =	swait.ge [sflag:s31], $0x68  }
0xcd: {  	[sflag:s31] =	ssyncset.done $0x0  }
0xce: {  	[sflag:s31] =	ssyncadd.s32 $0xFFFFFF98  }
0xcf: {  	_ =	swait.ge [sflag:s31], $0x68  }
0xd0: {  	[sflag:s31] =	ssyncset.done $0x0  }
0xd1: {  	s25 =	simm.s32 $0x1DBF8;
	[sflag:s31] =	ssyncadd.s32 $0xFFFFFF98  }
0xd2: {  	[tilespmem:s14], [sflag:$0x1] =	stream.indirect.gather [hbm4b:s3+s13], $0x80, s25, s13, $0xb8;
	[tilespmem:$0x1EC78] =	vst v63  }
0xd3: {  	_ =	swait.ge [sflag:s0], $0x3400  }
0xd4: {  	[sflag:s0] =	ssyncset.done $0x0  }
0xd5: {  	s6 =	simm.s32 $0x1DE78;
	[sflag:s0] =	ssyncadd.s32 $0xFFFFCC00  }
0xd6: {  	[spmem:s4] =	stream.indirect.scatter.add.f32 [tilespmem:s16], [sflag:$0x6], $0x80, s6, s13, $0xb8;
	[tilespmem:$0x1EC78] =	vst v63  }
0xd7: {  	_ = 	snop  }
0xd8: {  	[spmem:s5] =	stream.indirect.scatter.add.f32 [tilespmem:s24], [sflag:$0xF], $0x1, s6, s13, $0xb8;
	[tilespmem:$0x1EC78] =	vst v63  }
0xd9: {  	_ =	swait.ge [sflag:s2], $0x3400  }
0xda: {  	[sflag:s2] =	ssyncset.done $0x0  }
0xdb: {  	[sflag:s2] =	ssyncadd.s32 $0xFFFFCC00  }
0xdc: {  	_ =	swait.ge [sflag:s8], $0x68  }
0xdd: {  	s20 =	sld [smem:$0x7FA];
	_ =	sdelay $0x1  }
0xde: {  	[sflag:s8] =	ssyncset.done $0x0  }
0xdf: {  	s25 =	simm.s32 @!p0 $0x1DAF8;
	[sflag:s8] =	ssyncadd.s32 $0xFFFFFF98;
	s20 =	sadd.s32 @!p0 s21, s20  }
0xe0: {  	[tilespmem:s25], [sflag:$0x8] =	stream.linear.gather @!p0 [hbm4b:s20+s23], $0x68, $0x38;
	[tilespmem:$0x1EC78] =	vst v63  }
0xe1: {  	s20 =	sld [smem:$0x7F9];
	_ =	sdelay $0x2  }
0xe2: {  	s25 =	simm.s32 @!p0 $0x1DDF8;
	s20 =	sadd.s32 @!p0 s21, s20  }
0xe3: {  	[tilespmem:s25], [sflag:$0x8] =	stream.linear.gather @!p0 [hbm4b:s20+s23], $0x68, $0x38;
	[tilespmem:$0x1EC78] =	vst v63  }
0xe4: {  	_ =	swait.ge [sflag:s9], $0x68  }
0xe5: {  	[sflag:s9] =	ssyncset.done $0x0  }
0xe6: {  	[sflag:s9] =	ssyncadd.s32 $0xFFFFFF98  }
0xe7: {  	_ =	swait.ge [sflag:s9], $0x68  }
0xe8: {  	[sflag:s9] =	ssyncset.done $0x0  }
0xe9: {  	[sflag:s9] =	ssyncadd.s32 $0xFFFFFF98  }
0xea: {  	[tilespmem:s17], [sflag:$0x2] =	stream.indirect.gather [hbm4b:s3+s13], $0x80, s11, s13, $0xb8;
	[tilespmem:$0x1EC78] =	vst v63  }
0xeb: {  	_ =	swait.ge [sflag:s18], $0x3400  }
0xec: {  	[sflag:s18] =	ssyncset.done $0x0  }
0xed: {  	s25 =	simm.s32 $0x1DEF8;
	[sflag:s18] =	ssyncadd.s32 $0xFFFFCC00  }
0xee: {  	[spmem:s4] =	stream.indirect.scatter.add.f32 [tilespmem:s14], [sflag:$0x4], $0x80, s25, s13, $0xb8;
	[tilespmem:$0x1EC78] =	vst v63  }
0xef: {  	_ = 	snop  }
0xf0: {  	[spmem:s5] =	stream.indirect.scatter.add.f32 [tilespmem:s24], [sflag:$0xD], $0x1, s25, s13, $0xb8;
	[tilespmem:$0x1EC78] =	vst v63  }
0xf1: {  	s25 =	simm.s32 $0x6  }
0xf2: {  	_ =	swait.ge [sflag:s25], $0x3400  }
0xf3: {  	[sflag:s25] =	ssyncset.done $0x0  }
0xf4: {  	[sflag:s25] =	ssyncadd.s32 $0xFFFFCC00;
	s25 =	simm.s32 $0xF  }
0xf5: {  	_ =	swait.ge [sflag:s25], $0x68  }
0xf6: {  	s20 =	sld [smem:$0x7F8];
	_ =	sdelay $0x1  }
0xf7: {  	[sflag:s25] =	ssyncset.done $0x0  }
0xf8: {  	[sflag:s25] =	ssyncadd.s32 $0xFFFFFF98;
	s25 =	simm.s32 @!p0 $0x1DB78;
	s20 =	sadd.s32 @!p0 s21, s20  }
0xf9: {  	[tilespmem:s25], [sflag:$0x9] =	stream.linear.gather @!p0 [hbm4b:s20+s23], $0x68, $0x38;
	[tilespmem:$0x1EC78] =	vst v63  }
0xfa: {  	s20 =	sld [smem:$0x7F7];
	_ =	sdelay $0x2  }
0xfb: {  	s25 =	simm.s32 @!p0 $0x1DE78;
	s20 =	sadd.s32 @!p0 s21, s20  }
0xfc: {  	[tilespmem:s25], [sflag:$0x9] =	stream.linear.gather @!p0 [hbm4b:s20+s23], $0x68, $0x38;
	[tilespmem:$0x1EC78] =	vst v63  }
0xfd: {  	_ =	swait.ge [sflag:s15], $0x68  }
0xfe: {  	[sflag:s15] =	ssyncset.done $0x0  }
0xff: {  	[sflag:s15] =	ssyncadd.s32 $0xFFFFFF98  }
0x100: {  	_ =	swait.ge [sflag:s15], $0x68  }
0x101: {  	[sflag:s15] =	ssyncset.done $0x0  }
0x102: {  	[sflag:s15] =	ssyncadd.s32 $0xFFFFFF98  }
0x103: {  	[tilespmem:s16], [sflag:$0x3] =	stream.indirect.gather [hbm4b:s3+s13], $0x80, s1, s13, $0xb8;
	[tilespmem:$0x1EC78] =	vst v63  }
0x104: {  	_ =	swait.ge [sflag:s7], $0x3400  }
0x105: {  	[sflag:s7] =	ssyncset.done $0x0  }
0x106: {  	s6 =	simm.s32 $0x17278;
	s25 =	simm.s32 $0x1DF78;
	[sflag:s7] =	ssyncadd.s32 $0xFFFFCC00  }
0x107: {  	[spmem:s4] =	stream.indirect.scatter.add.f32 [tilespmem:s6], [sflag:$0x5], $0x80, s25, s13, $0xb8;
	[tilespmem:$0x1EC78] =	vst v63  }
0x108: {  	_ = 	snop  }
0x109: {  	[spmem:s5] =	stream.indirect.scatter.add.f32 [tilespmem:s24], [sflag:$0xE], $0x1, s25, s13, $0xb8;
	[tilespmem:$0x1EC78] =	vst v63  }
0x10a: {  	_ =	swait.ge [sflag:s29], $0x3400  }
0x10b: {  	[sflag:s29] =	ssyncset.done $0x0  }
0x10c: {  	[sflag:s29] =	ssyncadd.s32 $0xFFFFCC00  }
0x10d: {  	_ =	swait.ge [sflag:s30], $0x68  }
0x10e: {  	[sflag:s30] =	ssyncset.done $0x0;
	s20 =	rddreg [dreg:$0x1f]  }
0x10f: {  	s25 =	simm.s32 @!p0 $0x1DBF8;
	[sflag:s30] =	ssyncadd.s32 $0xFFFFFF98;
	s20 =	sadd.s32 @!p0 s21, s20  }
0x110: {  	[tilespmem:s25], [sflag:$0xA] =	stream.linear.gather @!p0 [hbm4b:s20+s23], $0x68, $0x38;
	[tilespmem:$0x1EC78] =	vst v63  }
0x111: {  	s20 =	rddreg [dreg:$0x1e]  }
0x112: {  	s25 =	simm.s32 @!p0 $0x1DEF8;
	s20 =	sadd.s32 @!p0 s21, s20  }
0x113: {  	[tilespmem:s25], [sflag:$0xA] =	stream.linear.gather @!p0 [hbm4b:s20+s23], $0x68, $0x38;
	[tilespmem:$0x1EC78] =	vst v63  }
0x114: {  	s20 =	simm.s32 @!p0 $0x7  }
0x115: {  	_ =	swait.ge @!p0 [sflag:s20], $0x68  }
0x116: {  	[sflag:s20] =	ssyncset.done @!p0 $0x0  }
0x117: {  	[sflag:s20] =	ssyncadd.s32 @!p0 $0xFFFFFF98  }
0x118: {  	_ =	swait.ge @!p0 [sflag:s20], $0x68  }
0x119: {  	[sflag:s20] =	ssyncset.done @!p0 $0x0  }
0x11a: {  	s23 =	simm.s32 @!p0 $0x13E78;
	[sflag:s20] =	ssyncadd.s32 @!p0 $0xFFFFFF98;
	s20 =	simm.s32 @!p0 $0x68  }
0x11b: {  	[tilespmem:s23], [sflag:$0x1] =	stream.indirect.gather @!p0 [hbm4b:s3+s20], $0x80, s26, s20, $0xb8;
	[tilespmem:$0x1EC78] =	vst v63  }
0x11c: {  	_ =	swait.ge [sflag:s0], $0x3400  }
0x11d: {  	[sflag:s0] =	ssyncset.done $0x0  }
0x11e: {  	[sflag:s0] =	ssyncadd.s32 $0xFFFFCC00  }
0x11f: {  	[spmem:s4] =	stream.indirect.scatter.add.f32 [tilespmem:s16], [sflag:$0x6], $0x80, s12, s13, $0xb8;
	[tilespmem:$0x1EC78] =	vst v63  }
0x120: {  	_ = 	snop  }
0x121: {  	[spmem:s5] =	stream.indirect.scatter.add.f32 [tilespmem:s24], [sflag:$0xF], $0x1, s12, s13, $0xb8;
	[tilespmem:$0x1EC78] =	vst v63  }
0x122: {  	_ =	swait.ge [sflag:s2], $0x3400  }
.Ltmp2:
0x123: {  	[sflag:s2] =	ssyncset.done $0x0;
	(pc) =	sbr.rel @p0 .LBB2_4-.Ltmp2, $4  }
0x124: {  	s28 =	simm.s32 $0x1DD78;
	s22 =	simm.s32 $0x1DE78;
	[sflag:s2] =	ssyncadd.s32 $0xFFFFCC00  }
0x125: {  	s10 =	simm.s32 $0x1DDF8;
	s17 =	simm.s32 $0x13E78;
	_ =	swait.ge [sflag:s8], $0x68  }
0x126: {  	s11 =	simm.s32 $0x1DEF8;
	s14 =	simm.s32 $0x1DC78;
	[sflag:s8] =	ssyncset.done $0x0  }
0x127: {  	s1 =	simm.s32 $0x1DF78;
	s3 =	simm.s32 $0x1E978;
	[sflag:s8] =	ssyncadd.s32 $0xFFFFFF98  }
0x128: {  	s20 =	rddreg [dreg:$0x1d]  }
0x129: {  	s26 =	simm.s32 $0x0;
	s23 =	rddreg [dreg:$0x1c];
	s20 =	sadd.s32 s21, s20  }
0x12a: {  	[tilespmem:s14], [sflag:$0xB] =	stream.linear.gather [hbm4b:s20+s26], $0x68, $0x38;
	[tilespmem:$0x1EC78] =	vst v63  }
0x12b: {  	s25 =	simm.s32 $0x8;
	s20 =	sadd.s32 s21, s23  }
0x12c: {  	[tilespmem:s1], [sflag:$0xB] =	stream.linear.gather [hbm4b:s20+s26], $0x68, $0x38;
	[tilespmem:$0x1EC78] =	vst v63  }
0x12d: {  	_ =	swait.ge [sflag:s25], $0x68  }
0x12e: {  	[sflag:s25] =	ssyncset.done $0x0  }
0x12f: {  	[sflag:s25] =	ssyncadd.s32 $0xFFFFFF98  }
.Ltmp3:
0x130: {  	_ =	swait.ge [sflag:s25], $0x68;
	(pc) =	sbr.rel .LBB2_2-.Ltmp3, $4  }
0x131: {  	s28 =	simm.s32 $0x1DAF8;
	[sflag:s25] =	ssyncset.done $0x0  }
0x132: {  	s19 =	sadd.s32 $0x270, s19;
	s11 =	simm.s32 $0x1DC78;
	[sflag:s25] =	ssyncadd.s32 $0xFFFFFF98  }
0x133: {  	s17 =	simm.s32 $0x17278;
	s21 =	sadd.s32 $0x4E, s21;
	s1 =	rddreg [dreg:$0x0]  }
0x134: {  	[tilespmem:s6], [sflag:$0x2] =	stream.indirect.gather [hbm4b:s1+s13], $0x80, s28, s13, $0xb8;
	[tilespmem:$0x1EC78] =	vst v63  }
.LBB2_5:
0x135: {  	_ =	sfence.sel $0x180000  }
0x136: {  	[bflag:$0x0] =	sbarrier.arrive $0xFFFF  }
0x137: {  	_ =	strace $0x90000047  }
0x138: {  	s0 =	stileid.u32;
	[bflag:$0x2] =	sbarrier.arrive $0xFFFF  }
0x139: {  	p0 =	sne.s32 s0, $0x0;
	s0 =	rddreg [dreg:$0x5]  }
0x13a: {  	s0 =	sadd.s32 @!p0 $0x100000, s0  }
0x13b: {  	[sflag:s0] =	ssyncadd.tile.s32 @!p0 $0x1;
	_ =	shalt  }
.Lfunc_end2:
_tile_overlayer_lowered:
.L_overlay_start_2:
0x13c: {  	(tag) =	ssettag $0x2  }
0x13d: {  	s0 =	rddreg [dreg:$0x0];
	s2 =	stileid.u32  }
0x13e: {  	s1 =	rddreg [dreg:$0x1];
	p0 =	sne.s32 s2, $0x0  }
0x13f: {  	s3 =	rddreg [dreg:$0x2];
	[bflag:$0x3] =	sbarrier.arrive $0xFFFF;
	s2 =	simm.s32 @!p0 $0x1C10  }
0x140: {  	[timem:s3], [sflag:s2] =	dma.local @!p0 [hbm:s0], s1  }
0x141: {  	s0 =	simm.s32 @!p0 $0x10  }
0x142: {  	_ =	swait.ge @!p0 [sflag:s0], s1  }
0x143: {  	s1 =	ssub.s32 @!p0 $0x0, s1;
	[sflag:s0] =	ssyncset.done @!p0 $0x0  }
0x144: {  	[sflag:s0] =	ssyncadd.s32 @!p0 s1  }
0x145: {  	[bflag:$0x3] =	sbarrier.arrive $0xFFFF  }
0x146: {  	_ =	shalt  }

</sc_bundles>
